<compile_context>
chip_gen: v7x
topology: tpu7x:2x2x1
jax: 0.10.2.dev20260603
libtpu: 0.0.44.dev20260713+nightly
codegen_flags: <defaults>
</compile_context>

<pallas_src>
import functools

import jax
import jax.numpy as jnp
from jax import lax
from jax.experimental import pallas as pl
from jax.experimental.pallas import tpu as pltpu
from jax.experimental.pallas import tpu_sc as plsc

N_MODELS = 64
IN_F = 6
OUT_F = 3
HID = 64
N_PTS = 16384
NUM_ANGLE = 8
NUM_HEIGHT = 8
MAX_H = 1.0
MIN_H = -3.0

TILE = 256
GRID = N_PTS // TILE
SUB = 4
RGRID = GRID // SUB
RSUB = 8
RGRID2 = GRID // RSUB
TS = 256
CAP = N_PTS + N_MODELS * TS
CGRID = CAP // TS
MSUB = 8
MGRID = CGRID // MSUB
ROW = 128
XF = 8

NC, NS = 2, 16
NW = NC * NS
PW = N_PTS // NW
KCH = PW // 128


def _routing_bins_row(xr):
    xx = xr[0:1, :]
    yy = xr[1:2, :]
    hh = xr[2:3, :]
    angle = jnp.arctan2(yy, xx)
    af = jnp.clip(jnp.floor((angle + jnp.pi) / (2.0 * jnp.pi) * NUM_ANGLE),
                  0.0, NUM_ANGLE - 1.0)
    hf = jnp.clip(jnp.floor((hh - MIN_H) / (MAX_H - MIN_H) * NUM_HEIGHT),
                  0.0, NUM_HEIGHT - 1.0)
    return af * NUM_HEIGHT + hf


def _routing_bins_lanes(xr):
    return jnp.transpose(_routing_bins_row(xr)).astype(jnp.int32)


def _one_hot(idx):
    eio = lax.broadcasted_iota(jnp.int32, (TILE, N_MODELS), 1)
    return (eio == idx).astype(jnp.float32)


def _counts_kernel(xr_ref, counts_ref, xp_ref):
    t = pl.program_id(0)
    for j in range(SUB):
        idx = _routing_bins_lanes(xr_ref[:, pl.ds(j * TILE, TILE)])
        oh = _one_hot(idx)
        counts_ref[pl.ds(t * SUB + j, 1), :] = (
            jnp.sum(oh, axis=0, keepdims=True).astype(jnp.int32))
    xt = jnp.transpose(xr_ref[...])
    xp_ref[...] = jnp.concatenate(
        [xt, jnp.zeros((SUB * TILE, ROW - 8), jnp.float32)], axis=1)


def _route_kernel(xr_ref, counts_ref, idx_ref, oh_ref, dest_ref, te_ref,
                  off_s, tp_s, te_s, lt_s):
    t = pl.program_id(0)

    @pl.when(t == 0)
    def _():
        ri = lax.broadcasted_iota(jnp.int32, (TILE, TILE), 0)
        ci = lax.broadcasted_iota(jnp.int32, (TILE, TILE), 1)
        lt_s[...] = (ci < ri).astype(jnp.float32)

        cf = counts_ref[...].astype(jnp.float32)
        r64 = lax.broadcasted_iota(jnp.int32, (GRID, N_MODELS), 0)
        c64 = lax.broadcasted_iota(jnp.int32, (GRID, N_MODELS), 1)
        ltri = (c64 < r64).astype(jnp.float32)
        tp_s[...] = jnp.dot(ltri, cf, preferred_element_type=jnp.float32)
        totals = jnp.sum(cf, axis=0, keepdims=True).astype(jnp.int32)
        caps = ((totals + (TS - 1)) // TS) * TS
        utri = (r64 < c64).astype(jnp.float32)
        off = jnp.dot(caps.astype(jnp.float32), utri,
                      preferred_element_type=jnp.float32)
        off_s[...] = off
        ends = off.astype(jnp.int32) + caps
        ttpos = lax.broadcasted_iota(jnp.int32, (CGRID, N_MODELS), 0) * TS
        tecnt = jnp.sum((ends <= ttpos).astype(jnp.int32), axis=1, keepdims=True)
        te_s[...] = jnp.minimum(tecnt, N_MODELS - 1)

    te_ref[...] = te_s[...]
    lt = lt_s[...]
    idx_rows = []
    dest_rows = []
    for j in range(RSUB):
        idxr = _routing_bins_row(xr_ref[:, pl.ds(j * TILE, TILE)])
        idx_rows.append(idxr)
        idx = jnp.transpose(idxr).astype(jnp.int32)
        oh = _one_hot(idx)
        oh_ref[pl.ds(j * TILE, TILE), :] = oh
        cum = jnp.dot(lt, oh, preferred_element_type=jnp.float32)
        base = off_s[...] + tp_s[pl.ds(t * RSUB + j, 1), :]
        dest = jnp.sum((cum + base) * oh, axis=1, keepdims=True)
        dest_rows.append(jnp.transpose(dest))
    idx_ref[...] = jnp.concatenate(idx_rows, axis=0).astype(jnp.int32)
    dest_ref[...] = jnp.concatenate(dest_rows, axis=0).astype(jnp.int32)


def _sc_scatter(x_hbm, d_hbm, xs_hbm, idx_v, rows_v, seml, sem):
    wid = lax.axis_index("s") * NC + lax.axis_index("c")
    base = wid * PW
    lds = [pltpu.async_copy(x_hbm.at[pl.ds(base + k * 128, 128)],
                            rows_v.at[pl.ds(k * 128, 128)], seml)
           for k in range(KCH)]
    pltpu.sync_copy(d_hbm.at[wid], idx_v)
    cps = []
    for k in range(KCH):
        lds[k].wait()
        cps.append(pltpu.async_copy(rows_v.at[pl.ds(k * 128, 128)],
                                    xs_hbm.at[idx_v.at[k]], sem))
    for cp in cps:
        cp.wait()


def _sc_gather(ys_hbm, d_hbm, out_hbm, idx_v, rows_v, seml, sem):
    wid = lax.axis_index("s") * NC + lax.axis_index("c")
    base = wid * PW
    pltpu.sync_copy(d_hbm.at[wid], idx_v)
    cps = [pltpu.async_copy(ys_hbm.at[idx_v.at[k]],
                            rows_v.at[pl.ds(k * 128, 128)], sem)
           for k in range(KCH)]
    wrs = []
    for k in range(KCH):
        cps[k].wait()
        wrs.append(pltpu.async_copy(
            rows_v.at[pl.ds(k * 128, 128)],
            out_hbm.at[pl.ds(base + k * 128, 128)], seml))
    for wr in wrs:
        wr.wait()


def _sc_mesh():
    return plsc.VectorSubcoreMesh(core_axis_name="c", subcore_axis_name="s",
                                  num_cores=NC, num_subcores=NS)


def _scatter_rows(xp, dest3):
    return pl.kernel(
        _sc_scatter,
        out_type=jax.ShapeDtypeStruct((CAP, ROW), jnp.float32),
        mesh=_sc_mesh(),
        scratch_types=[
            pltpu.VMEM((KCH, 128), jnp.int32),
            pltpu.VMEM((PW, ROW), jnp.float32),
            pltpu.SemaphoreType.DMA,
            pltpu.SemaphoreType.DMA,
        ],
    )(xp, dest3)


def _gather_rows(ys, dest3):
    return pl.kernel(
        _sc_gather,
        out_type=jax.ShapeDtypeStruct((N_PTS, ROW), jnp.float32),
        mesh=_sc_mesh(),
        scratch_types=[
            pltpu.VMEM((KCH, 128), jnp.int32),
            pltpu.VMEM((PW, ROW), jnp.float32),
            pltpu.SemaphoreType.DMA,
            pltpu.SemaphoreType.DMA,
        ],
    )(ys, dest3)


def _dgT(h, w):
    return lax.dot_general(h, w, (((1,), (1,)), ((), ())),
                           preferred_element_type=jnp.float32)


def _mlp_kernel(te_ref, xs_ref, w0_ref, w1_ref, w2_ref, w3_ref, w4_ref,
                bh_ref, b4_ref, out_ref):
    t = pl.program_id(0)
    es = [te_ref[t * MSUB + j] for j in range(MSUB)]
    hs = [xs_ref[pl.ds(j * TS, TS), pl.ds(0, XF)] for j in range(MSUB)]
    hs = [jnp.maximum(_dgT(h, w0_ref[e]) + bh_ref[e, 0:1, :], 0.0)
          for h, e in zip(hs, es)]
    for l, w_ref in enumerate((w1_ref, w2_ref, w3_ref)):
        hs = [jnp.maximum(_dgT(h, w_ref[e]) + bh_ref[e, l + 1:l + 2, :], 0.0)
              for h, e in zip(hs, es)]
    for j, (h, e) in enumerate(zip(hs, es)):
        y = _dgT(h, w4_ref[e]) + b4_ref[pl.ds(e, 1), :]
        out_ref[pl.ds(j * TS, TS), pl.ds(0, XF)] = y


@jax.jit
def kernel(x, W0, b0, W1, b1, W2, b2, W3, b3, W4, b4):
    f32 = jnp.float32
    xr = jnp.pad(x.T, ((0, 2), (0, 0)))

    counts, xp = pl.pallas_call(
        _counts_kernel,
        grid=(RGRID,),
        in_specs=[pl.BlockSpec((8, SUB * TILE), lambda t: (0, t))],
        out_specs=[
            pl.BlockSpec((GRID, N_MODELS), lambda t: (0, 0)),
            pl.BlockSpec((SUB * TILE, ROW), lambda t: (t, 0)),
        ],
        out_shape=[
            jax.ShapeDtypeStruct((GRID, N_MODELS), jnp.int32),
            jax.ShapeDtypeStruct((N_PTS, ROW), f32),
        ],
        compiler_params=pltpu.CompilerParams(
            dimension_semantics=("arbitrary",)),
    )(xr)

    idx1, oh, dest, te = pl.pallas_call(
        _route_kernel,
        grid=(RGRID2,),
        in_specs=[
            pl.BlockSpec((8, RSUB * TILE), lambda t: (0, t)),
            pl.BlockSpec((GRID, N_MODELS), lambda t: (0, 0)),
        ],
        out_specs=[
            pl.BlockSpec((RSUB, TILE), lambda t: (t, 0)),
            pl.BlockSpec((RSUB * TILE, N_MODELS), lambda t: (t, 0)),
            pl.BlockSpec((RSUB, TILE), lambda t: (t, 0)),
            pl.BlockSpec((CGRID, 1), lambda t: (0, 0)),
        ],
        out_shape=[
            jax.ShapeDtypeStruct((GRID, TILE), jnp.int32),
            jax.ShapeDtypeStruct((N_PTS, N_MODELS), f32),
            jax.ShapeDtypeStruct((GRID, TILE), jnp.int32),
            jax.ShapeDtypeStruct((CGRID, 1), jnp.int32),
        ],
        scratch_shapes=[
            pltpu.VMEM((1, N_MODELS), f32),
            pltpu.VMEM((GRID, N_MODELS), f32),
            pltpu.VMEM((CGRID, 1), jnp.int32),
            pltpu.VMEM((TILE, TILE), f32),
        ],
        compiler_params=pltpu.CompilerParams(
            dimension_semantics=("arbitrary",)),
    )(xr, counts)

    dest3 = dest.reshape(NW, KCH, 128)
    xs = _scatter_rows(xp, dest3)

    w0 = jnp.pad(W0, ((0, 0), (0, 0), (0, XF - IN_F)))
    w4 = jnp.pad(W4, ((0, 0), (0, XF - OUT_F), (0, 0)))
    bh = jnp.stack([b0, b1, b2, b3], axis=1)
    b4p = jnp.pad(b4, ((0, 0), (0, XF - OUT_F)))

    cmap2 = lambda t, te_r: (0, 0)
    cmap3 = lambda t, te_r: (0, 0, 0)
    ys = pl.pallas_call(
        _mlp_kernel,
        grid_spec=pltpu.PrefetchScalarGridSpec(
            num_scalar_prefetch=1,
            grid=(MGRID,),
            in_specs=[
                pl.BlockSpec((MSUB * TS, ROW), lambda t, te_r: (t, 0)),
                pl.BlockSpec((N_MODELS, HID, XF), cmap3),
                pl.BlockSpec((N_MODELS, HID, HID), cmap3),
                pl.BlockSpec((N_MODELS, HID, HID), cmap3),
                pl.BlockSpec((N_MODELS, HID, HID), cmap3),
                pl.BlockSpec((N_MODELS, XF, HID), cmap3),
                pl.BlockSpec((N_MODELS, 4, HID), cmap3),
                pl.BlockSpec((N_MODELS, XF), cmap2),
            ],
            out_specs=pl.BlockSpec((MSUB * TS, ROW), lambda t, te_r: (t, 0)),
        ),
        out_shape=jax.ShapeDtypeStruct((CAP, ROW), f32),
        compiler_params=pltpu.CompilerParams(
            dimension_semantics=("arbitrary",)),
    )(te.reshape(CGRID), xs, w0, W1, W2, W3, w4, bh, b4p)

    outg = _gather_rows(ys, dest3)

    out = outg[:, :OUT_F]
    idx = idx1.reshape(N_PTS)
    return (out, out, idx, oh, oh)

# --- scband reference (transcript-rebuilt; emitter-appended) ---
"""Pipeline reference for scband-multi-model-mlp-14723147890777 (READ-ONLY COPY).

The authoritative reference and input builder live on the scoring server;
editing this copy changes nothing except your own understanding.
"""

import jax, jax.numpy as jnp
import numpy as np

N_MODELS = 64
IN_F = 6
OUT_F = 3
HID = 64
N_PTS = 16384
NUM_ANGLE = 8
NUM_HEIGHT = 8
MAX_H = 1.0
MIN_H = -3.0


def setup_inputs(seed: int = 0) -> dict:
    key = jax.random.key(seed)
    ks = jax.random.split(key, 11)
    sqrt_k = np.sqrt(1.0 / N_MODELS)

    def u(k, shape):
        return 2.0 * sqrt_k * jax.random.uniform(k, shape, dtype=jnp.float32) - sqrt_k

    inp = {"x": jax.random.normal(ks[0], (N_PTS, IN_F), dtype=jnp.float32)}
    dims = [(IN_F, HID), (HID, HID), (HID, HID), (HID, HID), (HID, OUT_F)]
    for i, (di, do) in enumerate(dims):
        inp[f"W{i}"] = u(ks[1 + 2 * i], (N_MODELS, do, di))
        inp[f"b{i}"] = u(ks[2 + 2 * i], (N_MODELS, do))
    return inp


def _select_angle(x):
    # cylinder-coordinate routing: angle bin (xy plane) x height bin (z)
    angle = jnp.arctan2(x[:, 1], x[:, 0])  # [-pi, pi]
    a_bin = jnp.clip(
        jnp.floor((angle + jnp.pi) / (2.0 * jnp.pi) * NUM_ANGLE).astype(jnp.int32),
        0, NUM_ANGLE - 1)
    h = x[:, 2]
    h_bin = jnp.clip(
        jnp.floor((h - MIN_H) / (MAX_H - MIN_H) * NUM_HEIGHT).astype(jnp.int32),
        0, NUM_HEIGHT - 1)
    return a_bin * NUM_HEIGHT + h_bin


def _mm_linear(h, W, b, idx):
    # MultiModelLinear with per-sample model indices:
    # weights = W[indices]; out = matmul(weights, h[:, :, None])[:, :, 0] + biases
    Wg = jnp.take(W, idx, axis=0)   # [N, out, in] gather
    bg = jnp.take(b, idx, axis=0)   # [N, out]
    return jnp.einsum('noi,ni->no', Wg, h) + bg


def reference(x, W0, b0, W1, b1, W2, b2, W3, b3, W4, b4):
    idx = _select_angle(x)
    selection_logits = jax.nn.one_hot(idx, N_MODELS, dtype=jnp.float32)
    selection_probs = selection_logits
    h = x
    for W, b in ((W0, b0), (W1, b1), (W2, b2), (W3, b3)):
        h = jax.nn.relu(_mm_linear(h, W, b, idx))
    out = _mm_linear(h, W4, b4, idx)
    # (model_output, top_outputs, selection_indices, selection_logits, selection_probabilities)
    return (out, out, idx, selection_logits, selection_probs)

if __name__ == "__main__":
    import jax
    _d = setup_inputs()
    print(jax.jit(kernel)(*tuple(_d.values())))

</pallas_src>

<mosaic_0001>
#map = affine_map<(d0, d1) -> (0, 0)>
#map1 = affine_map<(d0, d1) -> (0, 0, 0)>
module attributes {stable_mosaic.version = 14 : i64} {
  func.func @_sc_scatter(%arg0: i32, %arg1: i32, %arg2: memref<16384x128xf32, #tpu.memory_space<hbm>>, %arg3: memref<32x4x128xi32, #tpu.memory_space<hbm>>, %arg4: memref<32768x128xf32, #tpu.memory_space<hbm>>, %arg5: memref<4x128xi32, #tpu.memory_space<vmem>>, %arg6: memref<512x128xf32, #tpu.memory_space<vmem>>, %arg7: memref<!tpu.dma_semaphore, #tpu.memory_space<semaphore_mem>>, %arg8: memref<!tpu.dma_semaphore, #tpu.memory_space<semaphore_mem>>) attributes {dimension_semantics = [#tpu.dimension_semantics<core_parallel>, #tpu.dimension_semantics<subcore_parallel>], iteration_bounds = array<i64: 2, 16>, scalar_prefetch = 0 : i64, scratch_operands = 4 : i64, tpu.core_type = #tpu.core_type<sc_vector_subcore>, window_params = [{transform_indices = #map}, {transform_indices = #map1}, {transform_indices = #map}]} {
    %mul3A = arith.constant 2 : i32
    %mul3A_0 = arith.muli %arg1, %mul3A : i32
    %add3A = arith.addi %mul3A_0, %arg0 : i32
    %mul3A_1 = arith.constant 512 : i32
    %mul3A_2 = arith.muli %add3A, %mul3A_1 : i32
    %add3A_3 = arith.constant 0 : i32
    %add3A_4 = arith.addi %mul3A_2, %add3A_3 : i32
    %dma_start3A = arith.constant 0 : i32
    %dma_start3A_5 = arith.constant 0 : i32
    %dma_start3A_6 = tpu.memref_slice %arg6[%dma_start3A, %dma_start3A_5] : memref<512x128xf32, #tpu.memory_space<vmem>> -> memref<128x128xf32, #tpu.memory_space<vmem>>
    %dma_start3A_7 = arith.constant 0 : i32
    %dma_start3A_8 = tpu.memref_slice %arg2[%add3A_4, %dma_start3A_7] : memref<16384x128xf32, #tpu.memory_space<hbm>> -> memref<128x128xf32, #tpu.memory_space<hbm>>
    %dma_start3A_9 = arith.constant 0 : i32
    %dma_start3A_10 = arith.constant 0 : i32
    %dma_start3A_11 = tpu.memref_slice %arg6[%dma_start3A_9, %dma_start3A_10] : memref<512x128xf32, #tpu.memory_space<vmem>> -> memref<128x128xf32, #tpu.memory_space<vmem>>
    %dma_start3A_12 = arith.constant 0 : i32
    %dma_start3A_13 = tpu.memref_slice %arg2[%add3A_4, %dma_start3A_12] : memref<16384x128xf32, #tpu.memory_space<hbm>> -> memref<128x128xf32, #tpu.memory_space<hbm>>
    tpu.enqueue_dma source(%dma_start3A_13 : memref<128x128xf32, #tpu.memory_space<hbm>>) target(%dma_start3A_11 : memref<128x128xf32, #tpu.memory_space<vmem>>) target_semaphore(%arg7 : memref<!tpu.dma_semaphore, #tpu.memory_space<semaphore_mem>>)
    %add3A_14 = arith.constant 128 : i32
    %add3A_15 = arith.addi %mul3A_2, %add3A_14 : i32
    %dma_start3A_16 = arith.constant 128 : i32
    %dma_start3A_17 = arith.constant 0 : i32
    %dma_start3A_18 = tpu.memref_slice %arg6[%dma_start3A_16, %dma_start3A_17] : memref<512x128xf32, #tpu.memory_space<vmem>> -> memref<128x128xf32, #tpu.memory_space<vmem>>
    %dma_start3A_19 = arith.constant 0 : i32
    %dma_start3A_20 = tpu.memref_slice %arg2[%add3A_15, %dma_start3A_19] : memref<16384x128xf32, #tpu.memory_space<hbm>> -> memref<128x128xf32, #tpu.memory_space<hbm>>
    %dma_start3A_21 = arith.constant 128 : i32
    %dma_start3A_22 = arith.constant 0 : i32
    %dma_start3A_23 = tpu.memref_slice %arg6[%dma_start3A_21, %dma_start3A_22] : memref<512x128xf32, #tpu.memory_space<vmem>> -> memref<128x128xf32, #tpu.memory_space<vmem>>
    %dma_start3A_24 = arith.constant 0 : i32
    %dma_start3A_25 = tpu.memref_slice %arg2[%add3A_15, %dma_start3A_24] : memref<16384x128xf32, #tpu.memory_space<hbm>> -> memref<128x128xf32, #tpu.memory_space<hbm>>
    tpu.enqueue_dma source(%dma_start3A_25 : memref<128x128xf32, #tpu.memory_space<hbm>>) target(%dma_start3A_23 : memref<128x128xf32, #tpu.memory_space<vmem>>) target_semaphore(%arg7 : memref<!tpu.dma_semaphore, #tpu.memory_space<semaphore_mem>>)
    %add3A_26 = arith.constant 256 : i32
    %add3A_27 = arith.addi %mul3A_2, %add3A_26 : i32
    %dma_start3A_28 = arith.constant 256 : i32
    %dma_start3A_29 = arith.constant 0 : i32
    %dma_start3A_30 = tpu.memref_slice %arg6[%dma_start3A_28, %dma_start3A_29] : memref<512x128xf32, #tpu.memory_space<vmem>> -> memref<128x128xf32, #tpu.memory_space<vmem>>
    %dma_start3A_31 = arith.constant 0 : i32
    %dma_start3A_32 = tpu.memref_slice %arg2[%add3A_27, %dma_start3A_31] : memref<16384x128xf32, #tpu.memory_space<hbm>> -> memref<128x128xf32, #tpu.memory_space<hbm>>
    %dma_start3A_33 = arith.constant 256 : i32
    %dma_start3A_34 = arith.constant 0 : i32
    %dma_start3A_35 = tpu.memref_slice %arg6[%dma_start3A_33, %dma_start3A_34] : memref<512x128xf32, #tpu.memory_space<vmem>> -> memref<128x128xf32, #tpu.memory_space<vmem>>
    %dma_start3A_36 = arith.constant 0 : i32
    %dma_start3A_37 = tpu.memref_slice %arg2[%add3A_27, %dma_start3A_36] : memref<16384x128xf32, #tpu.memory_space<hbm>> -> memref<128x128xf32, #tpu.memory_space<hbm>>
    tpu.enqueue_dma source(%dma_start3A_37 : memref<128x128xf32, #tpu.memory_space<hbm>>) target(%dma_start3A_35 : memref<128x128xf32, #tpu.memory_space<vmem>>) target_semaphore(%arg7 : memref<!tpu.dma_semaphore, #tpu.memory_space<semaphore_mem>>)
    %add3A_38 = arith.constant 384 : i32
    %add3A_39 = arith.addi %mul3A_2, %add3A_38 : i32
    %dma_start3A_40 = arith.constant 384 : i32
    %dma_start3A_41 = arith.constant 0 : i32
    %dma_start3A_42 = tpu.memref_slice %arg6[%dma_start3A_40, %dma_start3A_41] : memref<512x128xf32, #tpu.memory_space<vmem>> -> memref<128x128xf32, #tpu.memory_space<vmem>>
    %dma_start3A_43 = arith.constant 0 : i32
    %dma_start3A_44 = tpu.memref_slice %arg2[%add3A_39, %dma_start3A_43] : memref<16384x128xf32, #tpu.memory_space<hbm>> -> memref<128x128xf32, #tpu.memory_space<hbm>>
    %dma_start3A_45 = arith.constant 384 : i32
    %dma_start3A_46 = arith.constant 0 : i32
    %dma_start3A_47 = tpu.memref_slice %arg6[%dma_start3A_45, %dma_start3A_46] : memref<512x128xf32, #tpu.memory_space<vmem>> -> memref<128x128xf32, #tpu.memory_space<vmem>>
    %dma_start3A_48 = arith.constant 0 : i32
    %dma_start3A_49 = tpu.memref_slice %arg2[%add3A_39, %dma_start3A_48] : memref<16384x128xf32, #tpu.memory_space<hbm>> -> memref<128x128xf32, #tpu.memory_space<hbm>>
    tpu.enqueue_dma source(%dma_start3A_49 : memref<128x128xf32, #tpu.memory_space<hbm>>) target(%dma_start3A_47 : memref<128x128xf32, #tpu.memory_space<vmem>>) target_semaphore(%arg7 : memref<!tpu.dma_semaphore, #tpu.memory_space<semaphore_mem>>)
    "tpu.region"() ({
      %run_scoped3A = tpu.sem_alloc : memref<!tpu.dma_semaphore, #tpu.memory_space<semaphore_mem>>
      %dma_start3A_169 = arith.constant 0 : i32
      %dma_start3A_170 = arith.constant 0 : i32
      %dma_start3A_171 = tpu.memref_slice %arg3[%add3A, %dma_start3A_169, %dma_start3A_170] : memref<32x4x128xi32, #tpu.memory_space<hbm>> -> memref<1x4x128xi32, #tpu.memory_space<hbm>>
      %dma_start3A_172 = tpu.memref_squeeze %dma_start3A_171 : memref<1x4x128xi32, #tpu.memory_space<hbm>> -> memref<4x128xi32, #tpu.memory_space<hbm>>
      %dma_start3A_173 = arith.constant 0 : i32
      %dma_start3A_174 = arith.constant 0 : i32
      %dma_start3A_175 = tpu.memref_slice %arg3[%add3A, %dma_start3A_173, %dma_start3A_174] : memref<32x4x128xi32, #tpu.memory_space<hbm>> -> memref<1x4x128xi32, #tpu.memory_space<hbm>>
      %dma_start3A_176 = tpu.memref_squeeze %dma_start3A_175 : memref<1x4x128xi32, #tpu.memory_space<hbm>> -> memref<4x128xi32, #tpu.memory_space<hbm>>
      tpu.enqueue_dma source(%dma_start3A_176 : memref<4x128xi32, #tpu.memory_space<hbm>>) target(%arg5 : memref<4x128xi32, #tpu.memory_space<vmem>>) target_semaphore(%run_scoped3A : memref<!tpu.dma_semaphore, #tpu.memory_space<semaphore_mem>>)
      %dma_wait3A_177 = arith.constant 0 : i32
      %dma_wait3A_178 = arith.constant 0 : i32
      %dma_wait3A_179 = tpu.memref_slice %arg3[%add3A, %dma_wait3A_177, %dma_wait3A_178] : memref<32x4x128xi32, #tpu.memory_space<hbm>> -> memref<1x4x128xi32, #tpu.memory_space<hbm>>
      %dma_wait3A_180 = tpu.memref_squeeze %dma_wait3A_179 : memref<1x4x128xi32, #tpu.memory_space<hbm>> -> memref<4x128xi32, #tpu.memory_space<hbm>>
      %dma_wait3A_181 = arith.constant 0 : i32
      %dma_wait3A_182 = arith.constant 0 : i32
      %dma_wait3A_183 = tpu.memref_slice %arg3[%add3A, %dma_wait3A_181, %dma_wait3A_182] : memref<32x4x128xi32, #tpu.memory_space<hbm>> -> memref<1x4x128xi32, #tpu.memory_space<hbm>>
      %dma_wait3A_184 = tpu.memref_squeeze %dma_wait3A_183 : memref<1x4x128xi32, #tpu.memory_space<hbm>> -> memref<4x128xi32, #tpu.memory_space<hbm>>
      tpu.wait_dma2 semaphore(%run_scoped3A : memref<!tpu.dma_semaphore, #tpu.memory_space<semaphore_mem>>) src(%dma_wait3A_184 : memref<4x128xi32, #tpu.memory_space<hbm>>) dst(%arg5 : memref<4x128xi32, #tpu.memory_space<vmem>>)
      tpu.yield
    }) : () -> ()
    %dma_wait3A = arith.constant 0 : i32
    %dma_wait3A_50 = arith.constant 0 : i32
    %dma_wait3A_51 = tpu.memref_slice %arg6[%dma_wait3A, %dma_wait3A_50] : memref<512x128xf32, #tpu.memory_space<vmem>> -> memref<128x128xf32, #tpu.memory_space<vmem>>
    %dma_wait3A_52 = arith.constant 0 : i32
    %dma_wait3A_53 = tpu.memref_slice %arg2[%add3A_4, %dma_wait3A_52] : memref<16384x128xf32, #tpu.memory_space<hbm>> -> memref<128x128xf32, #tpu.memory_space<hbm>>
    %dma_wait3A_54 = arith.constant 0 : i32
    %dma_wait3A_55 = arith.constant 0 : i32
    %dma_wait3A_56 = tpu.memref_slice %arg6[%dma_wait3A_54, %dma_wait3A_55] : memref<512x128xf32, #tpu.memory_space<vmem>> -> memref<128x128xf32, #tpu.memory_space<vmem>>
    %dma_wait3A_57 = arith.constant 0 : i32
    %dma_wait3A_58 = tpu.memref_slice %arg2[%add3A_4, %dma_wait3A_57] : memref<16384x128xf32, #tpu.memory_space<hbm>> -> memref<128x128xf32, #tpu.memory_space<hbm>>
    tpu.wait_dma2 semaphore(%arg7 : memref<!tpu.dma_semaphore, #tpu.memory_space<semaphore_mem>>) src(%dma_wait3A_58 : memref<128x128xf32, #tpu.memory_space<hbm>>) dst(%dma_wait3A_56 : memref<128x128xf32, #tpu.memory_space<vmem>>)
    %dma_start3A_59 = arith.constant 0 : i32
    %dma_start3A_60 = arith.constant 0 : i32
    %dma_start3A_61 = arith.constant 0 : i32
    %dma_start3A_62 = tpu.memref_slice %arg6[%dma_start3A_60, %dma_start3A_61] : memref<512x128xf32, #tpu.memory_space<vmem>> -> memref<128x128xf32, #tpu.memory_space<vmem>>
    %dma_start3A_63 = arith.constant 0 : i32
    %dma_start3A_64 = tpu.memref_slice %arg5[%dma_start3A_59, %dma_start3A_63] : memref<4x128xi32, #tpu.memory_space<vmem>> -> memref<1x128xi32, #tpu.memory_space<vmem>>
    %dma_start3A_65 = tpu.memref_squeeze %dma_start3A_64 : memref<1x128xi32, #tpu.memory_space<vmem>> -> memref<128xi32, #tpu.memory_space<vmem>>
    %dma_start3A_66 = arith.constant 0 : i32
    %dma_start3A_67 = arith.constant 0 : i32
    %dma_start3A_68 = tpu.memref_slice %arg4[%dma_start3A_66, %dma_start3A_67] : memref<32768x128xf32, #tpu.memory_space<hbm>> -> memref<32768x128xf32, #tpu.memory_space<hbm>>
    tpu.enqueue_indirect_dma source(%dma_start3A_62 : memref<128x128xf32, #tpu.memory_space<vmem>>) target(%dma_start3A_68 : memref<32768x128xf32, #tpu.memory_space<hbm>>) offsets(%dma_start3A_65 : memref<128xi32, #tpu.memory_space<vmem>>) semaphore(%arg8 : memref<!tpu.dma_semaphore, #tpu.memory_space<semaphore_mem>>)
    %dma_wait3A_69 = arith.constant 128 : i32
    %dma_wait3A_70 = arith.constant 0 : i32
    %dma_wait3A_71 = tpu.memref_slice %arg6[%dma_wait3A_69, %dma_wait3A_70] : memref<512x128xf32, #tpu.memory_space<vmem>> -> memref<128x128xf32, #tpu.memory_space<vmem>>
    %dma_wait3A_72 = arith.constant 0 : i32
    %dma_wait3A_73 = tpu.memref_slice %arg2[%add3A_15, %dma_wait3A_72] : memref<16384x128xf32, #tpu.memory_space<hbm>> -> memref<128x128xf32, #tpu.memory_space<hbm>>
    %dma_wait3A_74 = arith.constant 128 : i32
    %dma_wait3A_75 = arith.constant 0 : i32
    %dma_wait3A_76 = tpu.memref_slice %arg6[%dma_wait3A_74, %dma_wait3A_75] : memref<512x128xf32, #tpu.memory_space<vmem>> -> memref<128x128xf32, #tpu.memory_space<vmem>>
    %dma_wait3A_77 = arith.constant 0 : i32
    %dma_wait3A_78 = tpu.memref_slice %arg2[%add3A_15, %dma_wait3A_77] : memref<16384x128xf32, #tpu.memory_space<hbm>> -> memref<128x128xf32, #tpu.memory_space<hbm>>
    tpu.wait_dma2 semaphore(%arg7 : memref<!tpu.dma_semaphore, #tpu.memory_space<semaphore_mem>>) src(%dma_wait3A_78 : memref<128x128xf32, #tpu.memory_space<hbm>>) dst(%dma_wait3A_76 : memref<128x128xf32, #tpu.memory_space<vmem>>)
    %dma_start3A_79 = arith.constant 1 : i32
    %dma_start3A_80 = arith.constant 128 : i32
    %dma_start3A_81 = arith.constant 0 : i32
    %dma_start3A_82 = tpu.memref_slice %arg6[%dma_start3A_80, %dma_start3A_81] : memref<512x128xf32, #tpu.memory_space<vmem>> -> memref<128x128xf32, #tpu.memory_space<vmem>>
    %dma_start3A_83 = arith.constant 0 : i32
    %dma_start3A_84 = tpu.memref_slice %arg5[%dma_start3A_79, %dma_start3A_83] : memref<4x128xi32, #tpu.memory_space<vmem>> -> memref<1x128xi32, #tpu.memory_space<vmem>>
    %dma_start3A_85 = tpu.memref_squeeze %dma_start3A_84 : memref<1x128xi32, #tpu.memory_space<vmem>> -> memref<128xi32, #tpu.memory_space<vmem>>
    %dma_start3A_86 = arith.constant 0 : i32
    %dma_start3A_87 = arith.constant 0 : i32
    %dma_start3A_88 = tpu.memref_slice %arg4[%dma_start3A_86, %dma_start3A_87] : memref<32768x128xf32, #tpu.memory_space<hbm>> -> memref<32768x128xf32, #tpu.memory_space<hbm>>
    tpu.enqueue_indirect_dma source(%dma_start3A_82 : memref<128x128xf32, #tpu.memory_space<vmem>>) target(%dma_start3A_88 : memref<32768x128xf32, #tpu.memory_space<hbm>>) offsets(%dma_start3A_85 : memref<128xi32, #tpu.memory_space<vmem>>) semaphore(%arg8 : memref<!tpu.dma_semaphore, #tpu.memory_space<semaphore_mem>>)
    %dma_wait3A_89 = arith.constant 256 : i32
    %dma_wait3A_90 = arith.constant 0 : i32
    %dma_wait3A_91 = tpu.memref_slice %arg6[%dma_wait3A_89, %dma_wait3A_90] : memref<512x128xf32, #tpu.memory_space<vmem>> -> memref<128x128xf32, #tpu.memory_space<vmem>>
    %dma_wait3A_92 = arith.constant 0 : i32
    %dma_wait3A_93 = tpu.memref_slice %arg2[%add3A_27, %dma_wait3A_92] : memref<16384x128xf32, #tpu.memory_space<hbm>> -> memref<128x128xf32, #tpu.memory_space<hbm>>
    %dma_wait3A_94 = arith.constant 256 : i32
    %dma_wait3A_95 = arith.constant 0 : i32
    %dma_wait3A_96 = tpu.memref_slice %arg6[%dma_wait3A_94, %dma_wait3A_95] : memref<512x128xf32, #tpu.memory_space<vmem>> -> memref<128x128xf32, #tpu.memory_space<vmem>>
    %dma_wait3A_97 = arith.constant 0 : i32
    %dma_wait3A_98 = tpu.memref_slice %arg2[%add3A_27, %dma_wait3A_97] : memref<16384x128xf32, #tpu.memory_space<hbm>> -> memref<128x128xf32, #tpu.memory_space<hbm>>
    tpu.wait_dma2 semaphore(%arg7 : memref<!tpu.dma_semaphore, #tpu.memory_space<semaphore_mem>>) src(%dma_wait3A_98 : memref<128x128xf32, #tpu.memory_space<hbm>>) dst(%dma_wait3A_96 : memref<128x128xf32, #tpu.memory_space<vmem>>)
    %dma_start3A_99 = arith.constant 2 : i32
    %dma_start3A_100 = arith.constant 256 : i32
    %dma_start3A_101 = arith.constant 0 : i32
    %dma_start3A_102 = tpu.memref_slice %arg6[%dma_start3A_100, %dma_start3A_101] : memref<512x128xf32, #tpu.memory_space<vmem>> -> memref<128x128xf32, #tpu.memory_space<vmem>>
    %dma_start3A_103 = arith.constant 0 : i32
    %dma_start3A_104 = tpu.memref_slice %arg5[%dma_start3A_99, %dma_start3A_103] : memref<4x128xi32, #tpu.memory_space<vmem>> -> memref<1x128xi32, #tpu.memory_space<vmem>>
    %dma_start3A_105 = tpu.memref_squeeze %dma_start3A_104 : memref<1x128xi32, #tpu.memory_space<vmem>> -> memref<128xi32, #tpu.memory_space<vmem>>
    %dma_start3A_106 = arith.constant 0 : i32
    %dma_start3A_107 = arith.constant 0 : i32
    %dma_start3A_108 = tpu.memref_slice %arg4[%dma_start3A_106, %dma_start3A_107] : memref<32768x128xf32, #tpu.memory_space<hbm>> -> memref<32768x128xf32, #tpu.memory_space<hbm>>
    tpu.enqueue_indirect_dma source(%dma_start3A_102 : memref<128x128xf32, #tpu.memory_space<vmem>>) target(%dma_start3A_108 : memref<32768x128xf32, #tpu.memory_space<hbm>>) offsets(%dma_start3A_105 : memref<128xi32, #tpu.memory_space<vmem>>) semaphore(%arg8 : memref<!tpu.dma_semaphore, #tpu.memory_space<semaphore_mem>>)
    %dma_wait3A_109 = arith.constant 384 : i32
    %dma_wait3A_110 = arith.constant 0 : i32
    %dma_wait3A_111 = tpu.memref_slice %arg6[%dma_wait3A_109, %dma_wait3A_110] : memref<512x128xf32, #tpu.memory_space<vmem>> -> memref<128x128xf32, #tpu.memory_space<vmem>>
    %dma_wait3A_112 = arith.constant 0 : i32
    %dma_wait3A_113 = tpu.memref_slice %arg2[%add3A_39, %dma_wait3A_112] : memref<16384x128xf32, #tpu.memory_space<hbm>> -> memref<128x128xf32, #tpu.memory_space<hbm>>
    %dma_wait3A_114 = arith.constant 384 : i32
    %dma_wait3A_115 = arith.constant 0 : i32
    %dma_wait3A_116 = tpu.memref_slice %arg6[%dma_wait3A_114, %dma_wait3A_115] : memref<512x128xf32, #tpu.memory_space<vmem>> -> memref<128x128xf32, #tpu.memory_space<vmem>>
    %dma_wait3A_117 = arith.constant 0 : i32
    %dma_wait3A_118 = tpu.memref_slice %arg2[%add3A_39, %dma_wait3A_117] : memref<16384x128xf32, #tpu.memory_space<hbm>> -> memref<128x128xf32, #tpu.memory_space<hbm>>
    tpu.wait_dma2 semaphore(%arg7 : memref<!tpu.dma_semaphore, #tpu.memory_space<semaphore_mem>>) src(%dma_wait3A_118 : memref<128x128xf32, #tpu.memory_space<hbm>>) dst(%dma_wait3A_116 : memref<128x128xf32, #tpu.memory_space<vmem>>)
    %dma_start3A_119 = arith.constant 3 : i32
    %dma_start3A_120 = arith.constant 384 : i32
    %dma_start3A_121 = arith.constant 0 : i32
    %dma_start3A_122 = tpu.memref_slice %arg6[%dma_start3A_120, %dma_start3A_121] : memref<512x128xf32, #tpu.memory_space<vmem>> -> memref<128x128xf32, #tpu.memory_space<vmem>>
    %dma_start3A_123 = arith.constant 0 : i32
    %dma_start3A_124 = tpu.memref_slice %arg5[%dma_start3A_119, %dma_start3A_123] : memref<4x128xi32, #tpu.memory_space<vmem>> -> memref<1x128xi32, #tpu.memory_space<vmem>>
    %dma_start3A_125 = tpu.memref_squeeze %dma_start3A_124 : memref<1x128xi32, #tpu.memory_space<vmem>> -> memref<128xi32, #tpu.memory_space<vmem>>
    %dma_start3A_126 = arith.constant 0 : i32
    %dma_start3A_127 = arith.constant 0 : i32
    %dma_start3A_128 = tpu.memref_slice %arg4[%dma_start3A_126, %dma_start3A_127] : memref<32768x128xf32, #tpu.memory_space<hbm>> -> memref<32768x128xf32, #tpu.memory_space<hbm>>
    tpu.enqueue_indirect_dma source(%dma_start3A_122 : memref<128x128xf32, #tpu.memory_space<vmem>>) target(%dma_start3A_128 : memref<32768x128xf32, #tpu.memory_space<hbm>>) offsets(%dma_start3A_125 : memref<128xi32, #tpu.memory_space<vmem>>) semaphore(%arg8 : memref<!tpu.dma_semaphore, #tpu.memory_space<semaphore_mem>>)
    %dma_wait3A_129 = arith.constant 0 : i32
    %dma_wait3A_130 = arith.constant 0 : i32
    %dma_wait3A_131 = arith.constant 0 : i32
    %dma_wait3A_132 = tpu.memref_slice %arg6[%dma_wait3A_130, %dma_wait3A_131] : memref<512x128xf32, #tpu.memory_space<vmem>> -> memref<128x128xf32, #tpu.memory_space<vmem>>
    %dma_wait3A_133 = arith.constant 0 : i32
    %dma_wait3A_134 = tpu.memref_slice %arg5[%dma_wait3A_129, %dma_wait3A_133] : memref<4x128xi32, #tpu.memory_space<vmem>> -> memref<1x128xi32, #tpu.memory_space<vmem>>
    %dma_wait3A_135 = tpu.memref_squeeze %dma_wait3A_134 : memref<1x128xi32, #tpu.memory_space<vmem>> -> memref<128xi32, #tpu.memory_space<vmem>>
    %dma_wait3A_136 = arith.constant 0 : i32
    %dma_wait3A_137 = arith.constant 0 : i32
    %dma_wait3A_138 = tpu.memref_slice %arg4[%dma_wait3A_136, %dma_wait3A_137] : memref<32768x128xf32, #tpu.memory_space<hbm>> -> memref<32768x128xf32, #tpu.memory_space<hbm>>
    tpu.wait_indirect_dma semaphore(%arg8 : memref<!tpu.dma_semaphore, #tpu.memory_space<semaphore_mem>>) src(%dma_wait3A_132 : memref<128x128xf32, #tpu.memory_space<vmem>>) dst(%dma_wait3A_138 : memref<32768x128xf32, #tpu.memory_space<hbm>>)
    %dma_wait3A_139 = arith.constant 1 : i32
    %dma_wait3A_140 = arith.constant 128 : i32
    %dma_wait3A_141 = arith.constant 0 : i32
    %dma_wait3A_142 = tpu.memref_slice %arg6[%dma_wait3A_140, %dma_wait3A_141] : memref<512x128xf32, #tpu.memory_space<vmem>> -> memref<128x128xf32, #tpu.memory_space<vmem>>
    %dma_wait3A_143 = arith.constant 0 : i32
    %dma_wait3A_144 = tpu.memref_slice %arg5[%dma_wait3A_139, %dma_wait3A_143] : memref<4x128xi32, #tpu.memory_space<vmem>> -> memref<1x128xi32, #tpu.memory_space<vmem>>
    %dma_wait3A_145 = tpu.memref_squeeze %dma_wait3A_144 : memref<1x128xi32, #tpu.memory_space<vmem>> -> memref<128xi32, #tpu.memory_space<vmem>>
    %dma_wait3A_146 = arith.constant 0 : i32
    %dma_wait3A_147 = arith.constant 0 : i32
    %dma_wait3A_148 = tpu.memref_slice %arg4[%dma_wait3A_146, %dma_wait3A_147] : memref<32768x128xf32, #tpu.memory_space<hbm>> -> memref<32768x128xf32, #tpu.memory_space<hbm>>
    tpu.wait_indirect_dma semaphore(%arg8 : memref<!tpu.dma_semaphore, #tpu.memory_space<semaphore_mem>>) src(%dma_wait3A_142 : memref<128x128xf32, #tpu.memory_space<vmem>>) dst(%dma_wait3A_148 : memref<32768x128xf32, #tpu.memory_space<hbm>>)
    %dma_wait3A_149 = arith.constant 2 : i32
    %dma_wait3A_150 = arith.constant 256 : i32
    %dma_wait3A_151 = arith.constant 0 : i32
    %dma_wait3A_152 = tpu.memref_slice %arg6[%dma_wait3A_150, %dma_wait3A_151] : memref<512x128xf32, #tpu.memory_space<vmem>> -> memref<128x128xf32, #tpu.memory_space<vmem>>
    %dma_wait3A_153 = arith.constant 0 : i32
    %dma_wait3A_154 = tpu.memref_slice %arg5[%dma_wait3A_149, %dma_wait3A_153] : memref<4x128xi32, #tpu.memory_space<vmem>> -> memref<1x128xi32, #tpu.memory_space<vmem>>
    %dma_wait3A_155 = tpu.memref_squeeze %dma_wait3A_154 : memref<1x128xi32, #tpu.memory_space<vmem>> -> memref<128xi32, #tpu.memory_space<vmem>>
    %dma_wait3A_156 = arith.constant 0 : i32
    %dma_wait3A_157 = arith.constant 0 : i32
    %dma_wait3A_158 = tpu.memref_slice %arg4[%dma_wait3A_156, %dma_wait3A_157] : memref<32768x128xf32, #tpu.memory_space<hbm>> -> memref<32768x128xf32, #tpu.memory_space<hbm>>
    tpu.wait_indirect_dma semaphore(%arg8 : memref<!tpu.dma_semaphore, #tpu.memory_space<semaphore_mem>>) src(%dma_wait3A_152 : memref<128x128xf32, #tpu.memory_space<vmem>>) dst(%dma_wait3A_158 : memref<32768x128xf32, #tpu.memory_space<hbm>>)
    %dma_wait3A_159 = arith.constant 3 : i32
    %dma_wait3A_160 = arith.constant 384 : i32
    %dma_wait3A_161 = arith.constant 0 : i32
    %dma_wait3A_162 = tpu.memref_slice %arg6[%dma_wait3A_160, %dma_wait3A_161] : memref<512x128xf32, #tpu.memory_space<vmem>> -> memref<128x128xf32, #tpu.memory_space<vmem>>
    %dma_wait3A_163 = arith.constant 0 : i32
    %dma_wait3A_164 = tpu.memref_slice %arg5[%dma_wait3A_159, %dma_wait3A_163] : memref<4x128xi32, #tpu.memory_space<vmem>> -> memref<1x128xi32, #tpu.memory_space<vmem>>
    %dma_wait3A_165 = tpu.memref_squeeze %dma_wait3A_164 : memref<1x128xi32, #tpu.memory_space<vmem>> -> memref<128xi32, #tpu.memory_space<vmem>>
    %dma_wait3A_166 = arith.constant 0 : i32
    %dma_wait3A_167 = arith.constant 0 : i32
    %dma_wait3A_168 = tpu.memref_slice %arg4[%dma_wait3A_166, %dma_wait3A_167] : memref<32768x128xf32, #tpu.memory_space<hbm>> -> memref<32768x128xf32, #tpu.memory_space<hbm>>
    tpu.wait_indirect_dma semaphore(%arg8 : memref<!tpu.dma_semaphore, #tpu.memory_space<semaphore_mem>>) src(%dma_wait3A_162 : memref<128x128xf32, #tpu.memory_space<vmem>>) dst(%dma_wait3A_168 : memref<32768x128xf32, #tpu.memory_space<hbm>>)
    return
  }
}

#map = affine_map<(d0, d1) -> (0, 0)>
#map1 = affine_map<(d0, d1) -> (0, 0, 0)>
module attributes {stable_mosaic.version = 14 : i64} {
  func.func @_sc_gather(%arg0: i32, %arg1: i32, %arg2: memref<32768x128xf32, #tpu.memory_space<hbm>>, %arg3: memref<32x4x128xi32, #tpu.memory_space<hbm>>, %arg4: memref<16384x128xf32, #tpu.memory_space<hbm>>, %arg5: memref<4x128xi32, #tpu.memory_space<vmem>>, %arg6: memref<512x128xf32, #tpu.memory_space<vmem>>, %arg7: memref<!tpu.dma_semaphore, #tpu.memory_space<semaphore_mem>>, %arg8: memref<!tpu.dma_semaphore, #tpu.memory_space<semaphore_mem>>) attributes {dimension_semantics = [#tpu.dimension_semantics<core_parallel>, #tpu.dimension_semantics<subcore_parallel>], iteration_bounds = array<i64: 2, 16>, scalar_prefetch = 0 : i64, scratch_operands = 4 : i64, tpu.core_type = #tpu.core_type<sc_vector_subcore>, window_params = [{transform_indices = #map}, {transform_indices = #map1}, {transform_indices = #map}]} {
    %mul3A = arith.constant 2 : i32
    %mul3A_0 = arith.muli %arg1, %mul3A : i32
    %add3A = arith.addi %mul3A_0, %arg0 : i32
    %mul3A_1 = arith.constant 512 : i32
    %mul3A_2 = arith.muli %add3A, %mul3A_1 : i32
    "tpu.region"() ({
      %run_scoped3A = tpu.sem_alloc : memref<!tpu.dma_semaphore, #tpu.memory_space<semaphore_mem>>
      %dma_start3A_169 = arith.constant 0 : i32
      %dma_start3A_170 = arith.constant 0 : i32
      %dma_start3A_171 = tpu.memref_slice %arg3[%add3A, %dma_start3A_169, %dma_start3A_170] : memref<32x4x128xi32, #tpu.memory_space<hbm>> -> memref<1x4x128xi32, #tpu.memory_space<hbm>>
      %dma_start3A_172 = tpu.memref_squeeze %dma_start3A_171 : memref<1x4x128xi32, #tpu.memory_space<hbm>> -> memref<4x128xi32, #tpu.memory_space<hbm>>
      %dma_start3A_173 = arith.constant 0 : i32
      %dma_start3A_174 = arith.constant 0 : i32
      %dma_start3A_175 = tpu.memref_slice %arg3[%add3A, %dma_start3A_173, %dma_start3A_174] : memref<32x4x128xi32, #tpu.memory_space<hbm>> -> memref<1x4x128xi32, #tpu.memory_space<hbm>>
      %dma_start3A_176 = tpu.memref_squeeze %dma_start3A_175 : memref<1x4x128xi32, #tpu.memory_space<hbm>> -> memref<4x128xi32, #tpu.memory_space<hbm>>
      tpu.enqueue_dma source(%dma_start3A_176 : memref<4x128xi32, #tpu.memory_space<hbm>>) target(%arg5 : memref<4x128xi32, #tpu.memory_space<vmem>>) target_semaphore(%run_scoped3A : memref<!tpu.dma_semaphore, #tpu.memory_space<semaphore_mem>>)
      %dma_wait3A_177 = arith.constant 0 : i32
      %dma_wait3A_178 = arith.constant 0 : i32
      %dma_wait3A_179 = tpu.memref_slice %arg3[%add3A, %dma_wait3A_177, %dma_wait3A_178] : memref<32x4x128xi32, #tpu.memory_space<hbm>> -> memref<1x4x128xi32, #tpu.memory_space<hbm>>
      %dma_wait3A_180 = tpu.memref_squeeze %dma_wait3A_179 : memref<1x4x128xi32, #tpu.memory_space<hbm>> -> memref<4x128xi32, #tpu.memory_space<hbm>>
      %dma_wait3A_181 = arith.constant 0 : i32
      %dma_wait3A_182 = arith.constant 0 : i32
      %dma_wait3A_183 = tpu.memref_slice %arg3[%add3A, %dma_wait3A_181, %dma_wait3A_182] : memref<32x4x128xi32, #tpu.memory_space<hbm>> -> memref<1x4x128xi32, #tpu.memory_space<hbm>>
      %dma_wait3A_184 = tpu.memref_squeeze %dma_wait3A_183 : memref<1x4x128xi32, #tpu.memory_space<hbm>> -> memref<4x128xi32, #tpu.memory_space<hbm>>
      tpu.wait_dma2 semaphore(%run_scoped3A : memref<!tpu.dma_semaphore, #tpu.memory_space<semaphore_mem>>) src(%dma_wait3A_184 : memref<4x128xi32, #tpu.memory_space<hbm>>) dst(%arg5 : memref<4x128xi32, #tpu.memory_space<vmem>>)
      tpu.yield
    }) : () -> ()
    %dma_start3A = arith.constant 0 : i32
    %dma_start3A_3 = arith.constant 0 : i32
    %dma_start3A_4 = arith.constant 0 : i32
    %dma_start3A_5 = tpu.memref_slice %arg6[%dma_start3A_3, %dma_start3A_4] : memref<512x128xf32, #tpu.memory_space<vmem>> -> memref<128x128xf32, #tpu.memory_space<vmem>>
    %dma_start3A_6 = arith.constant 0 : i32
    %dma_start3A_7 = tpu.memref_slice %arg5[%dma_start3A, %dma_start3A_6] : memref<4x128xi32, #tpu.memory_space<vmem>> -> memref<1x128xi32, #tpu.memory_space<vmem>>
    %dma_start3A_8 = tpu.memref_squeeze %dma_start3A_7 : memref<1x128xi32, #tpu.memory_space<vmem>> -> memref<128xi32, #tpu.memory_space<vmem>>
    %dma_start3A_9 = arith.constant 0 : i32
    %dma_start3A_10 = arith.constant 0 : i32
    %dma_start3A_11 = tpu.memref_slice %arg2[%dma_start3A_9, %dma_start3A_10] : memref<32768x128xf32, #tpu.memory_space<hbm>> -> memref<32768x128xf32, #tpu.memory_space<hbm>>
    tpu.enqueue_indirect_dma source(%dma_start3A_11 : memref<32768x128xf32, #tpu.memory_space<hbm>>) target(%dma_start3A_5 : memref<128x128xf32, #tpu.memory_space<vmem>>) offsets(%dma_start3A_8 : memref<128xi32, #tpu.memory_space<vmem>>) semaphore(%arg8 : memref<!tpu.dma_semaphore, #tpu.memory_space<semaphore_mem>>)
    %dma_start3A_12 = arith.constant 1 : i32
    %dma_start3A_13 = arith.constant 128 : i32
    %dma_start3A_14 = arith.constant 0 : i32
    %dma_start3A_15 = tpu.memref_slice %arg6[%dma_start3A_13, %dma_start3A_14] : memref<512x128xf32, #tpu.memory_space<vmem>> -> memref<128x128xf32, #tpu.memory_space<vmem>>
    %dma_start3A_16 = arith.constant 0 : i32
    %dma_start3A_17 = tpu.memref_slice %arg5[%dma_start3A_12, %dma_start3A_16] : memref<4x128xi32, #tpu.memory_space<vmem>> -> memref<1x128xi32, #tpu.memory_space<vmem>>
    %dma_start3A_18 = tpu.memref_squeeze %dma_start3A_17 : memref<1x128xi32, #tpu.memory_space<vmem>> -> memref<128xi32, #tpu.memory_space<vmem>>
    %dma_start3A_19 = arith.constant 0 : i32
    %dma_start3A_20 = arith.constant 0 : i32
    %dma_start3A_21 = tpu.memref_slice %arg2[%dma_start3A_19, %dma_start3A_20] : memref<32768x128xf32, #tpu.memory_space<hbm>> -> memref<32768x128xf32, #tpu.memory_space<hbm>>
    tpu.enqueue_indirect_dma source(%dma_start3A_21 : memref<32768x128xf32, #tpu.memory_space<hbm>>) target(%dma_start3A_15 : memref<128x128xf32, #tpu.memory_space<vmem>>) offsets(%dma_start3A_18 : memref<128xi32, #tpu.memory_space<vmem>>) semaphore(%arg8 : memref<!tpu.dma_semaphore, #tpu.memory_space<semaphore_mem>>)
    %dma_start3A_22 = arith.constant 2 : i32
    %dma_start3A_23 = arith.constant 256 : i32
    %dma_start3A_24 = arith.constant 0 : i32
    %dma_start3A_25 = tpu.memref_slice %arg6[%dma_start3A_23, %dma_start3A_24] : memref<512x128xf32, #tpu.memory_space<vmem>> -> memref<128x128xf32, #tpu.memory_space<vmem>>
    %dma_start3A_26 = arith.constant 0 : i32
    %dma_start3A_27 = tpu.memref_slice %arg5[%dma_start3A_22, %dma_start3A_26] : memref<4x128xi32, #tpu.memory_space<vmem>> -> memref<1x128xi32, #tpu.memory_space<vmem>>
    %dma_start3A_28 = tpu.memref_squeeze %dma_start3A_27 : memref<1x128xi32, #tpu.memory_space<vmem>> -> memref<128xi32, #tpu.memory_space<vmem>>
    %dma_start3A_29 = arith.constant 0 : i32
    %dma_start3A_30 = arith.constant 0 : i32
    %dma_start3A_31 = tpu.memref_slice %arg2[%dma_start3A_29, %dma_start3A_30] : memref<32768x128xf32, #tpu.memory_space<hbm>> -> memref<32768x128xf32, #tpu.memory_space<hbm>>
    tpu.enqueue_indirect_dma source(%dma_start3A_31 : memref<32768x128xf32, #tpu.memory_space<hbm>>) target(%dma_start3A_25 : memref<128x128xf32, #tpu.memory_space<vmem>>) offsets(%dma_start3A_28 : memref<128xi32, #tpu.memory_space<vmem>>) semaphore(%arg8 : memref<!tpu.dma_semaphore, #tpu.memory_space<semaphore_mem>>)
    %dma_start3A_32 = arith.constant 3 : i32
    %dma_start3A_33 = arith.constant 384 : i32
    %dma_start3A_34 = arith.constant 0 : i32
    %dma_start3A_35 = tpu.memref_slice %arg6[%dma_start3A_33, %dma_start3A_34] : memref<512x128xf32, #tpu.memory_space<vmem>> -> memref<128x128xf32, #tpu.memory_space<vmem>>
    %dma_start3A_36 = arith.constant 0 : i32
    %dma_start3A_37 = tpu.memref_slice %arg5[%dma_start3A_32, %dma_start3A_36] : memref<4x128xi32, #tpu.memory_space<vmem>> -> memref<1x128xi32, #tpu.memory_space<vmem>>
    %dma_start3A_38 = tpu.memref_squeeze %dma_start3A_37 : memref<1x128xi32, #tpu.memory_space<vmem>> -> memref<128xi32, #tpu.memory_space<vmem>>
    %dma_start3A_39 = arith.constant 0 : i32
    %dma_start3A_40 = arith.constant 0 : i32
    %dma_start3A_41 = tpu.memref_slice %arg2[%dma_start3A_39, %dma_start3A_40] : memref<32768x128xf32, #tpu.memory_space<hbm>> -> memref<32768x128xf32, #tpu.memory_space<hbm>>
    tpu.enqueue_indirect_dma source(%dma_start3A_41 : memref<32768x128xf32, #tpu.memory_space<hbm>>) target(%dma_start3A_35 : memref<128x128xf32, #tpu.memory_space<vmem>>) offsets(%dma_start3A_38 : memref<128xi32, #tpu.memory_space<vmem>>) semaphore(%arg8 : memref<!tpu.dma_semaphore, #tpu.memory_space<semaphore_mem>>)
    %dma_wait3A = arith.constant 0 : i32
    %dma_wait3A_42 = arith.constant 0 : i32
    %dma_wait3A_43 = arith.constant 0 : i32
    %dma_wait3A_44 = tpu.memref_slice %arg6[%dma_wait3A_42, %dma_wait3A_43] : memref<512x128xf32, #tpu.memory_space<vmem>> -> memref<128x128xf32, #tpu.memory_space<vmem>>
    %dma_wait3A_45 = arith.constant 0 : i32
    %dma_wait3A_46 = tpu.memref_slice %arg5[%dma_wait3A, %dma_wait3A_45] : memref<4x128xi32, #tpu.memory_space<vmem>> -> memref<1x128xi32, #tpu.memory_space<vmem>>
    %dma_wait3A_47 = tpu.memref_squeeze %dma_wait3A_46 : memref<1x128xi32, #tpu.memory_space<vmem>> -> memref<128xi32, #tpu.memory_space<vmem>>
    %dma_wait3A_48 = arith.constant 0 : i32
    %dma_wait3A_49 = arith.constant 0 : i32
    %dma_wait3A_50 = tpu.memref_slice %arg2[%dma_wait3A_48, %dma_wait3A_49] : memref<32768x128xf32, #tpu.memory_space<hbm>> -> memref<32768x128xf32, #tpu.memory_space<hbm>>
    tpu.wait_indirect_dma semaphore(%arg8 : memref<!tpu.dma_semaphore, #tpu.memory_space<semaphore_mem>>) src(%dma_wait3A_50 : memref<32768x128xf32, #tpu.memory_space<hbm>>) dst(%dma_wait3A_44 : memref<128x128xf32, #tpu.memory_space<vmem>>)
    %add3A_51 = arith.constant 0 : i32
    %add3A_52 = arith.addi %mul3A_2, %add3A_51 : i32
    %dma_start3A_53 = arith.constant 0 : i32
    %dma_start3A_54 = arith.constant 0 : i32
    %dma_start3A_55 = tpu.memref_slice %arg6[%dma_start3A_53, %dma_start3A_54] : memref<512x128xf32, #tpu.memory_space<vmem>> -> memref<128x128xf32, #tpu.memory_space<vmem>>
    %dma_start3A_56 = arith.constant 0 : i32
    %dma_start3A_57 = tpu.memref_slice %arg4[%add3A_52, %dma_start3A_56] : memref<16384x128xf32, #tpu.memory_space<hbm>> -> memref<128x128xf32, #tpu.memory_space<hbm>>
    %dma_start3A_58 = arith.constant 0 : i32
    %dma_start3A_59 = tpu.memref_slice %arg4[%add3A_52, %dma_start3A_58] : memref<16384x128xf32, #tpu.memory_space<hbm>> -> memref<128x128xf32, #tpu.memory_space<hbm>>
    %dma_start3A_60 = arith.constant 0 : i32
    %dma_start3A_61 = arith.constant 0 : i32
    %dma_start3A_62 = tpu.memref_slice %arg6[%dma_start3A_60, %dma_start3A_61] : memref<512x128xf32, #tpu.memory_space<vmem>> -> memref<128x128xf32, #tpu.memory_space<vmem>>
    tpu.enqueue_dma source(%dma_start3A_62 : memref<128x128xf32, #tpu.memory_space<vmem>>) target(%dma_start3A_59 : memref<128x128xf32, #tpu.memory_space<hbm>>) target_semaphore(%arg7 : memref<!tpu.dma_semaphore, #tpu.memory_space<semaphore_mem>>)
    %dma_wait3A_63 = arith.constant 1 : i32
    %dma_wait3A_64 = arith.constant 128 : i32
    %dma_wait3A_65 = arith.constant 0 : i32
    %dma_wait3A_66 = tpu.memref_slice %arg6[%dma_wait3A_64, %dma_wait3A_65] : memref<512x128xf32, #tpu.memory_space<vmem>> -> memref<128x128xf32, #tpu.memory_space<vmem>>
    %dma_wait3A_67 = arith.constant 0 : i32
    %dma_wait3A_68 = tpu.memref_slice %arg5[%dma_wait3A_63, %dma_wait3A_67] : memref<4x128xi32, #tpu.memory_space<vmem>> -> memref<1x128xi32, #tpu.memory_space<vmem>>
    %dma_wait3A_69 = tpu.memref_squeeze %dma_wait3A_68 : memref<1x128xi32, #tpu.memory_space<vmem>> -> memref<128xi32, #tpu.memory_space<vmem>>
    %dma_wait3A_70 = arith.constant 0 : i32
    %dma_wait3A_71 = arith.constant 0 : i32
    %dma_wait3A_72 = tpu.memref_slice %arg2[%dma_wait3A_70, %dma_wait3A_71] : memref<32768x128xf32, #tpu.memory_space<hbm>> -> memref<32768x128xf32, #tpu.memory_space<hbm>>
    tpu.wait_indirect_dma semaphore(%arg8 : memref<!tpu.dma_semaphore, #tpu.memory_space<semaphore_mem>>) src(%dma_wait3A_72 : memref<32768x128xf32, #tpu.memory_space<hbm>>) dst(%dma_wait3A_66 : memref<128x128xf32, #tpu.memory_space<vmem>>)
    %add3A_73 = arith.constant 128 : i32
    %add3A_74 = arith.addi %mul3A_2, %add3A_73 : i32
    %dma_start3A_75 = arith.constant 128 : i32
    %dma_start3A_76 = arith.constant 0 : i32
    %dma_start3A_77 = tpu.memref_slice %arg6[%dma_start3A_75, %dma_start3A_76] : memref<512x128xf32, #tpu.memory_space<vmem>> -> memref<128x128xf32, #tpu.memory_space<vmem>>
    %dma_start3A_78 = arith.constant 0 : i32
    %dma_start3A_79 = tpu.memref_slice %arg4[%add3A_74, %dma_start3A_78] : memref<16384x128xf32, #tpu.memory_space<hbm>> -> memref<128x128xf32, #tpu.memory_space<hbm>>
    %dma_start3A_80 = arith.constant 0 : i32
    %dma_start3A_81 = tpu.memref_slice %arg4[%add3A_74, %dma_start3A_80] : memref<16384x128xf32, #tpu.memory_space<hbm>> -> memref<128x128xf32, #tpu.memory_space<hbm>>
    %dma_start3A_82 = arith.constant 128 : i32
    %dma_start3A_83 = arith.constant 0 : i32
    %dma_start3A_84 = tpu.memref_slice %arg6[%dma_start3A_82, %dma_start3A_83] : memref<512x128xf32, #tpu.memory_space<vmem>> -> memref<128x128xf32, #tpu.memory_space<vmem>>
    tpu.enqueue_dma source(%dma_start3A_84 : memref<128x128xf32, #tpu.memory_space<vmem>>) target(%dma_start3A_81 : memref<128x128xf32, #tpu.memory_space<hbm>>) target_semaphore(%arg7 : memref<!tpu.dma_semaphore, #tpu.memory_space<semaphore_mem>>)
    %dma_wait3A_85 = arith.constant 2 : i32
    %dma_wait3A_86 = arith.constant 256 : i32
    %dma_wait3A_87 = arith.constant 0 : i32
    %dma_wait3A_88 = tpu.memref_slice %arg6[%dma_wait3A_86, %dma_wait3A_87] : memref<512x128xf32, #tpu.memory_space<vmem>> -> memref<128x128xf32, #tpu.memory_space<vmem>>
    %dma_wait3A_89 = arith.constant 0 : i32
    %dma_wait3A_90 = tpu.memref_slice %arg5[%dma_wait3A_85, %dma_wait3A_89] : memref<4x128xi32, #tpu.memory_space<vmem>> -> memref<1x128xi32, #tpu.memory_space<vmem>>
    %dma_wait3A_91 = tpu.memref_squeeze %dma_wait3A_90 : memref<1x128xi32, #tpu.memory_space<vmem>> -> memref<128xi32, #tpu.memory_space<vmem>>
    %dma_wait3A_92 = arith.constant 0 : i32
    %dma_wait3A_93 = arith.constant 0 : i32
    %dma_wait3A_94 = tpu.memref_slice %arg2[%dma_wait3A_92, %dma_wait3A_93] : memref<32768x128xf32, #tpu.memory_space<hbm>> -> memref<32768x128xf32, #tpu.memory_space<hbm>>
    tpu.wait_indirect_dma semaphore(%arg8 : memref<!tpu.dma_semaphore, #tpu.memory_space<semaphore_mem>>) src(%dma_wait3A_94 : memref<32768x128xf32, #tpu.memory_space<hbm>>) dst(%dma_wait3A_88 : memref<128x128xf32, #tpu.memory_space<vmem>>)
    %add3A_95 = arith.constant 256 : i32
    %add3A_96 = arith.addi %mul3A_2, %add3A_95 : i32
    %dma_start3A_97 = arith.constant 256 : i32
    %dma_start3A_98 = arith.constant 0 : i32
    %dma_start3A_99 = tpu.memref_slice %arg6[%dma_start3A_97, %dma_start3A_98] : memref<512x128xf32, #tpu.memory_space<vmem>> -> memref<128x128xf32, #tpu.memory_space<vmem>>
    %dma_start3A_100 = arith.constant 0 : i32
    %dma_start3A_101 = tpu.memref_slice %arg4[%add3A_96, %dma_start3A_100] : memref<16384x128xf32, #tpu.memory_space<hbm>> -> memref<128x128xf32, #tpu.memory_space<hbm>>
    %dma_start3A_102 = arith.constant 0 : i32
    %dma_start3A_103 = tpu.memref_slice %arg4[%add3A_96, %dma_start3A_102] : memref<16384x128xf32, #tpu.memory_space<hbm>> -> memref<128x128xf32, #tpu.memory_space<hbm>>
    %dma_start3A_104 = arith.constant 256 : i32
    %dma_start3A_105 = arith.constant 0 : i32
    %dma_start3A_106 = tpu.memref_slice %arg6[%dma_start3A_104, %dma_start3A_105] : memref<512x128xf32, #tpu.memory_space<vmem>> -> memref<128x128xf32, #tpu.memory_space<vmem>>
    tpu.enqueue_dma source(%dma_start3A_106 : memref<128x128xf32, #tpu.memory_space<vmem>>) target(%dma_start3A_103 : memref<128x128xf32, #tpu.memory_space<hbm>>) target_semaphore(%arg7 : memref<!tpu.dma_semaphore, #tpu.memory_space<semaphore_mem>>)
    %dma_wait3A_107 = arith.constant 3 : i32
    %dma_wait3A_108 = arith.constant 384 : i32
    %dma_wait3A_109 = arith.constant 0 : i32
    %dma_wait3A_110 = tpu.memref_slice %arg6[%dma_wait3A_108, %dma_wait3A_109] : memref<512x128xf32, #tpu.memory_space<vmem>> -> memref<128x128xf32, #tpu.memory_space<vmem>>
    %dma_wait3A_111 = arith.constant 0 : i32
    %dma_wait3A_112 = tpu.memref_slice %arg5[%dma_wait3A_107, %dma_wait3A_111] : memref<4x128xi32, #tpu.memory_space<vmem>> -> memref<1x128xi32, #tpu.memory_space<vmem>>
    %dma_wait3A_113 = tpu.memref_squeeze %dma_wait3A_112 : memref<1x128xi32, #tpu.memory_space<vmem>> -> memref<128xi32, #tpu.memory_space<vmem>>
    %dma_wait3A_114 = arith.constant 0 : i32
    %dma_wait3A_115 = arith.constant 0 : i32
    %dma_wait3A_116 = tpu.memref_slice %arg2[%dma_wait3A_114, %dma_wait3A_115] : memref<32768x128xf32, #tpu.memory_space<hbm>> -> memref<32768x128xf32, #tpu.memory_space<hbm>>
    tpu.wait_indirect_dma semaphore(%arg8 : memref<!tpu.dma_semaphore, #tpu.memory_space<semaphore_mem>>) src(%dma_wait3A_116 : memref<32768x128xf32, #tpu.memory_space<hbm>>) dst(%dma_wait3A_110 : memref<128x128xf32, #tpu.memory_space<vmem>>)
    %add3A_117 = arith.constant 384 : i32
    %add3A_118 = arith.addi %mul3A_2, %add3A_117 : i32
    %dma_start3A_119 = arith.constant 384 : i32
    %dma_start3A_120 = arith.constant 0 : i32
    %dma_start3A_121 = tpu.memref_slice %arg6[%dma_start3A_119, %dma_start3A_120] : memref<512x128xf32, #tpu.memory_space<vmem>> -> memref<128x128xf32, #tpu.memory_space<vmem>>
    %dma_start3A_122 = arith.constant 0 : i32
    %dma_start3A_123 = tpu.memref_slice %arg4[%add3A_118, %dma_start3A_122] : memref<16384x128xf32, #tpu.memory_space<hbm>> -> memref<128x128xf32, #tpu.memory_space<hbm>>
    %dma_start3A_124 = arith.constant 0 : i32
    %dma_start3A_125 = tpu.memref_slice %arg4[%add3A_118, %dma_start3A_124] : memref<16384x128xf32, #tpu.memory_space<hbm>> -> memref<128x128xf32, #tpu.memory_space<hbm>>
    %dma_start3A_126 = arith.constant 384 : i32
    %dma_start3A_127 = arith.constant 0 : i32
    %dma_start3A_128 = tpu.memref_slice %arg6[%dma_start3A_126, %dma_start3A_127] : memref<512x128xf32, #tpu.memory_space<vmem>> -> memref<128x128xf32, #tpu.memory_space<vmem>>
    tpu.enqueue_dma source(%dma_start3A_128 : memref<128x128xf32, #tpu.memory_space<vmem>>) target(%dma_start3A_125 : memref<128x128xf32, #tpu.memory_space<hbm>>) target_semaphore(%arg7 : memref<!tpu.dma_semaphore, #tpu.memory_space<semaphore_mem>>)
    %dma_wait3A_129 = arith.constant 0 : i32
    %dma_wait3A_130 = arith.constant 0 : i32
    %dma_wait3A_131 = tpu.memref_slice %arg6[%dma_wait3A_129, %dma_wait3A_130] : memref<512x128xf32, #tpu.memory_space<vmem>> -> memref<128x128xf32, #tpu.memory_space<vmem>>
    %dma_wait3A_132 = arith.constant 0 : i32
    %dma_wait3A_133 = tpu.memref_slice %arg4[%add3A_52, %dma_wait3A_132] : memref<16384x128xf32, #tpu.memory_space<hbm>> -> memref<128x128xf32, #tpu.memory_space<hbm>>
    %dma_wait3A_134 = arith.constant 0 : i32
    %dma_wait3A_135 = tpu.memref_slice %arg4[%add3A_52, %dma_wait3A_134] : memref<16384x128xf32, #tpu.memory_space<hbm>> -> memref<128x128xf32, #tpu.memory_space<hbm>>
    %dma_wait3A_136 = arith.constant 0 : i32
    %dma_wait3A_137 = arith.constant 0 : i32
    %dma_wait3A_138 = tpu.memref_slice %arg6[%dma_wait3A_136, %dma_wait3A_137] : memref<512x128xf32, #tpu.memory_space<vmem>> -> memref<128x128xf32, #tpu.memory_space<vmem>>
    tpu.wait_dma2 semaphore(%arg7 : memref<!tpu.dma_semaphore, #tpu.memory_space<semaphore_mem>>) src(%dma_wait3A_138 : memref<128x128xf32, #tpu.memory_space<vmem>>) dst(%dma_wait3A_135 : memref<128x128xf32, #tpu.memory_space<hbm>>)
    %dma_wait3A_139 = arith.constant 128 : i32
    %dma_wait3A_140 = arith.constant 0 : i32
    %dma_wait3A_141 = tpu.memref_slice %arg6[%dma_wait3A_139, %dma_wait3A_140] : memref<512x128xf32, #tpu.memory_space<vmem>> -> memref<128x128xf32, #tpu.memory_space<vmem>>
    %dma_wait3A_142 = arith.constant 0 : i32
    %dma_wait3A_143 = tpu.memref_slice %arg4[%add3A_74, %dma_wait3A_142] : memref<16384x128xf32, #tpu.memory_space<hbm>> -> memref<128x128xf32, #tpu.memory_space<hbm>>
    %dma_wait3A_144 = arith.constant 0 : i32
    %dma_wait3A_145 = tpu.memref_slice %arg4[%add3A_74, %dma_wait3A_144] : memref<16384x128xf32, #tpu.memory_space<hbm>> -> memref<128x128xf32, #tpu.memory_space<hbm>>
    %dma_wait3A_146 = arith.constant 128 : i32
    %dma_wait3A_147 = arith.constant 0 : i32
    %dma_wait3A_148 = tpu.memref_slice %arg6[%dma_wait3A_146, %dma_wait3A_147] : memref<512x128xf32, #tpu.memory_space<vmem>> -> memref<128x128xf32, #tpu.memory_space<vmem>>
    tpu.wait_dma2 semaphore(%arg7 : memref<!tpu.dma_semaphore, #tpu.memory_space<semaphore_mem>>) src(%dma_wait3A_148 : memref<128x128xf32, #tpu.memory_space<vmem>>) dst(%dma_wait3A_145 : memref<128x128xf32, #tpu.memory_space<hbm>>)
    %dma_wait3A_149 = arith.constant 256 : i32
    %dma_wait3A_150 = arith.constant 0 : i32
    %dma_wait3A_151 = tpu.memref_slice %arg6[%dma_wait3A_149, %dma_wait3A_150] : memref<512x128xf32, #tpu.memory_space<vmem>> -> memref<128x128xf32, #tpu.memory_space<vmem>>
    %dma_wait3A_152 = arith.constant 0 : i32
    %dma_wait3A_153 = tpu.memref_slice %arg4[%add3A_96, %dma_wait3A_152] : memref<16384x128xf32, #tpu.memory_space<hbm>> -> memref<128x128xf32, #tpu.memory_space<hbm>>
    %dma_wait3A_154 = arith.constant 0 : i32
    %dma_wait3A_155 = tpu.memref_slice %arg4[%add3A_96, %dma_wait3A_154] : memref<16384x128xf32, #tpu.memory_space<hbm>> -> memref<128x128xf32, #tpu.memory_space<hbm>>
    %dma_wait3A_156 = arith.constant 256 : i32
    %dma_wait3A_157 = arith.constant 0 : i32
    %dma_wait3A_158 = tpu.memref_slice %arg6[%dma_wait3A_156, %dma_wait3A_157] : memref<512x128xf32, #tpu.memory_space<vmem>> -> memref<128x128xf32, #tpu.memory_space<vmem>>
    tpu.wait_dma2 semaphore(%arg7 : memref<!tpu.dma_semaphore, #tpu.memory_space<semaphore_mem>>) src(%dma_wait3A_158 : memref<128x128xf32, #tpu.memory_space<vmem>>) dst(%dma_wait3A_155 : memref<128x128xf32, #tpu.memory_space<hbm>>)
    %dma_wait3A_159 = arith.constant 384 : i32
    %dma_wait3A_160 = arith.constant 0 : i32
    %dma_wait3A_161 = tpu.memref_slice %arg6[%dma_wait3A_159, %dma_wait3A_160] : memref<512x128xf32, #tpu.memory_space<vmem>> -> memref<128x128xf32, #tpu.memory_space<vmem>>
    %dma_wait3A_162 = arith.constant 0 : i32
    %dma_wait3A_163 = tpu.memref_slice %arg4[%add3A_118, %dma_wait3A_162] : memref<16384x128xf32, #tpu.memory_space<hbm>> -> memref<128x128xf32, #tpu.memory_space<hbm>>
    %dma_wait3A_164 = arith.constant 0 : i32
    %dma_wait3A_165 = tpu.memref_slice %arg4[%add3A_118, %dma_wait3A_164] : memref<16384x128xf32, #tpu.memory_space<hbm>> -> memref<128x128xf32, #tpu.memory_space<hbm>>
    %dma_wait3A_166 = arith.constant 384 : i32
    %dma_wait3A_167 = arith.constant 0 : i32
    %dma_wait3A_168 = tpu.memref_slice %arg6[%dma_wait3A_166, %dma_wait3A_167] : memref<512x128xf32, #tpu.memory_space<vmem>> -> memref<128x128xf32, #tpu.memory_space<vmem>>
    tpu.wait_dma2 semaphore(%arg7 : memref<!tpu.dma_semaphore, #tpu.memory_space<semaphore_mem>>) src(%dma_wait3A_168 : memref<128x128xf32, #tpu.memory_space<vmem>>) dst(%dma_wait3A_165 : memref<128x128xf32, #tpu.memory_space<hbm>>)
    return
  }
}

module attributes {stable_mosaic.version = 14 : i64} {
  func.func @_counts_kernel(%arg0: i32, %arg1: memref<8x1024xf32, #tpu.memory_space<vmem>>, %arg2: memref<64x64xi32, #tpu.memory_space<vmem>>, %arg3: memref<1024x128xf32, #tpu.memory_space<vmem>>) attributes {dimension_semantics = [#tpu.dimension_semantics<arbitrary>], iteration_bounds = array<i64: 16>, scalar_prefetch = 0 : i64, scratch_operands = 0 : i64, tpu.core_type = #tpu.core_type<tc>, window_params = [{transform_indices = @transform_0, window_bounds = array<i64: 8, 1024>}, {pipeline_mode = #tpu.pipeline_mode<synchronous>, transform_indices = @transform_1, window_bounds = array<i64: 64, 64>}, {transform_indices = @transform_2, window_bounds = array<i64: 1024, 128>}]} {
    %get3A = arith.constant 0 : index
    %get3A_0 = arith.constant 0 : index
    %get3A_1 = vector.load %arg1[%get3A, %get3A_0] : memref<8x1024xf32, #tpu.memory_space<vmem>>, vector<8x256xf32>
    %slice3A = vector.extract_strided_slice %get3A_1 {offsets = [0, 0], sizes = [1, 256], strides = [1, 1]} : vector<8x256xf32> to vector<1x256xf32>
    %slice3A_2 = vector.extract_strided_slice %get3A_1 {offsets = [1, 0], sizes = [1, 256], strides = [1, 1]} : vector<8x256xf32> to vector<1x256xf32>
    %slice3A_3 = vector.extract_strided_slice %get3A_1 {offsets = [2, 0], sizes = [1, 256], strides = [1, 1]} : vector<8x256xf32> to vector<1x256xf32>
    %atan23A = math.atan2 %slice3A_2, %slice3A : vector<1x256xf32>
    %add3A = arith.constant 3.14159274 : f32
    %add3A_4 = vector.broadcast %add3A : f32 to vector<1x256xf32>
    %add3A_5 = arith.addf %atan23A, %add3A_4 : vector<1x256xf32>
    %div3A = arith.constant 6.28318548 : f32
    %div3A_6 = vector.broadcast %div3A : f32 to vector<1x256xf32>
    %div3A_7 = arith.divf %add3A_5, %div3A_6 : vector<1x256xf32>
    %mul3A = arith.constant 8.000000e+00 : f32
    %mul3A_8 = vector.broadcast %mul3A : f32 to vector<1x256xf32>
    %mul3A_9 = arith.mulf %div3A_7, %mul3A_8 : vector<1x256xf32>
    %floor3A = math.floor %mul3A_9 : vector<1x256xf32>
    %jit3A = arith.constant 0.000000e+00 : f32
    %jit3A_10 = arith.constant 7.000000e+00 : f32
    %max3A = vector.broadcast %jit3A : f32 to vector<1x256xf32>
    %max3A_11 = arith.maximumf %max3A, %floor3A : vector<1x256xf32>
    %min3A = vector.broadcast %jit3A_10 : f32 to vector<1x256xf32>
    %min3A_12 = arith.minimumf %min3A, %max3A_11 : vector<1x256xf32>
    %sub3A = arith.constant -3.000000e+00 : f32
    %sub3A_13 = vector.broadcast %sub3A : f32 to vector<1x256xf32>
    %sub3A_14 = arith.subf %slice3A_3, %sub3A_13 : vector<1x256xf32>
    %div3A_15 = arith.constant 4.000000e+00 : f32
    %div3A_16 = vector.broadcast %div3A_15 : f32 to vector<1x256xf32>
    %div3A_17 = arith.divf %sub3A_14, %div3A_16 : vector<1x256xf32>
    %mul3A_18 = arith.constant 8.000000e+00 : f32
    %mul3A_19 = vector.broadcast %mul3A_18 : f32 to vector<1x256xf32>
    %mul3A_20 = arith.mulf %div3A_17, %mul3A_19 : vector<1x256xf32>
    %floor3A_21 = math.floor %mul3A_20 : vector<1x256xf32>
    %jit3A_22 = arith.constant 0.000000e+00 : f32
    %jit3A_23 = arith.constant 7.000000e+00 : f32
    %max3A_24 = vector.broadcast %jit3A_22 : f32 to vector<1x256xf32>
    %max3A_25 = arith.maximumf %max3A_24, %floor3A_21 : vector<1x256xf32>
    %min3A_26 = vector.broadcast %jit3A_23 : f32 to vector<1x256xf32>
    %min3A_27 = arith.minimumf %min3A_26, %max3A_25 : vector<1x256xf32>
    %mul3A_28 = arith.constant 8.000000e+00 : f32
    %mul3A_29 = vector.broadcast %mul3A_28 : f32 to vector<1x256xf32>
    %mul3A_30 = arith.mulf %min3A_12, %mul3A_29 : vector<1x256xf32>
    %add3A_31 = arith.addf %mul3A_30, %min3A_27 : vector<1x256xf32>
    %transpose3A = tpu.transpose %add3A_31, [1, 0] : vector<1x256xf32> -> vector<256x1xf32>
    %convert_element_type3A = arith.fptosi %transpose3A : vector<256x1xf32> to vector<256x1xi32>
    %iota3A = tpu.iota {dimensions = array<i32: 1>} : vector<256x64xi32>
    %eq3A = vector.broadcast %convert_element_type3A : vector<256x1xi32> to vector<256x64xi32>
    %eq3A_32 = arith.cmpi eq, %iota3A, %eq3A : vector<256x64xi32>
    %convert_element_type3A_33 = arith.extui %eq3A_32 : vector<256x64xi1> to vector<256x64xi32>
    %convert_element_type3A_34 = arith.sitofp %convert_element_type3A_33 : vector<256x64xi32> to vector<256x64xf32>
    %reduce_sum3A = arith.constant dense<0.000000e+00> : vector<64xf32>
    %reduce_sum3A_35 = vector.multi_reduction <add>, %convert_element_type3A_34, %reduce_sum3A [0] : vector<256x64xf32> to vector<64xf32>
    %broadcast_in_dim3A = vector.shape_cast %reduce_sum3A_35 : vector<64xf32> to vector<1x64xf32>
    %convert_element_type3A_36 = arith.fptosi %broadcast_in_dim3A : vector<1x64xf32> to vector<1x64xi32>
    %mul3A_37 = arith.constant 4 : i32
    %mul3A_38 = arith.muli %arg0, %mul3A_37 : i32
    %add3A_39 = arith.constant 0 : i32
    %add3A_40 = arith.addi %mul3A_38, %add3A_39 : i32
    %swap3A = arith.index_cast %add3A_40 : i32 to index
    %swap3A_41 = arith.constant 0 : index
    %swap3A_42 = vector.load %arg2[%swap3A, %swap3A_41] : memref<64x64xi32, #tpu.memory_space<vmem>>, vector<1x64xi32>
    tpu.vector_store %arg2[%swap3A, %swap3A_41], %convert_element_type3A_36 {strides = array<i32>} : memref<64x64xi32, #tpu.memory_space<vmem>>, vector<1x64xi32>,
    %get3A_43 = arith.constant 0 : index
    %get3A_44 = arith.constant 256 : index
    %get3A_45 = vector.load %arg1[%get3A_43, %get3A_44] : memref<8x1024xf32, #tpu.memory_space<vmem>>, vector<8x256xf32>
    %slice3A_46 = vector.extract_strided_slice %get3A_45 {offsets = [0, 0], sizes = [1, 256], strides = [1, 1]} : vector<8x256xf32> to vector<1x256xf32>
    %slice3A_47 = vector.extract_strided_slice %get3A_45 {offsets = [1, 0], sizes = [1, 256], strides = [1, 1]} : vector<8x256xf32> to vector<1x256xf32>
    %slice3A_48 = vector.extract_strided_slice %get3A_45 {offsets = [2, 0], sizes = [1, 256], strides = [1, 1]} : vector<8x256xf32> to vector<1x256xf32>
    %atan23A_49 = math.atan2 %slice3A_47, %slice3A_46 : vector<1x256xf32>
    %add3A_50 = arith.constant 3.14159274 : f32
    %add3A_51 = vector.broadcast %add3A_50 : f32 to vector<1x256xf32>
    %add3A_52 = arith.addf %atan23A_49, %add3A_51 : vector<1x256xf32>
    %div3A_53 = arith.constant 6.28318548 : f32
    %div3A_54 = vector.broadcast %div3A_53 : f32 to vector<1x256xf32>
    %div3A_55 = arith.divf %add3A_52, %div3A_54 : vector<1x256xf32>
    %mul3A_56 = arith.constant 8.000000e+00 : f32
    %mul3A_57 = vector.broadcast %mul3A_56 : f32 to vector<1x256xf32>
    %mul3A_58 = arith.mulf %div3A_55, %mul3A_57 : vector<1x256xf32>
    %floor3A_59 = math.floor %mul3A_58 : vector<1x256xf32>
    %jit3A_60 = arith.constant 0.000000e+00 : f32
    %jit3A_61 = arith.constant 7.000000e+00 : f32
    %max3A_62 = vector.broadcast %jit3A_60 : f32 to vector<1x256xf32>
    %max3A_63 = arith.maximumf %max3A_62, %floor3A_59 : vector<1x256xf32>
    %min3A_64 = vector.broadcast %jit3A_61 : f32 to vector<1x256xf32>
    %min3A_65 = arith.minimumf %min3A_64, %max3A_63 : vector<1x256xf32>
    %sub3A_66 = arith.constant -3.000000e+00 : f32
    %sub3A_67 = vector.broadcast %sub3A_66 : f32 to vector<1x256xf32>
    %sub3A_68 = arith.subf %slice3A_48, %sub3A_67 : vector<1x256xf32>
    %div3A_69 = arith.constant 4.000000e+00 : f32
    %div3A_70 = vector.broadcast %div3A_69 : f32 to vector<1x256xf32>
    %div3A_71 = arith.divf %sub3A_68, %div3A_70 : vector<1x256xf32>
    %mul3A_72 = arith.constant 8.000000e+00 : f32
    %mul3A_73 = vector.broadcast %mul3A_72 : f32 to vector<1x256xf32>
    %mul3A_74 = arith.mulf %div3A_71, %mul3A_73 : vector<1x256xf32>
    %floor3A_75 = math.floor %mul3A_74 : vector<1x256xf32>
    %jit3A_76 = arith.constant 0.000000e+00 : f32
    %jit3A_77 = arith.constant 7.000000e+00 : f32
    %max3A_78 = vector.broadcast %jit3A_76 : f32 to vector<1x256xf32>
    %max3A_79 = arith.maximumf %max3A_78, %floor3A_75 : vector<1x256xf32>
    %min3A_80 = vector.broadcast %jit3A_77 : f32 to vector<1x256xf32>
    %min3A_81 = arith.minimumf %min3A_80, %max3A_79 : vector<1x256xf32>
    %mul3A_82 = arith.constant 8.000000e+00 : f32
    %mul3A_83 = vector.broadcast %mul3A_82 : f32 to vector<1x256xf32>
    %mul3A_84 = arith.mulf %min3A_65, %mul3A_83 : vector<1x256xf32>
    %add3A_85 = arith.addf %mul3A_84, %min3A_81 : vector<1x256xf32>
    %transpose3A_86 = tpu.transpose %add3A_85, [1, 0] : vector<1x256xf32> -> vector<256x1xf32>
    %convert_element_type3A_87 = arith.fptosi %transpose3A_86 : vector<256x1xf32> to vector<256x1xi32>
    %iota3A_88 = tpu.iota {dimensions = array<i32: 1>} : vector<256x64xi32>
    %eq3A_89 = vector.broadcast %convert_element_type3A_87 : vector<256x1xi32> to vector<256x64xi32>
    %eq3A_90 = arith.cmpi eq, %iota3A_88, %eq3A_89 : vector<256x64xi32>
    %convert_element_type3A_91 = arith.extui %eq3A_90 : vector<256x64xi1> to vector<256x64xi32>
    %convert_element_type3A_92 = arith.sitofp %convert_element_type3A_91 : vector<256x64xi32> to vector<256x64xf32>
    %reduce_sum3A_93 = arith.constant dense<0.000000e+00> : vector<64xf32>
    %reduce_sum3A_94 = vector.multi_reduction <add>, %convert_element_type3A_92, %reduce_sum3A_93 [0] : vector<256x64xf32> to vector<64xf32>
    %broadcast_in_dim3A_95 = vector.shape_cast %reduce_sum3A_94 : vector<64xf32> to vector<1x64xf32>
    %convert_element_type3A_96 = arith.fptosi %broadcast_in_dim3A_95 : vector<1x64xf32> to vector<1x64xi32>
    %mul3A_97 = arith.constant 4 : i32
    %mul3A_98 = arith.muli %arg0, %mul3A_97 : i32
    %add3A_99 = arith.constant 1 : i32
    %add3A_100 = arith.addi %mul3A_98, %add3A_99 : i32
    %swap3A_101 = arith.index_cast %add3A_100 : i32 to index
    %swap3A_102 = arith.constant 0 : index
    %swap3A_103 = vector.load %arg2[%swap3A_101, %swap3A_102] : memref<64x64xi32, #tpu.memory_space<vmem>>, vector<1x64xi32>
    tpu.vector_store %arg2[%swap3A_101, %swap3A_102], %convert_element_type3A_96 {strides = array<i32>} : memref<64x64xi32, #tpu.memory_space<vmem>>, vector<1x64xi32>,
    %get3A_104 = arith.constant 0 : index
    %get3A_105 = arith.constant 512 : index
    %get3A_106 = vector.load %arg1[%get3A_104, %get3A_105] : memref<8x1024xf32, #tpu.memory_space<vmem>>, vector<8x256xf32>
    %slice3A_107 = vector.extract_strided_slice %get3A_106 {offsets = [0, 0], sizes = [1, 256], strides = [1, 1]} : vector<8x256xf32> to vector<1x256xf32>
    %slice3A_108 = vector.extract_strided_slice %get3A_106 {offsets = [1, 0], sizes = [1, 256], strides = [1, 1]} : vector<8x256xf32> to vector<1x256xf32>
    %slice3A_109 = vector.extract_strided_slice %get3A_106 {offsets = [2, 0], sizes = [1, 256], strides = [1, 1]} : vector<8x256xf32> to vector<1x256xf32>
    %atan23A_110 = math.atan2 %slice3A_108, %slice3A_107 : vector<1x256xf32>
    %add3A_111 = arith.constant 3.14159274 : f32
    %add3A_112 = vector.broadcast %add3A_111 : f32 to vector<1x256xf32>
    %add3A_113 = arith.addf %atan23A_110, %add3A_112 : vector<1x256xf32>
    %div3A_114 = arith.constant 6.28318548 : f32
    %div3A_115 = vector.broadcast %div3A_114 : f32 to vector<1x256xf32>
    %div3A_116 = arith.divf %add3A_113, %div3A_115 : vector<1x256xf32>
    %mul3A_117 = arith.constant 8.000000e+00 : f32
    %mul3A_118 = vector.broadcast %mul3A_117 : f32 to vector<1x256xf32>
    %mul3A_119 = arith.mulf %div3A_116, %mul3A_118 : vector<1x256xf32>
    %floor3A_120 = math.floor %mul3A_119 : vector<1x256xf32>
    %jit3A_121 = arith.constant 0.000000e+00 : f32
    %jit3A_122 = arith.constant 7.000000e+00 : f32
    %max3A_123 = vector.broadcast %jit3A_121 : f32 to vector<1x256xf32>
    %max3A_124 = arith.maximumf %max3A_123, %floor3A_120 : vector<1x256xf32>
    %min3A_125 = vector.broadcast %jit3A_122 : f32 to vector<1x256xf32>
    %min3A_126 = arith.minimumf %min3A_125, %max3A_124 : vector<1x256xf32>
    %sub3A_127 = arith.constant -3.000000e+00 : f32
    %sub3A_128 = vector.broadcast %sub3A_127 : f32 to vector<1x256xf32>
    %sub3A_129 = arith.subf %slice3A_109, %sub3A_128 : vector<1x256xf32>
    %div3A_130 = arith.constant 4.000000e+00 : f32
    %div3A_131 = vector.broadcast %div3A_130 : f32 to vector<1x256xf32>
    %div3A_132 = arith.divf %sub3A_129, %div3A_131 : vector<1x256xf32>
    %mul3A_133 = arith.constant 8.000000e+00 : f32
    %mul3A_134 = vector.broadcast %mul3A_133 : f32 to vector<1x256xf32>
    %mul3A_135 = arith.mulf %div3A_132, %mul3A_134 : vector<1x256xf32>
    %floor3A_136 = math.floor %mul3A_135 : vector<1x256xf32>
    %jit3A_137 = arith.constant 0.000000e+00 : f32
    %jit3A_138 = arith.constant 7.000000e+00 : f32
    %max3A_139 = vector.broadcast %jit3A_137 : f32 to vector<1x256xf32>
    %max3A_140 = arith.maximumf %max3A_139, %floor3A_136 : vector<1x256xf32>
    %min3A_141 = vector.broadcast %jit3A_138 : f32 to vector<1x256xf32>
    %min3A_142 = arith.minimumf %min3A_141, %max3A_140 : vector<1x256xf32>
    %mul3A_143 = arith.constant 8.000000e+00 : f32
    %mul3A_144 = vector.broadcast %mul3A_143 : f32 to vector<1x256xf32>
    %mul3A_145 = arith.mulf %min3A_126, %mul3A_144 : vector<1x256xf32>
    %add3A_146 = arith.addf %mul3A_145, %min3A_142 : vector<1x256xf32>
    %transpose3A_147 = tpu.transpose %add3A_146, [1, 0] : vector<1x256xf32> -> vector<256x1xf32>
    %convert_element_type3A_148 = arith.fptosi %transpose3A_147 : vector<256x1xf32> to vector<256x1xi32>
    %iota3A_149 = tpu.iota {dimensions = array<i32: 1>} : vector<256x64xi32>
    %eq3A_150 = vector.broadcast %convert_element_type3A_148 : vector<256x1xi32> to vector<256x64xi32>
    %eq3A_151 = arith.cmpi eq, %iota3A_149, %eq3A_150 : vector<256x64xi32>
    %convert_element_type3A_152 = arith.extui %eq3A_151 : vector<256x64xi1> to vector<256x64xi32>
    %convert_element_type3A_153 = arith.sitofp %convert_element_type3A_152 : vector<256x64xi32> to vector<256x64xf32>
    %reduce_sum3A_154 = arith.constant dense<0.000000e+00> : vector<64xf32>
    %reduce_sum3A_155 = vector.multi_reduction <add>, %convert_element_type3A_153, %reduce_sum3A_154 [0] : vector<256x64xf32> to vector<64xf32>
    %broadcast_in_dim3A_156 = vector.shape_cast %reduce_sum3A_155 : vector<64xf32> to vector<1x64xf32>
    %convert_element_type3A_157 = arith.fptosi %broadcast_in_dim3A_156 : vector<1x64xf32> to vector<1x64xi32>
    %mul3A_158 = arith.constant 4 : i32
    %mul3A_159 = arith.muli %arg0, %mul3A_158 : i32
    %add3A_160 = arith.constant 2 : i32
    %add3A_161 = arith.addi %mul3A_159, %add3A_160 : i32
    %swap3A_162 = arith.index_cast %add3A_161 : i32 to index
    %swap3A_163 = arith.constant 0 : index
    %swap3A_164 = vector.load %arg2[%swap3A_162, %swap3A_163] : memref<64x64xi32, #tpu.memory_space<vmem>>, vector<1x64xi32>
    tpu.vector_store %arg2[%swap3A_162, %swap3A_163], %convert_element_type3A_157 {strides = array<i32>} : memref<64x64xi32, #tpu.memory_space<vmem>>, vector<1x64xi32>,
    %get3A_165 = arith.constant 0 : index
    %get3A_166 = arith.constant 768 : index
    %get3A_167 = vector.load %arg1[%get3A_165, %get3A_166] : memref<8x1024xf32, #tpu.memory_space<vmem>>, vector<8x256xf32>
    %slice3A_168 = vector.extract_strided_slice %get3A_167 {offsets = [0, 0], sizes = [1, 256], strides = [1, 1]} : vector<8x256xf32> to vector<1x256xf32>
    %slice3A_169 = vector.extract_strided_slice %get3A_167 {offsets = [1, 0], sizes = [1, 256], strides = [1, 1]} : vector<8x256xf32> to vector<1x256xf32>
    %slice3A_170 = vector.extract_strided_slice %get3A_167 {offsets = [2, 0], sizes = [1, 256], strides = [1, 1]} : vector<8x256xf32> to vector<1x256xf32>
    %atan23A_171 = math.atan2 %slice3A_169, %slice3A_168 : vector<1x256xf32>
    %add3A_172 = arith.constant 3.14159274 : f32
    %add3A_173 = vector.broadcast %add3A_172 : f32 to vector<1x256xf32>
    %add3A_174 = arith.addf %atan23A_171, %add3A_173 : vector<1x256xf32>
    %div3A_175 = arith.constant 6.28318548 : f32
    %div3A_176 = vector.broadcast %div3A_175 : f32 to vector<1x256xf32>
    %div3A_177 = arith.divf %add3A_174, %div3A_176 : vector<1x256xf32>
    %mul3A_178 = arith.constant 8.000000e+00 : f32
    %mul3A_179 = vector.broadcast %mul3A_178 : f32 to vector<1x256xf32>
    %mul3A_180 = arith.mulf %div3A_177, %mul3A_179 : vector<1x256xf32>
    %floor3A_181 = math.floor %mul3A_180 : vector<1x256xf32>
    %jit3A_182 = arith.constant 0.000000e+00 : f32
    %jit3A_183 = arith.constant 7.000000e+00 : f32
    %max3A_184 = vector.broadcast %jit3A_182 : f32 to vector<1x256xf32>
    %max3A_185 = arith.maximumf %max3A_184, %floor3A_181 : vector<1x256xf32>
    %min3A_186 = vector.broadcast %jit3A_183 : f32 to vector<1x256xf32>
    %min3A_187 = arith.minimumf %min3A_186, %max3A_185 : vector<1x256xf32>
    %sub3A_188 = arith.constant -3.000000e+00 : f32
    %sub3A_189 = vector.broadcast %sub3A_188 : f32 to vector<1x256xf32>
    %sub3A_190 = arith.subf %slice3A_170, %sub3A_189 : vector<1x256xf32>
    %div3A_191 = arith.constant 4.000000e+00 : f32
    %div3A_192 = vector.broadcast %div3A_191 : f32 to vector<1x256xf32>
    %div3A_193 = arith.divf %sub3A_190, %div3A_192 : vector<1x256xf32>
    %mul3A_194 = arith.constant 8.000000e+00 : f32
    %mul3A_195 = vector.broadcast %mul3A_194 : f32 to vector<1x256xf32>
    %mul3A_196 = arith.mulf %div3A_193, %mul3A_195 : vector<1x256xf32>
    %floor3A_197 = math.floor %mul3A_196 : vector<1x256xf32>
    %jit3A_198 = arith.constant 0.000000e+00 : f32
    %jit3A_199 = arith.constant 7.000000e+00 : f32
    %max3A_200 = vector.broadcast %jit3A_198 : f32 to vector<1x256xf32>
    %max3A_201 = arith.maximumf %max3A_200, %floor3A_197 : vector<1x256xf32>
    %min3A_202 = vector.broadcast %jit3A_199 : f32 to vector<1x256xf32>
    %min3A_203 = arith.minimumf %min3A_202, %max3A_201 : vector<1x256xf32>
    %mul3A_204 = arith.constant 8.000000e+00 : f32
    %mul3A_205 = vector.broadcast %mul3A_204 : f32 to vector<1x256xf32>
    %mul3A_206 = arith.mulf %min3A_187, %mul3A_205 : vector<1x256xf32>
    %add3A_207 = arith.addf %mul3A_206, %min3A_203 : vector<1x256xf32>
    %transpose3A_208 = tpu.transpose %add3A_207, [1, 0] : vector<1x256xf32> -> vector<256x1xf32>
    %convert_element_type3A_209 = arith.fptosi %transpose3A_208 : vector<256x1xf32> to vector<256x1xi32>
    %iota3A_210 = tpu.iota {dimensions = array<i32: 1>} : vector<256x64xi32>
    %eq3A_211 = vector.broadcast %convert_element_type3A_209 : vector<256x1xi32> to vector<256x64xi32>
    %eq3A_212 = arith.cmpi eq, %iota3A_210, %eq3A_211 : vector<256x64xi32>
    %convert_element_type3A_213 = arith.extui %eq3A_212 : vector<256x64xi1> to vector<256x64xi32>
    %convert_element_type3A_214 = arith.sitofp %convert_element_type3A_213 : vector<256x64xi32> to vector<256x64xf32>
    %reduce_sum3A_215 = arith.constant dense<0.000000e+00> : vector<64xf32>
    %reduce_sum3A_216 = vector.multi_reduction <add>, %convert_element_type3A_214, %reduce_sum3A_215 [0] : vector<256x64xf32> to vector<64xf32>
    %broadcast_in_dim3A_217 = vector.shape_cast %reduce_sum3A_216 : vector<64xf32> to vector<1x64xf32>
    %convert_element_type3A_218 = arith.fptosi %broadcast_in_dim3A_217 : vector<1x64xf32> to vector<1x64xi32>
    %mul3A_219 = arith.constant 4 : i32
    %mul3A_220 = arith.muli %arg0, %mul3A_219 : i32
    %add3A_221 = arith.constant 3 : i32
    %add3A_222 = arith.addi %mul3A_220, %add3A_221 : i32
    %swap3A_223 = arith.index_cast %add3A_222 : i32 to index
    %swap3A_224 = arith.constant 0 : index
    %swap3A_225 = vector.load %arg2[%swap3A_223, %swap3A_224] : memref<64x64xi32, #tpu.memory_space<vmem>>, vector<1x64xi32>
    tpu.vector_store %arg2[%swap3A_223, %swap3A_224], %convert_element_type3A_218 {strides = array<i32>} : memref<64x64xi32, #tpu.memory_space<vmem>>, vector<1x64xi32>,
    %get3A_226 = arith.constant 0 : index
    %get3A_227 = arith.constant 0 : index
    %get3A_228 = vector.load %arg1[%get3A_226, %get3A_227] : memref<8x1024xf32, #tpu.memory_space<vmem>>, vector<8x1024xf32>
    %transpose3A_229 = tpu.transpose %get3A_228, [1, 0] : vector<8x1024xf32> -> vector<1024x8xf32>
    %broadcast_in_dim3A_230 = arith.constant 0.000000e+00 : f32
    %broadcast_in_dim3A_231 = vector.broadcast %broadcast_in_dim3A_230 : f32 to vector<1024x120xf32>
    %concatenate3A = tpu.concatenate %transpose3A_229, %broadcast_in_dim3A_231 in 1 : vector<1024x8xf32>, vector<1024x120xf32> -> vector<1024x128xf32>
    %swap3A_232 = arith.constant 0 : index
    %swap3A_233 = arith.constant 0 : index
    %swap3A_234 = vector.load %arg3[%swap3A_232, %swap3A_233] : memref<1024x128xf32, #tpu.memory_space<vmem>>, vector<1024x128xf32>
    tpu.vector_store %arg3[%swap3A_232, %swap3A_233], %concatenate3A {strides = array<i32>} : memref<1024x128xf32, #tpu.memory_space<vmem>>, vector<1024x128xf32>,
    return
  }
  func.func @transform_0(%arg0: i32) -> (i32, i32) {
    %c0_i32 = arith.constant 0 : i32
    %c0_i32_0 = arith.constant 0 : i32
    return %c0_i32, %arg0 : i32, i32
  }
  func.func @transform_1(%arg0: i32) -> (i32, i32) {
    %c0_i32 = arith.constant 0 : i32
    %c0_i32_0 = arith.constant 0 : i32
    %c0_i32_1 = arith.constant 0 : i32
    return %c0_i32, %c0_i32_0 : i32, i32
  }
  func.func @transform_2(%arg0: i32) -> (i32, i32) {
    %c0_i32 = arith.constant 0 : i32
    %c0_i32_0 = arith.constant 0 : i32
    return %arg0, %c0_i32 : i32, i32
  }
}

module attributes {stable_mosaic.version = 14 : i64} {
  func.func @_route_kernel(%arg0: i32, %arg1: memref<8x2048xf32, #tpu.memory_space<vmem>>, %arg2: memref<64x64xi32, #tpu.memory_space<vmem>>, %arg3: memref<8x256xi32, #tpu.memory_space<vmem>>, %arg4: memref<2048x64xf32, #tpu.memory_space<vmem>>, %arg5: memref<8x256xi32, #tpu.memory_space<vmem>>, %arg6: memref<128x1xi32, #tpu.memory_space<vmem>>, %arg7: memref<1x64xf32, #tpu.memory_space<vmem>>, %arg8: memref<64x64xf32, #tpu.memory_space<vmem>>, %arg9: memref<128x1xi32, #tpu.memory_space<vmem>>, %arg10: memref<256x256xf32, #tpu.memory_space<vmem>>) attributes {dimension_semantics = [#tpu.dimension_semantics<arbitrary>], iteration_bounds = array<i64: 8>, scalar_prefetch = 0 : i64, scratch_operands = 4 : i64, tpu.core_type = #tpu.core_type<tc>, window_params = [{transform_indices = @transform_0, window_bounds = array<i64: 8, 2048>}, {pipeline_mode = #tpu.pipeline_mode<synchronous>, transform_indices = @transform_1, window_bounds = array<i64: 64, 64>}, {transform_indices = @transform_2, window_bounds = array<i64: 8, 256>}, {transform_indices = @transform_3, window_bounds = array<i64: 2048, 64>}, {transform_indices = @transform_4, window_bounds = array<i64: 8, 256>}, {pipeline_mode = #tpu.pipeline_mode<synchronous>, transform_indices = @transform_5, window_bounds = array<i64: 128, 1>}]} {
    %eq3A = arith.constant 0 : i32
    %eq3A_0 = arith.cmpi eq, %arg0, %eq3A : i32
    %convert_element_type3A = arith.extui %eq3A_0 : i1 to i32
    %cond3A = arith.constant 0 : i32
    %cond3A_1 = arith.cmpi ne, %convert_element_type3A, %cond3A : i32
    scf.if %cond3A_1 {
      %iota3A_587 = tpu.iota {dimensions = array<i32: 0>} : vector<256x256xi32>
      %iota3A_588 = tpu.iota {dimensions = array<i32: 1>} : vector<256x256xi32>
      %lt3A = arith.cmpi slt, %iota3A_588, %iota3A_587 : vector<256x256xi32>
      %convert_element_type3A_589 = arith.extui %lt3A : vector<256x256xi1> to vector<256x256xi32>
      %convert_element_type3A_590 = arith.sitofp %convert_element_type3A_589 : vector<256x256xi32> to vector<256x256xf32>
      %swap3A_591 = arith.constant 0 : index
      %swap3A_592 = arith.constant 0 : index
      %swap3A_593 = vector.load %arg10[%swap3A_591, %swap3A_592] : memref<256x256xf32, #tpu.memory_space<vmem>>, vector<256x256xf32>
      tpu.vector_store %arg10[%swap3A_591, %swap3A_592], %convert_element_type3A_590 {strides = array<i32>} : memref<256x256xf32, #tpu.memory_space<vmem>>, vector<256x256xf32>,
      %get3A_594 = arith.constant 0 : index
      %get3A_595 = arith.constant 0 : index
      %get3A_596 = vector.load %arg2[%get3A_594, %get3A_595] : memref<64x64xi32, #tpu.memory_space<vmem>>, vector<64x64xi32>
      %convert_element_type3A_597 = arith.sitofp %get3A_596 : vector<64x64xi32> to vector<64x64xf32>
      %iota3A_598 = tpu.iota {dimensions = array<i32: 0>} : vector<64x64xi32>
      %iota3A_599 = tpu.iota {dimensions = array<i32: 1>} : vector<64x64xi32>
      %lt3A_600 = arith.cmpi slt, %iota3A_599, %iota3A_598 : vector<64x64xi32>
      %convert_element_type3A_601 = arith.extui %lt3A_600 : vector<64x64xi1> to vector<64x64xi32>
      %convert_element_type3A_602 = arith.sitofp %convert_element_type3A_601 : vector<64x64xi32> to vector<64x64xf32>
      %dot_general3A_603 = arith.constant dense<0.000000e+00> : vector<64x64xf32>
      %dot_general3A_604 = tpu.matmul %convert_element_type3A_602, %convert_element_type3A_597, %dot_general3A_603 {dimension_numbers = #tpu.dot_dimension_numbers<[1], [0], [0], [1], [0, 0, 1, 1], [], []>, transpose_lhs_hint = false} : vector<64x64xf32>, vector<64x64xf32>, vector<64x64xf32> -> vector<64x64xf32>
      %swap3A_605 = arith.constant 0 : index
      %swap3A_606 = arith.constant 0 : index
      %swap3A_607 = vector.load %arg8[%swap3A_605, %swap3A_606] : memref<64x64xf32, #tpu.memory_space<vmem>>, vector<64x64xf32>
      tpu.vector_store %arg8[%swap3A_605, %swap3A_606], %dot_general3A_604 {strides = array<i32>} : memref<64x64xf32, #tpu.memory_space<vmem>>, vector<64x64xf32>,
      %reduce_sum3A_608 = arith.constant dense<0.000000e+00> : vector<64xf32>
      %reduce_sum3A_609 = vector.multi_reduction <add>, %convert_element_type3A_597, %reduce_sum3A_608 [0] : vector<64x64xf32> to vector<64xf32>
      %broadcast_in_dim3A_610 = vector.shape_cast %reduce_sum3A_609 : vector<64xf32> to vector<1x64xf32>
      %convert_element_type3A_611 = arith.fptosi %broadcast_in_dim3A_610 : vector<1x64xf32> to vector<1x64xi32>
      %add3A_612 = arith.constant 255 : i32
      %add3A_613 = vector.broadcast %add3A_612 : i32 to vector<1x64xi32>
      %add3A_614 = arith.addi %convert_element_type3A_611, %add3A_613 : vector<1x64xi32>
      %jit3A_615 = arith.constant 256 : i32
      %div3A_616 = vector.broadcast %jit3A_615 : i32 to vector<1x64xi32>
      %div3A_617 = arith.divsi %add3A_614, %div3A_616 : vector<1x64xi32>
      %sign3A = arith.constant 0 : i32
      %sign3A_618 = vector.broadcast %sign3A : i32 to vector<1x64xi32>
      %sign3A_619 = arith.cmpi sgt, %add3A_614, %sign3A_618 : vector<1x64xi32>
      %sign3A_620 = arith.extui %sign3A_619 : vector<1x64xi1> to vector<1x64xi32>
      %sign3A_621 = arith.constant 0 : i32
      %sign3A_622 = vector.broadcast %sign3A_621 : i32 to vector<1x64xi32>
      %sign3A_623 = arith.cmpi slt, %add3A_614, %sign3A_622 : vector<1x64xi32>
      %sign3A_624 = arith.extui %sign3A_623 : vector<1x64xi1> to vector<1x64xi32>
      %sign3A_625 = arith.subi %sign3A_620, %sign3A_624 : vector<1x64xi32>
      %sign3A_626 = arith.constant 0 : i32
      %sign3A_627 = arith.cmpi sgt, %jit3A_615, %sign3A_626 : i32
      %sign3A_628 = arith.extui %sign3A_627 : i1 to i32
      %sign3A_629 = arith.constant 0 : i32
      %sign3A_630 = arith.cmpi slt, %jit3A_615, %sign3A_629 : i32
      %sign3A_631 = arith.extui %sign3A_630 : i1 to i32
      %sign3A_632 = arith.subi %sign3A_628, %sign3A_631 : i32
      %ne3A = vector.broadcast %sign3A_632 : i32 to vector<1x64xi32>
      %ne3A_633 = arith.cmpi ne, %sign3A_625, %ne3A : vector<1x64xi32>
      %rem3A = vector.broadcast %jit3A_615 : i32 to vector<1x64xi32>
      %rem3A_634 = arith.remsi %add3A_614, %rem3A : vector<1x64xi32>
      %ne3A_635 = arith.constant 0 : i32
      %ne3A_636 = vector.broadcast %ne3A_635 : i32 to vector<1x64xi32>
      %ne3A_637 = arith.cmpi ne, %rem3A_634, %ne3A_636 : vector<1x64xi32>
      %and3A = arith.andi %ne3A_633, %ne3A_637 : vector<1x64xi1>
      %sub3A_638 = arith.constant 1 : i32
      %sub3A_639 = vector.broadcast %sub3A_638 : i32 to vector<1x64xi32>
      %sub3A_640 = arith.subi %div3A_617, %sub3A_639 : vector<1x64xi32>
      %select_n3A = arith.select %and3A, %sub3A_640, %div3A_617 : vector<1x64xi1>, vector<1x64xi32>
      %mul3A_641 = arith.constant 256 : i32
      %mul3A_642 = vector.broadcast %mul3A_641 : i32 to vector<1x64xi32>
      %mul3A_643 = arith.muli %select_n3A, %mul3A_642 : vector<1x64xi32>
      %lt3A_644 = arith.cmpi slt, %iota3A_598, %iota3A_599 : vector<64x64xi32>
      %convert_element_type3A_645 = arith.extui %lt3A_644 : vector<64x64xi1> to vector<64x64xi32>
      %convert_element_type3A_646 = arith.sitofp %convert_element_type3A_645 : vector<64x64xi32> to vector<64x64xf32>
      %convert_element_type3A_647 = arith.sitofp %mul3A_643 : vector<1x64xi32> to vector<1x64xf32>
      %dot_general3A_648 = arith.constant dense<0.000000e+00> : vector<1x64xf32>
      %dot_general3A_649 = tpu.matmul %convert_element_type3A_647, %convert_element_type3A_646, %dot_general3A_648 {dimension_numbers = #tpu.dot_dimension_numbers<[1], [0], [0], [1], [0, 0, 1, 1], [], []>, transpose_lhs_hint = false} : vector<1x64xf32>, vector<64x64xf32>, vector<1x64xf32> -> vector<1x64xf32>
      %swap3A_650 = arith.constant 0 : index
      %swap3A_651 = arith.constant 0 : index
      %swap3A_652 = vector.load %arg7[%swap3A_650, %swap3A_651] : memref<1x64xf32, #tpu.memory_space<vmem>>, vector<1x64xf32>
      tpu.vector_store %arg7[%swap3A_650, %swap3A_651], %dot_general3A_649 {strides = array<i32>} : memref<1x64xf32, #tpu.memory_space<vmem>>, vector<1x64xf32>,
      %convert_element_type3A_653 = arith.fptosi %dot_general3A_649 : vector<1x64xf32> to vector<1x64xi32>
      %add3A_654 = arith.addi %convert_element_type3A_653, %mul3A_643 : vector<1x64xi32>
      %iota3A_655 = tpu.iota {dimensions = array<i32: 0>} : vector<128x64xi32>
      %mul3A_656 = arith.constant 256 : i32
      %mul3A_657 = vector.broadcast %mul3A_656 : i32 to vector<128x64xi32>
      %mul3A_658 = arith.muli %iota3A_655, %mul3A_657 : vector<128x64xi32>
      %le3A = vector.broadcast %add3A_654 : vector<1x64xi32> to vector<128x64xi32>
      %le3A_659 = arith.cmpi sle, %le3A, %mul3A_658 : vector<128x64xi32>
      %convert_element_type3A_660 = arith.extui %le3A_659 : vector<128x64xi1> to vector<128x64xi32>
      %reduce_sum3A_661 = arith.constant dense<0> : vector<128xi32>
      %reduce_sum3A_662 = vector.multi_reduction <add>, %convert_element_type3A_660, %reduce_sum3A_661 [1] : vector<128x64xi32> to vector<128xi32>
      %broadcast_in_dim3A_663 = vector.shape_cast %reduce_sum3A_662 : vector<128xi32> to vector<128x1xi32>
      %min3A_664 = arith.constant 63 : i32
      %min3A_665 = vector.broadcast %min3A_664 : i32 to vector<128x1xi32>
      %min3A_666 = arith.minsi %broadcast_in_dim3A_663, %min3A_665 : vector<128x1xi32>
      %swap3A_667 = arith.constant 0 : index
      %swap3A_668 = arith.constant 0 : index
      %swap3A_669 = vector.load %arg9[%swap3A_667, %swap3A_668] : memref<128x1xi32, #tpu.memory_space<vmem>>, vector<128x1xi32>
      tpu.vector_store %arg9[%swap3A_667, %swap3A_668], %min3A_666 {strides = array<i32>} : memref<128x1xi32, #tpu.memory_space<vmem>>, vector<128x1xi32>,
    } else {
    }
    %get3A = arith.constant 0 : index
    %get3A_2 = arith.constant 0 : index
    %get3A_3 = vector.load %arg9[%get3A, %get3A_2] : memref<128x1xi32, #tpu.memory_space<vmem>>, vector<128x1xi32>
    %swap3A = arith.constant 0 : index
    %swap3A_4 = arith.constant 0 : index
    %swap3A_5 = vector.load %arg6[%swap3A, %swap3A_4] : memref<128x1xi32, #tpu.memory_space<vmem>>, vector<128x1xi32>
    tpu.vector_store %arg6[%swap3A, %swap3A_4], %get3A_3 {strides = array<i32>} : memref<128x1xi32, #tpu.memory_space<vmem>>, vector<128x1xi32>,
    %get3A_6 = arith.constant 0 : index
    %get3A_7 = arith.constant 0 : index
    %get3A_8 = vector.load %arg10[%get3A_6, %get3A_7] : memref<256x256xf32, #tpu.memory_space<vmem>>, vector<256x256xf32>
    %get3A_9 = arith.constant 0 : index
    %get3A_10 = arith.constant 0 : index
    %get3A_11 = vector.load %arg1[%get3A_9, %get3A_10] : memref<8x2048xf32, #tpu.memory_space<vmem>>, vector<8x256xf32>
    %slice3A = vector.extract_strided_slice %get3A_11 {offsets = [0, 0], sizes = [1, 256], strides = [1, 1]} : vector<8x256xf32> to vector<1x256xf32>
    %slice3A_12 = vector.extract_strided_slice %get3A_11 {offsets = [1, 0], sizes = [1, 256], strides = [1, 1]} : vector<8x256xf32> to vector<1x256xf32>
    %slice3A_13 = vector.extract_strided_slice %get3A_11 {offsets = [2, 0], sizes = [1, 256], strides = [1, 1]} : vector<8x256xf32> to vector<1x256xf32>
    %atan23A = math.atan2 %slice3A_12, %slice3A : vector<1x256xf32>
    %add3A = arith.constant 3.14159274 : f32
    %add3A_14 = vector.broadcast %add3A : f32 to vector<1x256xf32>
    %add3A_15 = arith.addf %atan23A, %add3A_14 : vector<1x256xf32>
    %div3A = arith.constant 6.28318548 : f32
    %div3A_16 = vector.broadcast %div3A : f32 to vector<1x256xf32>
    %div3A_17 = arith.divf %add3A_15, %div3A_16 : vector<1x256xf32>
    %mul3A = arith.constant 8.000000e+00 : f32
    %mul3A_18 = vector.broadcast %mul3A : f32 to vector<1x256xf32>
    %mul3A_19 = arith.mulf %div3A_17, %mul3A_18 : vector<1x256xf32>
    %floor3A = math.floor %mul3A_19 : vector<1x256xf32>
    %jit3A = arith.constant 0.000000e+00 : f32
    %jit3A_20 = arith.constant 7.000000e+00 : f32
    %max3A = vector.broadcast %jit3A : f32 to vector<1x256xf32>
    %max3A_21 = arith.maximumf %max3A, %floor3A : vector<1x256xf32>
    %min3A = vector.broadcast %jit3A_20 : f32 to vector<1x256xf32>
    %min3A_22 = arith.minimumf %min3A, %max3A_21 : vector<1x256xf32>
    %sub3A = arith.constant -3.000000e+00 : f32
    %sub3A_23 = vector.broadcast %sub3A : f32 to vector<1x256xf32>
    %sub3A_24 = arith.subf %slice3A_13, %sub3A_23 : vector<1x256xf32>
    %div3A_25 = arith.constant 4.000000e+00 : f32
    %div3A_26 = vector.broadcast %div3A_25 : f32 to vector<1x256xf32>
    %div3A_27 = arith.divf %sub3A_24, %div3A_26 : vector<1x256xf32>
    %mul3A_28 = arith.constant 8.000000e+00 : f32
    %mul3A_29 = vector.broadcast %mul3A_28 : f32 to vector<1x256xf32>
    %mul3A_30 = arith.mulf %div3A_27, %mul3A_29 : vector<1x256xf32>
    %floor3A_31 = math.floor %mul3A_30 : vector<1x256xf32>
    %jit3A_32 = arith.constant 0.000000e+00 : f32
    %jit3A_33 = arith.constant 7.000000e+00 : f32
    %max3A_34 = vector.broadcast %jit3A_32 : f32 to vector<1x256xf32>
    %max3A_35 = arith.maximumf %max3A_34, %floor3A_31 : vector<1x256xf32>
    %min3A_36 = vector.broadcast %jit3A_33 : f32 to vector<1x256xf32>
    %min3A_37 = arith.minimumf %min3A_36, %max3A_35 : vector<1x256xf32>
    %mul3A_38 = arith.constant 8.000000e+00 : f32
    %mul3A_39 = vector.broadcast %mul3A_38 : f32 to vector<1x256xf32>
    %mul3A_40 = arith.mulf %min3A_22, %mul3A_39 : vector<1x256xf32>
    %add3A_41 = arith.addf %mul3A_40, %min3A_37 : vector<1x256xf32>
    %transpose3A = tpu.transpose %add3A_41, [1, 0] : vector<1x256xf32> -> vector<256x1xf32>
    %convert_element_type3A_42 = arith.fptosi %transpose3A : vector<256x1xf32> to vector<256x1xi32>
    %iota3A = tpu.iota {dimensions = array<i32: 1>} : vector<256x64xi32>
    %eq3A_43 = vector.broadcast %convert_element_type3A_42 : vector<256x1xi32> to vector<256x64xi32>
    %eq3A_44 = arith.cmpi eq, %iota3A, %eq3A_43 : vector<256x64xi32>
    %convert_element_type3A_45 = arith.extui %eq3A_44 : vector<256x64xi1> to vector<256x64xi32>
    %convert_element_type3A_46 = arith.sitofp %convert_element_type3A_45 : vector<256x64xi32> to vector<256x64xf32>
    %swap3A_47 = arith.constant 0 : index
    %swap3A_48 = arith.constant 0 : index
    %swap3A_49 = vector.load %arg4[%swap3A_47, %swap3A_48] : memref<2048x64xf32, #tpu.memory_space<vmem>>, vector<256x64xf32>
    tpu.vector_store %arg4[%swap3A_47, %swap3A_48], %convert_element_type3A_46 {strides = array<i32>} : memref<2048x64xf32, #tpu.memory_space<vmem>>, vector<256x64xf32>,
    %dot_general3A = arith.constant dense<0.000000e+00> : vector<256x64xf32>
    %dot_general3A_50 = tpu.matmul %get3A_8, %convert_element_type3A_46, %dot_general3A {dimension_numbers = #tpu.dot_dimension_numbers<[1], [0], [0], [1], [0, 0, 1, 1], [], []>, transpose_lhs_hint = false} : vector<256x256xf32>, vector<256x64xf32>, vector<256x64xf32> -> vector<256x64xf32>
    %get3A_51 = arith.constant 0 : index
    %get3A_52 = arith.constant 0 : index
    %get3A_53 = vector.load %arg7[%get3A_51, %get3A_52] : memref<1x64xf32, #tpu.memory_space<vmem>>, vector<1x64xf32>
    %mul3A_54 = arith.constant 8 : i32
    %mul3A_55 = arith.muli %arg0, %mul3A_54 : i32
    %add3A_56 = arith.constant 0 : i32
    %add3A_57 = arith.addi %mul3A_55, %add3A_56 : i32
    %get3A_58 = arith.index_cast %add3A_57 : i32 to index
    %get3A_59 = arith.constant 0 : index
    %get3A_60 = vector.load %arg8[%get3A_58, %get3A_59] : memref<64x64xf32, #tpu.memory_space<vmem>>, vector<1x64xf32>
    %add3A_61 = arith.addf %get3A_53, %get3A_60 : vector<1x64xf32>
    %add3A_62 = vector.broadcast %add3A_61 : vector<1x64xf32> to vector<256x64xf32>
    %add3A_63 = arith.addf %dot_general3A_50, %add3A_62 : vector<256x64xf32>
    %mul3A_64 = arith.mulf %add3A_63, %convert_element_type3A_46 : vector<256x64xf32>
    %reduce_sum3A = arith.constant dense<0.000000e+00> : vector<256xf32>
    %reduce_sum3A_65 = vector.multi_reduction <add>, %mul3A_64, %reduce_sum3A [1] : vector<256x64xf32> to vector<256xf32>
    %broadcast_in_dim3A = vector.shape_cast %reduce_sum3A_65 : vector<256xf32> to vector<256x1xf32>
    %transpose3A_66 = tpu.transpose %broadcast_in_dim3A, [1, 0] : vector<256x1xf32> -> vector<1x256xf32>
    %get3A_67 = arith.constant 0 : index
    %get3A_68 = arith.constant 256 : index
    %get3A_69 = vector.load %arg1[%get3A_67, %get3A_68] : memref<8x2048xf32, #tpu.memory_space<vmem>>, vector<8x256xf32>
    %slice3A_70 = vector.extract_strided_slice %get3A_69 {offsets = [0, 0], sizes = [1, 256], strides = [1, 1]} : vector<8x256xf32> to vector<1x256xf32>
    %slice3A_71 = vector.extract_strided_slice %get3A_69 {offsets = [1, 0], sizes = [1, 256], strides = [1, 1]} : vector<8x256xf32> to vector<1x256xf32>
    %slice3A_72 = vector.extract_strided_slice %get3A_69 {offsets = [2, 0], sizes = [1, 256], strides = [1, 1]} : vector<8x256xf32> to vector<1x256xf32>
    %atan23A_73 = math.atan2 %slice3A_71, %slice3A_70 : vector<1x256xf32>
    %add3A_74 = arith.constant 3.14159274 : f32
    %add3A_75 = vector.broadcast %add3A_74 : f32 to vector<1x256xf32>
    %add3A_76 = arith.addf %atan23A_73, %add3A_75 : vector<1x256xf32>
    %div3A_77 = arith.constant 6.28318548 : f32
    %div3A_78 = vector.broadcast %div3A_77 : f32 to vector<1x256xf32>
    %div3A_79 = arith.divf %add3A_76, %div3A_78 : vector<1x256xf32>
    %mul3A_80 = arith.constant 8.000000e+00 : f32
    %mul3A_81 = vector.broadcast %mul3A_80 : f32 to vector<1x256xf32>
    %mul3A_82 = arith.mulf %div3A_79, %mul3A_81 : vector<1x256xf32>
    %floor3A_83 = math.floor %mul3A_82 : vector<1x256xf32>
    %jit3A_84 = arith.constant 0.000000e+00 : f32
    %jit3A_85 = arith.constant 7.000000e+00 : f32
    %max3A_86 = vector.broadcast %jit3A_84 : f32 to vector<1x256xf32>
    %max3A_87 = arith.maximumf %max3A_86, %floor3A_83 : vector<1x256xf32>
    %min3A_88 = vector.broadcast %jit3A_85 : f32 to vector<1x256xf32>
    %min3A_89 = arith.minimumf %min3A_88, %max3A_87 : vector<1x256xf32>
    %sub3A_90 = arith.constant -3.000000e+00 : f32
    %sub3A_91 = vector.broadcast %sub3A_90 : f32 to vector<1x256xf32>
    %sub3A_92 = arith.subf %slice3A_72, %sub3A_91 : vector<1x256xf32>
    %div3A_93 = arith.constant 4.000000e+00 : f32
    %div3A_94 = vector.broadcast %div3A_93 : f32 to vector<1x256xf32>
    %div3A_95 = arith.divf %sub3A_92, %div3A_94 : vector<1x256xf32>
    %mul3A_96 = arith.constant 8.000000e+00 : f32
    %mul3A_97 = vector.broadcast %mul3A_96 : f32 to vector<1x256xf32>
    %mul3A_98 = arith.mulf %div3A_95, %mul3A_97 : vector<1x256xf32>
    %floor3A_99 = math.floor %mul3A_98 : vector<1x256xf32>
    %jit3A_100 = arith.constant 0.000000e+00 : f32
    %jit3A_101 = arith.constant 7.000000e+00 : f32
    %max3A_102 = vector.broadcast %jit3A_100 : f32 to vector<1x256xf32>
    %max3A_103 = arith.maximumf %max3A_102, %floor3A_99 : vector<1x256xf32>
    %min3A_104 = vector.broadcast %jit3A_101 : f32 to vector<1x256xf32>
    %min3A_105 = arith.minimumf %min3A_104, %max3A_103 : vector<1x256xf32>
    %mul3A_106 = arith.constant 8.000000e+00 : f32
    %mul3A_107 = vector.broadcast %mul3A_106 : f32 to vector<1x256xf32>
    %mul3A_108 = arith.mulf %min3A_89, %mul3A_107 : vector<1x256xf32>
    %add3A_109 = arith.addf %mul3A_108, %min3A_105 : vector<1x256xf32>
    %transpose3A_110 = tpu.transpose %add3A_109, [1, 0] : vector<1x256xf32> -> vector<256x1xf32>
    %convert_element_type3A_111 = arith.fptosi %transpose3A_110 : vector<256x1xf32> to vector<256x1xi32>
    %iota3A_112 = tpu.iota {dimensions = array<i32: 1>} : vector<256x64xi32>
    %eq3A_113 = vector.broadcast %convert_element_type3A_111 : vector<256x1xi32> to vector<256x64xi32>
    %eq3A_114 = arith.cmpi eq, %iota3A_112, %eq3A_113 : vector<256x64xi32>
    %convert_element_type3A_115 = arith.extui %eq3A_114 : vector<256x64xi1> to vector<256x64xi32>
    %convert_element_type3A_116 = arith.sitofp %convert_element_type3A_115 : vector<256x64xi32> to vector<256x64xf32>
    %swap3A_117 = arith.constant 256 : index
    %swap3A_118 = arith.constant 0 : index
    %swap3A_119 = vector.load %arg4[%swap3A_117, %swap3A_118] : memref<2048x64xf32, #tpu.memory_space<vmem>>, vector<256x64xf32>
    tpu.vector_store %arg4[%swap3A_117, %swap3A_118], %convert_element_type3A_116 {strides = array<i32>} : memref<2048x64xf32, #tpu.memory_space<vmem>>, vector<256x64xf32>,
    %dot_general3A_120 = arith.constant dense<0.000000e+00> : vector<256x64xf32>
    %dot_general3A_121 = tpu.matmul %get3A_8, %convert_element_type3A_116, %dot_general3A_120 {dimension_numbers = #tpu.dot_dimension_numbers<[1], [0], [0], [1], [0, 0, 1, 1], [], []>, transpose_lhs_hint = false} : vector<256x256xf32>, vector<256x64xf32>, vector<256x64xf32> -> vector<256x64xf32>
    %get3A_122 = arith.constant 0 : index
    %get3A_123 = arith.constant 0 : index
    %get3A_124 = vector.load %arg7[%get3A_122, %get3A_123] : memref<1x64xf32, #tpu.memory_space<vmem>>, vector<1x64xf32>
    %mul3A_125 = arith.constant 8 : i32
    %mul3A_126 = arith.muli %arg0, %mul3A_125 : i32
    %add3A_127 = arith.constant 1 : i32
    %add3A_128 = arith.addi %mul3A_126, %add3A_127 : i32
    %get3A_129 = arith.index_cast %add3A_128 : i32 to index
    %get3A_130 = arith.constant 0 : index
    %get3A_131 = vector.load %arg8[%get3A_129, %get3A_130] : memref<64x64xf32, #tpu.memory_space<vmem>>, vector<1x64xf32>
    %add3A_132 = arith.addf %get3A_124, %get3A_131 : vector<1x64xf32>
    %add3A_133 = vector.broadcast %add3A_132 : vector<1x64xf32> to vector<256x64xf32>
    %add3A_134 = arith.addf %dot_general3A_121, %add3A_133 : vector<256x64xf32>
    %mul3A_135 = arith.mulf %add3A_134, %convert_element_type3A_116 : vector<256x64xf32>
    %reduce_sum3A_136 = arith.constant dense<0.000000e+00> : vector<256xf32>
    %reduce_sum3A_137 = vector.multi_reduction <add>, %mul3A_135, %reduce_sum3A_136 [1] : vector<256x64xf32> to vector<256xf32>
    %broadcast_in_dim3A_138 = vector.shape_cast %reduce_sum3A_137 : vector<256xf32> to vector<256x1xf32>
    %transpose3A_139 = tpu.transpose %broadcast_in_dim3A_138, [1, 0] : vector<256x1xf32> -> vector<1x256xf32>
    %get3A_140 = arith.constant 0 : index
    %get3A_141 = arith.constant 512 : index
    %get3A_142 = vector.load %arg1[%get3A_140, %get3A_141] : memref<8x2048xf32, #tpu.memory_space<vmem>>, vector<8x256xf32>
    %slice3A_143 = vector.extract_strided_slice %get3A_142 {offsets = [0, 0], sizes = [1, 256], strides = [1, 1]} : vector<8x256xf32> to vector<1x256xf32>
    %slice3A_144 = vector.extract_strided_slice %get3A_142 {offsets = [1, 0], sizes = [1, 256], strides = [1, 1]} : vector<8x256xf32> to vector<1x256xf32>
    %slice3A_145 = vector.extract_strided_slice %get3A_142 {offsets = [2, 0], sizes = [1, 256], strides = [1, 1]} : vector<8x256xf32> to vector<1x256xf32>
    %atan23A_146 = math.atan2 %slice3A_144, %slice3A_143 : vector<1x256xf32>
    %add3A_147 = arith.constant 3.14159274 : f32
    %add3A_148 = vector.broadcast %add3A_147 : f32 to vector<1x256xf32>
    %add3A_149 = arith.addf %atan23A_146, %add3A_148 : vector<1x256xf32>
    %div3A_150 = arith.constant 6.28318548 : f32
    %div3A_151 = vector.broadcast %div3A_150 : f32 to vector<1x256xf32>
    %div3A_152 = arith.divf %add3A_149, %div3A_151 : vector<1x256xf32>
    %mul3A_153 = arith.constant 8.000000e+00 : f32
    %mul3A_154 = vector.broadcast %mul3A_153 : f32 to vector<1x256xf32>
    %mul3A_155 = arith.mulf %div3A_152, %mul3A_154 : vector<1x256xf32>
    %floor3A_156 = math.floor %mul3A_155 : vector<1x256xf32>
    %jit3A_157 = arith.constant 0.000000e+00 : f32
    %jit3A_158 = arith.constant 7.000000e+00 : f32
    %max3A_159 = vector.broadcast %jit3A_157 : f32 to vector<1x256xf32>
    %max3A_160 = arith.maximumf %max3A_159, %floor3A_156 : vector<1x256xf32>
    %min3A_161 = vector.broadcast %jit3A_158 : f32 to vector<1x256xf32>
    %min3A_162 = arith.minimumf %min3A_161, %max3A_160 : vector<1x256xf32>
    %sub3A_163 = arith.constant -3.000000e+00 : f32
    %sub3A_164 = vector.broadcast %sub3A_163 : f32 to vector<1x256xf32>
    %sub3A_165 = arith.subf %slice3A_145, %sub3A_164 : vector<1x256xf32>
    %div3A_166 = arith.constant 4.000000e+00 : f32
    %div3A_167 = vector.broadcast %div3A_166 : f32 to vector<1x256xf32>
    %div3A_168 = arith.divf %sub3A_165, %div3A_167 : vector<1x256xf32>
    %mul3A_169 = arith.constant 8.000000e+00 : f32
    %mul3A_170 = vector.broadcast %mul3A_169 : f32 to vector<1x256xf32>
    %mul3A_171 = arith.mulf %div3A_168, %mul3A_170 : vector<1x256xf32>
    %floor3A_172 = math.floor %mul3A_171 : vector<1x256xf32>
    %jit3A_173 = arith.constant 0.000000e+00 : f32
    %jit3A_174 = arith.constant 7.000000e+00 : f32
    %max3A_175 = vector.broadcast %jit3A_173 : f32 to vector<1x256xf32>
    %max3A_176 = arith.maximumf %max3A_175, %floor3A_172 : vector<1x256xf32>
    %min3A_177 = vector.broadcast %jit3A_174 : f32 to vector<1x256xf32>
    %min3A_178 = arith.minimumf %min3A_177, %max3A_176 : vector<1x256xf32>
    %mul3A_179 = arith.constant 8.000000e+00 : f32
    %mul3A_180 = vector.broadcast %mul3A_179 : f32 to vector<1x256xf32>
    %mul3A_181 = arith.mulf %min3A_162, %mul3A_180 : vector<1x256xf32>
    %add3A_182 = arith.addf %mul3A_181, %min3A_178 : vector<1x256xf32>
    %transpose3A_183 = tpu.transpose %add3A_182, [1, 0] : vector<1x256xf32> -> vector<256x1xf32>
    %convert_element_type3A_184 = arith.fptosi %transpose3A_183 : vector<256x1xf32> to vector<256x1xi32>
    %iota3A_185 = tpu.iota {dimensions = array<i32: 1>} : vector<256x64xi32>
    %eq3A_186 = vector.broadcast %convert_element_type3A_184 : vector<256x1xi32> to vector<256x64xi32>
    %eq3A_187 = arith.cmpi eq, %iota3A_185, %eq3A_186 : vector<256x64xi32>
    %convert_element_type3A_188 = arith.extui %eq3A_187 : vector<256x64xi1> to vector<256x64xi32>
    %convert_element_type3A_189 = arith.sitofp %convert_element_type3A_188 : vector<256x64xi32> to vector<256x64xf32>
    %swap3A_190 = arith.constant 512 : index
    %swap3A_191 = arith.constant 0 : index
    %swap3A_192 = vector.load %arg4[%swap3A_190, %swap3A_191] : memref<2048x64xf32, #tpu.memory_space<vmem>>, vector<256x64xf32>
    tpu.vector_store %arg4[%swap3A_190, %swap3A_191], %convert_element_type3A_189 {strides = array<i32>} : memref<2048x64xf32, #tpu.memory_space<vmem>>, vector<256x64xf32>,
    %dot_general3A_193 = arith.constant dense<0.000000e+00> : vector<256x64xf32>
    %dot_general3A_194 = tpu.matmul %get3A_8, %convert_element_type3A_189, %dot_general3A_193 {dimension_numbers = #tpu.dot_dimension_numbers<[1], [0], [0], [1], [0, 0, 1, 1], [], []>, transpose_lhs_hint = false} : vector<256x256xf32>, vector<256x64xf32>, vector<256x64xf32> -> vector<256x64xf32>
    %get3A_195 = arith.constant 0 : index
    %get3A_196 = arith.constant 0 : index
    %get3A_197 = vector.load %arg7[%get3A_195, %get3A_196] : memref<1x64xf32, #tpu.memory_space<vmem>>, vector<1x64xf32>
    %mul3A_198 = arith.constant 8 : i32
    %mul3A_199 = arith.muli %arg0, %mul3A_198 : i32
    %add3A_200 = arith.constant 2 : i32
    %add3A_201 = arith.addi %mul3A_199, %add3A_200 : i32
    %get3A_202 = arith.index_cast %add3A_201 : i32 to index
    %get3A_203 = arith.constant 0 : index
    %get3A_204 = vector.load %arg8[%get3A_202, %get3A_203] : memref<64x64xf32, #tpu.memory_space<vmem>>, vector<1x64xf32>
    %add3A_205 = arith.addf %get3A_197, %get3A_204 : vector<1x64xf32>
    %add3A_206 = vector.broadcast %add3A_205 : vector<1x64xf32> to vector<256x64xf32>
    %add3A_207 = arith.addf %dot_general3A_194, %add3A_206 : vector<256x64xf32>
    %mul3A_208 = arith.mulf %add3A_207, %convert_element_type3A_189 : vector<256x64xf32>
    %reduce_sum3A_209 = arith.constant dense<0.000000e+00> : vector<256xf32>
    %reduce_sum3A_210 = vector.multi_reduction <add>, %mul3A_208, %reduce_sum3A_209 [1] : vector<256x64xf32> to vector<256xf32>
    %broadcast_in_dim3A_211 = vector.shape_cast %reduce_sum3A_210 : vector<256xf32> to vector<256x1xf32>
    %transpose3A_212 = tpu.transpose %broadcast_in_dim3A_211, [1, 0] : vector<256x1xf32> -> vector<1x256xf32>
    %get3A_213 = arith.constant 0 : index
    %get3A_214 = arith.constant 768 : index
    %get3A_215 = vector.load %arg1[%get3A_213, %get3A_214] : memref<8x2048xf32, #tpu.memory_space<vmem>>, vector<8x256xf32>
    %slice3A_216 = vector.extract_strided_slice %get3A_215 {offsets = [0, 0], sizes = [1, 256], strides = [1, 1]} : vector<8x256xf32> to vector<1x256xf32>
    %slice3A_217 = vector.extract_strided_slice %get3A_215 {offsets = [1, 0], sizes = [1, 256], strides = [1, 1]} : vector<8x256xf32> to vector<1x256xf32>
    %slice3A_218 = vector.extract_strided_slice %get3A_215 {offsets = [2, 0], sizes = [1, 256], strides = [1, 1]} : vector<8x256xf32> to vector<1x256xf32>
    %atan23A_219 = math.atan2 %slice3A_217, %slice3A_216 : vector<1x256xf32>
    %add3A_220 = arith.constant 3.14159274 : f32
    %add3A_221 = vector.broadcast %add3A_220 : f32 to vector<1x256xf32>
    %add3A_222 = arith.addf %atan23A_219, %add3A_221 : vector<1x256xf32>
    %div3A_223 = arith.constant 6.28318548 : f32
    %div3A_224 = vector.broadcast %div3A_223 : f32 to vector<1x256xf32>
    %div3A_225 = arith.divf %add3A_222, %div3A_224 : vector<1x256xf32>
    %mul3A_226 = arith.constant 8.000000e+00 : f32
    %mul3A_227 = vector.broadcast %mul3A_226 : f32 to vector<1x256xf32>
    %mul3A_228 = arith.mulf %div3A_225, %mul3A_227 : vector<1x256xf32>
    %floor3A_229 = math.floor %mul3A_228 : vector<1x256xf32>
    %jit3A_230 = arith.constant 0.000000e+00 : f32
    %jit3A_231 = arith.constant 7.000000e+00 : f32
    %max3A_232 = vector.broadcast %jit3A_230 : f32 to vector<1x256xf32>
    %max3A_233 = arith.maximumf %max3A_232, %floor3A_229 : vector<1x256xf32>
    %min3A_234 = vector.broadcast %jit3A_231 : f32 to vector<1x256xf32>
    %min3A_235 = arith.minimumf %min3A_234, %max3A_233 : vector<1x256xf32>
    %sub3A_236 = arith.constant -3.000000e+00 : f32
    %sub3A_237 = vector.broadcast %sub3A_236 : f32 to vector<1x256xf32>
    %sub3A_238 = arith.subf %slice3A_218, %sub3A_237 : vector<1x256xf32>
    %div3A_239 = arith.constant 4.000000e+00 : f32
    %div3A_240 = vector.broadcast %div3A_239 : f32 to vector<1x256xf32>
    %div3A_241 = arith.divf %sub3A_238, %div3A_240 : vector<1x256xf32>
    %mul3A_242 = arith.constant 8.000000e+00 : f32
    %mul3A_243 = vector.broadcast %mul3A_242 : f32 to vector<1x256xf32>
    %mul3A_244 = arith.mulf %div3A_241, %mul3A_243 : vector<1x256xf32>
    %floor3A_245 = math.floor %mul3A_244 : vector<1x256xf32>
    %jit3A_246 = arith.constant 0.000000e+00 : f32
    %jit3A_247 = arith.constant 7.000000e+00 : f32
    %max3A_248 = vector.broadcast %jit3A_246 : f32 to vector<1x256xf32>
    %max3A_249 = arith.maximumf %max3A_248, %floor3A_245 : vector<1x256xf32>
    %min3A_250 = vector.broadcast %jit3A_247 : f32 to vector<1x256xf32>
    %min3A_251 = arith.minimumf %min3A_250, %max3A_249 : vector<1x256xf32>
    %mul3A_252 = arith.constant 8.000000e+00 : f32
    %mul3A_253 = vector.broadcast %mul3A_252 : f32 to vector<1x256xf32>
    %mul3A_254 = arith.mulf %min3A_235, %mul3A_253 : vector<1x256xf32>
    %add3A_255 = arith.addf %mul3A_254, %min3A_251 : vector<1x256xf32>
    %transpose3A_256 = tpu.transpose %add3A_255, [1, 0] : vector<1x256xf32> -> vector<256x1xf32>
    %convert_element_type3A_257 = arith.fptosi %transpose3A_256 : vector<256x1xf32> to vector<256x1xi32>
    %iota3A_258 = tpu.iota {dimensions = array<i32: 1>} : vector<256x64xi32>
    %eq3A_259 = vector.broadcast %convert_element_type3A_257 : vector<256x1xi32> to vector<256x64xi32>
    %eq3A_260 = arith.cmpi eq, %iota3A_258, %eq3A_259 : vector<256x64xi32>
    %convert_element_type3A_261 = arith.extui %eq3A_260 : vector<256x64xi1> to vector<256x64xi32>
    %convert_element_type3A_262 = arith.sitofp %convert_element_type3A_261 : vector<256x64xi32> to vector<256x64xf32>
    %swap3A_263 = arith.constant 768 : index
    %swap3A_264 = arith.constant 0 : index
    %swap3A_265 = vector.load %arg4[%swap3A_263, %swap3A_264] : memref<2048x64xf32, #tpu.memory_space<vmem>>, vector<256x64xf32>
    tpu.vector_store %arg4[%swap3A_263, %swap3A_264], %convert_element_type3A_262 {strides = array<i32>} : memref<2048x64xf32, #tpu.memory_space<vmem>>, vector<256x64xf32>,
    %dot_general3A_266 = arith.constant dense<0.000000e+00> : vector<256x64xf32>
    %dot_general3A_267 = tpu.matmul %get3A_8, %convert_element_type3A_262, %dot_general3A_266 {dimension_numbers = #tpu.dot_dimension_numbers<[1], [0], [0], [1], [0, 0, 1, 1], [], []>, transpose_lhs_hint = false} : vector<256x256xf32>, vector<256x64xf32>, vector<256x64xf32> -> vector<256x64xf32>
    %get3A_268 = arith.constant 0 : index
    %get3A_269 = arith.constant 0 : index
    %get3A_270 = vector.load %arg7[%get3A_268, %get3A_269] : memref<1x64xf32, #tpu.memory_space<vmem>>, vector<1x64xf32>
    %mul3A_271 = arith.constant 8 : i32
    %mul3A_272 = arith.muli %arg0, %mul3A_271 : i32
    %add3A_273 = arith.constant 3 : i32
    %add3A_274 = arith.addi %mul3A_272, %add3A_273 : i32
    %get3A_275 = arith.index_cast %add3A_274 : i32 to index
    %get3A_276 = arith.constant 0 : index
    %get3A_277 = vector.load %arg8[%get3A_275, %get3A_276] : memref<64x64xf32, #tpu.memory_space<vmem>>, vector<1x64xf32>
    %add3A_278 = arith.addf %get3A_270, %get3A_277 : vector<1x64xf32>
    %add3A_279 = vector.broadcast %add3A_278 : vector<1x64xf32> to vector<256x64xf32>
    %add3A_280 = arith.addf %dot_general3A_267, %add3A_279 : vector<256x64xf32>
    %mul3A_281 = arith.mulf %add3A_280, %convert_element_type3A_262 : vector<256x64xf32>
    %reduce_sum3A_282 = arith.constant dense<0.000000e+00> : vector<256xf32>
    %reduce_sum3A_283 = vector.multi_reduction <add>, %mul3A_281, %reduce_sum3A_282 [1] : vector<256x64xf32> to vector<256xf32>
    %broadcast_in_dim3A_284 = vector.shape_cast %reduce_sum3A_283 : vector<256xf32> to vector<256x1xf32>
    %transpose3A_285 = tpu.transpose %broadcast_in_dim3A_284, [1, 0] : vector<256x1xf32> -> vector<1x256xf32>
    %get3A_286 = arith.constant 0 : index
    %get3A_287 = arith.constant 1024 : index
    %get3A_288 = vector.load %arg1[%get3A_286, %get3A_287] : memref<8x2048xf32, #tpu.memory_space<vmem>>, vector<8x256xf32>
    %slice3A_289 = vector.extract_strided_slice %get3A_288 {offsets = [0, 0], sizes = [1, 256], strides = [1, 1]} : vector<8x256xf32> to vector<1x256xf32>
    %slice3A_290 = vector.extract_strided_slice %get3A_288 {offsets = [1, 0], sizes = [1, 256], strides = [1, 1]} : vector<8x256xf32> to vector<1x256xf32>
    %slice3A_291 = vector.extract_strided_slice %get3A_288 {offsets = [2, 0], sizes = [1, 256], strides = [1, 1]} : vector<8x256xf32> to vector<1x256xf32>
    %atan23A_292 = math.atan2 %slice3A_290, %slice3A_289 : vector<1x256xf32>
    %add3A_293 = arith.constant 3.14159274 : f32
    %add3A_294 = vector.broadcast %add3A_293 : f32 to vector<1x256xf32>
    %add3A_295 = arith.addf %atan23A_292, %add3A_294 : vector<1x256xf32>
    %div3A_296 = arith.constant 6.28318548 : f32
    %div3A_297 = vector.broadcast %div3A_296 : f32 to vector<1x256xf32>
    %div3A_298 = arith.divf %add3A_295, %div3A_297 : vector<1x256xf32>
    %mul3A_299 = arith.constant 8.000000e+00 : f32
    %mul3A_300 = vector.broadcast %mul3A_299 : f32 to vector<1x256xf32>
    %mul3A_301 = arith.mulf %div3A_298, %mul3A_300 : vector<1x256xf32>
    %floor3A_302 = math.floor %mul3A_301 : vector<1x256xf32>
    %jit3A_303 = arith.constant 0.000000e+00 : f32
    %jit3A_304 = arith.constant 7.000000e+00 : f32
    %max3A_305 = vector.broadcast %jit3A_303 : f32 to vector<1x256xf32>
    %max3A_306 = arith.maximumf %max3A_305, %floor3A_302 : vector<1x256xf32>
    %min3A_307 = vector.broadcast %jit3A_304 : f32 to vector<1x256xf32>
    %min3A_308 = arith.minimumf %min3A_307, %max3A_306 : vector<1x256xf32>
    %sub3A_309 = arith.constant -3.000000e+00 : f32
    %sub3A_310 = vector.broadcast %sub3A_309 : f32 to vector<1x256xf32>
    %sub3A_311 = arith.subf %slice3A_291, %sub3A_310 : vector<1x256xf32>
    %div3A_312 = arith.constant 4.000000e+00 : f32
    %div3A_313 = vector.broadcast %div3A_312 : f32 to vector<1x256xf32>
    %div3A_314 = arith.divf %sub3A_311, %div3A_313 : vector<1x256xf32>
    %mul3A_315 = arith.constant 8.000000e+00 : f32
    %mul3A_316 = vector.broadcast %mul3A_315 : f32 to vector<1x256xf32>
    %mul3A_317 = arith.mulf %div3A_314, %mul3A_316 : vector<1x256xf32>
    %floor3A_318 = math.floor %mul3A_317 : vector<1x256xf32>
    %jit3A_319 = arith.constant 0.000000e+00 : f32
    %jit3A_320 = arith.constant 7.000000e+00 : f32
    %max3A_321 = vector.broadcast %jit3A_319 : f32 to vector<1x256xf32>
    %max3A_322 = arith.maximumf %max3A_321, %floor3A_318 : vector<1x256xf32>
    %min3A_323 = vector.broadcast %jit3A_320 : f32 to vector<1x256xf32>
    %min3A_324 = arith.minimumf %min3A_323, %max3A_322 : vector<1x256xf32>
    %mul3A_325 = arith.constant 8.000000e+00 : f32
    %mul3A_326 = vector.broadcast %mul3A_325 : f32 to vector<1x256xf32>
    %mul3A_327 = arith.mulf %min3A_308, %mul3A_326 : vector<1x256xf32>
    %add3A_328 = arith.addf %mul3A_327, %min3A_324 : vector<1x256xf32>
    %transpose3A_329 = tpu.transpose %add3A_328, [1, 0] : vector<1x256xf32> -> vector<256x1xf32>
    %convert_element_type3A_330 = arith.fptosi %transpose3A_329 : vector<256x1xf32> to vector<256x1xi32>
    %iota3A_331 = tpu.iota {dimensions = array<i32: 1>} : vector<256x64xi32>
    %eq3A_332 = vector.broadcast %convert_element_type3A_330 : vector<256x1xi32> to vector<256x64xi32>
    %eq3A_333 = arith.cmpi eq, %iota3A_331, %eq3A_332 : vector<256x64xi32>
    %convert_element_type3A_334 = arith.extui %eq3A_333 : vector<256x64xi1> to vector<256x64xi32>
    %convert_element_type3A_335 = arith.sitofp %convert_element_type3A_334 : vector<256x64xi32> to vector<256x64xf32>
    %swap3A_336 = arith.constant 1024 : index
    %swap3A_337 = arith.constant 0 : index
    %swap3A_338 = vector.load %arg4[%swap3A_336, %swap3A_337] : memref<2048x64xf32, #tpu.memory_space<vmem>>, vector<256x64xf32>
    tpu.vector_store %arg4[%swap3A_336, %swap3A_337], %convert_element_type3A_335 {strides = array<i32>} : memref<2048x64xf32, #tpu.memory_space<vmem>>, vector<256x64xf32>,
    %dot_general3A_339 = arith.constant dense<0.000000e+00> : vector<256x64xf32>
    %dot_general3A_340 = tpu.matmul %get3A_8, %convert_element_type3A_335, %dot_general3A_339 {dimension_numbers = #tpu.dot_dimension_numbers<[1], [0], [0], [1], [0, 0, 1, 1], [], []>, transpose_lhs_hint = false} : vector<256x256xf32>, vector<256x64xf32>, vector<256x64xf32> -> vector<256x64xf32>
    %get3A_341 = arith.constant 0 : index
    %get3A_342 = arith.constant 0 : index
    %get3A_343 = vector.load %arg7[%get3A_341, %get3A_342] : memref<1x64xf32, #tpu.memory_space<vmem>>, vector<1x64xf32>
    %mul3A_344 = arith.constant 8 : i32
    %mul3A_345 = arith.muli %arg0, %mul3A_344 : i32
    %add3A_346 = arith.constant 4 : i32
    %add3A_347 = arith.addi %mul3A_345, %add3A_346 : i32
    %get3A_348 = arith.index_cast %add3A_347 : i32 to index
    %get3A_349 = arith.constant 0 : index
    %get3A_350 = vector.load %arg8[%get3A_348, %get3A_349] : memref<64x64xf32, #tpu.memory_space<vmem>>, vector<1x64xf32>
    %add3A_351 = arith.addf %get3A_343, %get3A_350 : vector<1x64xf32>
    %add3A_352 = vector.broadcast %add3A_351 : vector<1x64xf32> to vector<256x64xf32>
    %add3A_353 = arith.addf %dot_general3A_340, %add3A_352 : vector<256x64xf32>
    %mul3A_354 = arith.mulf %add3A_353, %convert_element_type3A_335 : vector<256x64xf32>
    %reduce_sum3A_355 = arith.constant dense<0.000000e+00> : vector<256xf32>
    %reduce_sum3A_356 = vector.multi_reduction <add>, %mul3A_354, %reduce_sum3A_355 [1] : vector<256x64xf32> to vector<256xf32>
    %broadcast_in_dim3A_357 = vector.shape_cast %reduce_sum3A_356 : vector<256xf32> to vector<256x1xf32>
    %transpose3A_358 = tpu.transpose %broadcast_in_dim3A_357, [1, 0] : vector<256x1xf32> -> vector<1x256xf32>
    %get3A_359 = arith.constant 0 : index
    %get3A_360 = arith.constant 1280 : index
    %get3A_361 = vector.load %arg1[%get3A_359, %get3A_360] : memref<8x2048xf32, #tpu.memory_space<vmem>>, vector<8x256xf32>
    %slice3A_362 = vector.extract_strided_slice %get3A_361 {offsets = [0, 0], sizes = [1, 256], strides = [1, 1]} : vector<8x256xf32> to vector<1x256xf32>
    %slice3A_363 = vector.extract_strided_slice %get3A_361 {offsets = [1, 0], sizes = [1, 256], strides = [1, 1]} : vector<8x256xf32> to vector<1x256xf32>
    %slice3A_364 = vector.extract_strided_slice %get3A_361 {offsets = [2, 0], sizes = [1, 256], strides = [1, 1]} : vector<8x256xf32> to vector<1x256xf32>
    %atan23A_365 = math.atan2 %slice3A_363, %slice3A_362 : vector<1x256xf32>
    %add3A_366 = arith.constant 3.14159274 : f32
    %add3A_367 = vector.broadcast %add3A_366 : f32 to vector<1x256xf32>
    %add3A_368 = arith.addf %atan23A_365, %add3A_367 : vector<1x256xf32>
    %div3A_369 = arith.constant 6.28318548 : f32
    %div3A_370 = vector.broadcast %div3A_369 : f32 to vector<1x256xf32>
    %div3A_371 = arith.divf %add3A_368, %div3A_370 : vector<1x256xf32>
    %mul3A_372 = arith.constant 8.000000e+00 : f32
    %mul3A_373 = vector.broadcast %mul3A_372 : f32 to vector<1x256xf32>
    %mul3A_374 = arith.mulf %div3A_371, %mul3A_373 : vector<1x256xf32>
    %floor3A_375 = math.floor %mul3A_374 : vector<1x256xf32>
    %jit3A_376 = arith.constant 0.000000e+00 : f32
    %jit3A_377 = arith.constant 7.000000e+00 : f32
    %max3A_378 = vector.broadcast %jit3A_376 : f32 to vector<1x256xf32>
    %max3A_379 = arith.maximumf %max3A_378, %floor3A_375 : vector<1x256xf32>
    %min3A_380 = vector.broadcast %jit3A_377 : f32 to vector<1x256xf32>
    %min3A_381 = arith.minimumf %min3A_380, %max3A_379 : vector<1x256xf32>
    %sub3A_382 = arith.constant -3.000000e+00 : f32
    %sub3A_383 = vector.broadcast %sub3A_382 : f32 to vector<1x256xf32>
    %sub3A_384 = arith.subf %slice3A_364, %sub3A_383 : vector<1x256xf32>
    %div3A_385 = arith.constant 4.000000e+00 : f32
    %div3A_386 = vector.broadcast %div3A_385 : f32 to vector<1x256xf32>
    %div3A_387 = arith.divf %sub3A_384, %div3A_386 : vector<1x256xf32>
    %mul3A_388 = arith.constant 8.000000e+00 : f32
    %mul3A_389 = vector.broadcast %mul3A_388 : f32 to vector<1x256xf32>
    %mul3A_390 = arith.mulf %div3A_387, %mul3A_389 : vector<1x256xf32>
    %floor3A_391 = math.floor %mul3A_390 : vector<1x256xf32>
    %jit3A_392 = arith.constant 0.000000e+00 : f32
    %jit3A_393 = arith.constant 7.000000e+00 : f32
    %max3A_394 = vector.broadcast %jit3A_392 : f32 to vector<1x256xf32>
    %max3A_395 = arith.maximumf %max3A_394, %floor3A_391 : vector<1x256xf32>
    %min3A_396 = vector.broadcast %jit3A_393 : f32 to vector<1x256xf32>
    %min3A_397 = arith.minimumf %min3A_396, %max3A_395 : vector<1x256xf32>
    %mul3A_398 = arith.constant 8.000000e+00 : f32
    %mul3A_399 = vector.broadcast %mul3A_398 : f32 to vector<1x256xf32>
    %mul3A_400 = arith.mulf %min3A_381, %mul3A_399 : vector<1x256xf32>
    %add3A_401 = arith.addf %mul3A_400, %min3A_397 : vector<1x256xf32>
    %transpose3A_402 = tpu.transpose %add3A_401, [1, 0] : vector<1x256xf32> -> vector<256x1xf32>
    %convert_element_type3A_403 = arith.fptosi %transpose3A_402 : vector<256x1xf32> to vector<256x1xi32>
    %iota3A_404 = tpu.iota {dimensions = array<i32: 1>} : vector<256x64xi32>
    %eq3A_405 = vector.broadcast %convert_element_type3A_403 : vector<256x1xi32> to vector<256x64xi32>
    %eq3A_406 = arith.cmpi eq, %iota3A_404, %eq3A_405 : vector<256x64xi32>
    %convert_element_type3A_407 = arith.extui %eq3A_406 : vector<256x64xi1> to vector<256x64xi32>
    %convert_element_type3A_408 = arith.sitofp %convert_element_type3A_407 : vector<256x64xi32> to vector<256x64xf32>
    %swap3A_409 = arith.constant 1280 : index
    %swap3A_410 = arith.constant 0 : index
    %swap3A_411 = vector.load %arg4[%swap3A_409, %swap3A_410] : memref<2048x64xf32, #tpu.memory_space<vmem>>, vector<256x64xf32>
    tpu.vector_store %arg4[%swap3A_409, %swap3A_410], %convert_element_type3A_408 {strides = array<i32>} : memref<2048x64xf32, #tpu.memory_space<vmem>>, vector<256x64xf32>,
    %dot_general3A_412 = arith.constant dense<0.000000e+00> : vector<256x64xf32>
    %dot_general3A_413 = tpu.matmul %get3A_8, %convert_element_type3A_408, %dot_general3A_412 {dimension_numbers = #tpu.dot_dimension_numbers<[1], [0], [0], [1], [0, 0, 1, 1], [], []>, transpose_lhs_hint = false} : vector<256x256xf32>, vector<256x64xf32>, vector<256x64xf32> -> vector<256x64xf32>
    %get3A_414 = arith.constant 0 : index
    %get3A_415 = arith.constant 0 : index
    %get3A_416 = vector.load %arg7[%get3A_414, %get3A_415] : memref<1x64xf32, #tpu.memory_space<vmem>>, vector<1x64xf32>
    %mul3A_417 = arith.constant 8 : i32
    %mul3A_418 = arith.muli %arg0, %mul3A_417 : i32
    %add3A_419 = arith.constant 5 : i32
    %add3A_420 = arith.addi %mul3A_418, %add3A_419 : i32
    %get3A_421 = arith.index_cast %add3A_420 : i32 to index
    %get3A_422 = arith.constant 0 : index
    %get3A_423 = vector.load %arg8[%get3A_421, %get3A_422] : memref<64x64xf32, #tpu.memory_space<vmem>>, vector<1x64xf32>
    %add3A_424 = arith.addf %get3A_416, %get3A_423 : vector<1x64xf32>
    %add3A_425 = vector.broadcast %add3A_424 : vector<1x64xf32> to vector<256x64xf32>
    %add3A_426 = arith.addf %dot_general3A_413, %add3A_425 : vector<256x64xf32>
    %mul3A_427 = arith.mulf %add3A_426, %convert_element_type3A_408 : vector<256x64xf32>
    %reduce_sum3A_428 = arith.constant dense<0.000000e+00> : vector<256xf32>
    %reduce_sum3A_429 = vector.multi_reduction <add>, %mul3A_427, %reduce_sum3A_428 [1] : vector<256x64xf32> to vector<256xf32>
    %broadcast_in_dim3A_430 = vector.shape_cast %reduce_sum3A_429 : vector<256xf32> to vector<256x1xf32>
    %transpose3A_431 = tpu.transpose %broadcast_in_dim3A_430, [1, 0] : vector<256x1xf32> -> vector<1x256xf32>
    %get3A_432 = arith.constant 0 : index
    %get3A_433 = arith.constant 1536 : index
    %get3A_434 = vector.load %arg1[%get3A_432, %get3A_433] : memref<8x2048xf32, #tpu.memory_space<vmem>>, vector<8x256xf32>
    %slice3A_435 = vector.extract_strided_slice %get3A_434 {offsets = [0, 0], sizes = [1, 256], strides = [1, 1]} : vector<8x256xf32> to vector<1x256xf32>
    %slice3A_436 = vector.extract_strided_slice %get3A_434 {offsets = [1, 0], sizes = [1, 256], strides = [1, 1]} : vector<8x256xf32> to vector<1x256xf32>
    %slice3A_437 = vector.extract_strided_slice %get3A_434 {offsets = [2, 0], sizes = [1, 256], strides = [1, 1]} : vector<8x256xf32> to vector<1x256xf32>
    %atan23A_438 = math.atan2 %slice3A_436, %slice3A_435 : vector<1x256xf32>
    %add3A_439 = arith.constant 3.14159274 : f32
    %add3A_440 = vector.broadcast %add3A_439 : f32 to vector<1x256xf32>
    %add3A_441 = arith.addf %atan23A_438, %add3A_440 : vector<1x256xf32>
    %div3A_442 = arith.constant 6.28318548 : f32
    %div3A_443 = vector.broadcast %div3A_442 : f32 to vector<1x256xf32>
    %div3A_444 = arith.divf %add3A_441, %div3A_443 : vector<1x256xf32>
    %mul3A_445 = arith.constant 8.000000e+00 : f32
    %mul3A_446 = vector.broadcast %mul3A_445 : f32 to vector<1x256xf32>
    %mul3A_447 = arith.mulf %div3A_444, %mul3A_446 : vector<1x256xf32>
    %floor3A_448 = math.floor %mul3A_447 : vector<1x256xf32>
    %jit3A_449 = arith.constant 0.000000e+00 : f32
    %jit3A_450 = arith.constant 7.000000e+00 : f32
    %max3A_451 = vector.broadcast %jit3A_449 : f32 to vector<1x256xf32>
    %max3A_452 = arith.maximumf %max3A_451, %floor3A_448 : vector<1x256xf32>
    %min3A_453 = vector.broadcast %jit3A_450 : f32 to vector<1x256xf32>
    %min3A_454 = arith.minimumf %min3A_453, %max3A_452 : vector<1x256xf32>
    %sub3A_455 = arith.constant -3.000000e+00 : f32
    %sub3A_456 = vector.broadcast %sub3A_455 : f32 to vector<1x256xf32>
    %sub3A_457 = arith.subf %slice3A_437, %sub3A_456 : vector<1x256xf32>
    %div3A_458 = arith.constant 4.000000e+00 : f32
    %div3A_459 = vector.broadcast %div3A_458 : f32 to vector<1x256xf32>
    %div3A_460 = arith.divf %sub3A_457, %div3A_459 : vector<1x256xf32>
    %mul3A_461 = arith.constant 8.000000e+00 : f32
    %mul3A_462 = vector.broadcast %mul3A_461 : f32 to vector<1x256xf32>
    %mul3A_463 = arith.mulf %div3A_460, %mul3A_462 : vector<1x256xf32>
    %floor3A_464 = math.floor %mul3A_463 : vector<1x256xf32>
    %jit3A_465 = arith.constant 0.000000e+00 : f32
    %jit3A_466 = arith.constant 7.000000e+00 : f32
    %max3A_467 = vector.broadcast %jit3A_465 : f32 to vector<1x256xf32>
    %max3A_468 = arith.maximumf %max3A_467, %floor3A_464 : vector<1x256xf32>
    %min3A_469 = vector.broadcast %jit3A_466 : f32 to vector<1x256xf32>
    %min3A_470 = arith.minimumf %min3A_469, %max3A_468 : vector<1x256xf32>
    %mul3A_471 = arith.constant 8.000000e+00 : f32
    %mul3A_472 = vector.broadcast %mul3A_471 : f32 to vector<1x256xf32>
    %mul3A_473 = arith.mulf %min3A_454, %mul3A_472 : vector<1x256xf32>
    %add3A_474 = arith.addf %mul3A_473, %min3A_470 : vector<1x256xf32>
    %transpose3A_475 = tpu.transpose %add3A_474, [1, 0] : vector<1x256xf32> -> vector<256x1xf32>
    %convert_element_type3A_476 = arith.fptosi %transpose3A_475 : vector<256x1xf32> to vector<256x1xi32>
    %iota3A_477 = tpu.iota {dimensions = array<i32: 1>} : vector<256x64xi32>
    %eq3A_478 = vector.broadcast %convert_element_type3A_476 : vector<256x1xi32> to vector<256x64xi32>
    %eq3A_479 = arith.cmpi eq, %iota3A_477, %eq3A_478 : vector<256x64xi32>
    %convert_element_type3A_480 = arith.extui %eq3A_479 : vector<256x64xi1> to vector<256x64xi32>
    %convert_element_type3A_481 = arith.sitofp %convert_element_type3A_480 : vector<256x64xi32> to vector<256x64xf32>
    %swap3A_482 = arith.constant 1536 : index
    %swap3A_483 = arith.constant 0 : index
    %swap3A_484 = vector.load %arg4[%swap3A_482, %swap3A_483] : memref<2048x64xf32, #tpu.memory_space<vmem>>, vector<256x64xf32>
    tpu.vector_store %arg4[%swap3A_482, %swap3A_483], %convert_element_type3A_481 {strides = array<i32>} : memref<2048x64xf32, #tpu.memory_space<vmem>>, vector<256x64xf32>,
    %dot_general3A_485 = arith.constant dense<0.000000e+00> : vector<256x64xf32>
    %dot_general3A_486 = tpu.matmul %get3A_8, %convert_element_type3A_481, %dot_general3A_485 {dimension_numbers = #tpu.dot_dimension_numbers<[1], [0], [0], [1], [0, 0, 1, 1], [], []>, transpose_lhs_hint = false} : vector<256x256xf32>, vector<256x64xf32>, vector<256x64xf32> -> vector<256x64xf32>
    %get3A_487 = arith.constant 0 : index
    %get3A_488 = arith.constant 0 : index
    %get3A_489 = vector.load %arg7[%get3A_487, %get3A_488] : memref<1x64xf32, #tpu.memory_space<vmem>>, vector<1x64xf32>
    %mul3A_490 = arith.constant 8 : i32
    %mul3A_491 = arith.muli %arg0, %mul3A_490 : i32
    %add3A_492 = arith.constant 6 : i32
    %add3A_493 = arith.addi %mul3A_491, %add3A_492 : i32
    %get3A_494 = arith.index_cast %add3A_493 : i32 to index
    %get3A_495 = arith.constant 0 : index
    %get3A_496 = vector.load %arg8[%get3A_494, %get3A_495] : memref<64x64xf32, #tpu.memory_space<vmem>>, vector<1x64xf32>
    %add3A_497 = arith.addf %get3A_489, %get3A_496 : vector<1x64xf32>
    %add3A_498 = vector.broadcast %add3A_497 : vector<1x64xf32> to vector<256x64xf32>
    %add3A_499 = arith.addf %dot_general3A_486, %add3A_498 : vector<256x64xf32>
    %mul3A_500 = arith.mulf %add3A_499, %convert_element_type3A_481 : vector<256x64xf32>
    %reduce_sum3A_501 = arith.constant dense<0.000000e+00> : vector<256xf32>
    %reduce_sum3A_502 = vector.multi_reduction <add>, %mul3A_500, %reduce_sum3A_501 [1] : vector<256x64xf32> to vector<256xf32>
    %broadcast_in_dim3A_503 = vector.shape_cast %reduce_sum3A_502 : vector<256xf32> to vector<256x1xf32>
    %transpose3A_504 = tpu.transpose %broadcast_in_dim3A_503, [1, 0] : vector<256x1xf32> -> vector<1x256xf32>
    %get3A_505 = arith.constant 0 : index
    %get3A_506 = arith.constant 1792 : index
    %get3A_507 = vector.load %arg1[%get3A_505, %get3A_506] : memref<8x2048xf32, #tpu.memory_space<vmem>>, vector<8x256xf32>
    %slice3A_508 = vector.extract_strided_slice %get3A_507 {offsets = [0, 0], sizes = [1, 256], strides = [1, 1]} : vector<8x256xf32> to vector<1x256xf32>
    %slice3A_509 = vector.extract_strided_slice %get3A_507 {offsets = [1, 0], sizes = [1, 256], strides = [1, 1]} : vector<8x256xf32> to vector<1x256xf32>
    %slice3A_510 = vector.extract_strided_slice %get3A_507 {offsets = [2, 0], sizes = [1, 256], strides = [1, 1]} : vector<8x256xf32> to vector<1x256xf32>
    %atan23A_511 = math.atan2 %slice3A_509, %slice3A_508 : vector<1x256xf32>
    %add3A_512 = arith.constant 3.14159274 : f32
    %add3A_513 = vector.broadcast %add3A_512 : f32 to vector<1x256xf32>
    %add3A_514 = arith.addf %atan23A_511, %add3A_513 : vector<1x256xf32>
    %div3A_515 = arith.constant 6.28318548 : f32
    %div3A_516 = vector.broadcast %div3A_515 : f32 to vector<1x256xf32>
    %div3A_517 = arith.divf %add3A_514, %div3A_516 : vector<1x256xf32>
    %mul3A_518 = arith.constant 8.000000e+00 : f32
    %mul3A_519 = vector.broadcast %mul3A_518 : f32 to vector<1x256xf32>
    %mul3A_520 = arith.mulf %div3A_517, %mul3A_519 : vector<1x256xf32>
    %floor3A_521 = math.floor %mul3A_520 : vector<1x256xf32>
    %jit3A_522 = arith.constant 0.000000e+00 : f32
    %jit3A_523 = arith.constant 7.000000e+00 : f32
    %max3A_524 = vector.broadcast %jit3A_522 : f32 to vector<1x256xf32>
    %max3A_525 = arith.maximumf %max3A_524, %floor3A_521 : vector<1x256xf32>
    %min3A_526 = vector.broadcast %jit3A_523 : f32 to vector<1x256xf32>
    %min3A_527 = arith.minimumf %min3A_526, %max3A_525 : vector<1x256xf32>
    %sub3A_528 = arith.constant -3.000000e+00 : f32
    %sub3A_529 = vector.broadcast %sub3A_528 : f32 to vector<1x256xf32>
    %sub3A_530 = arith.subf %slice3A_510, %sub3A_529 : vector<1x256xf32>
    %div3A_531 = arith.constant 4.000000e+00 : f32
    %div3A_532 = vector.broadcast %div3A_531 : f32 to vector<1x256xf32>
    %div3A_533 = arith.divf %sub3A_530, %div3A_532 : vector<1x256xf32>
    %mul3A_534 = arith.constant 8.000000e+00 : f32
    %mul3A_535 = vector.broadcast %mul3A_534 : f32 to vector<1x256xf32>
    %mul3A_536 = arith.mulf %div3A_533, %mul3A_535 : vector<1x256xf32>
    %floor3A_537 = math.floor %mul3A_536 : vector<1x256xf32>
    %jit3A_538 = arith.constant 0.000000e+00 : f32
    %jit3A_539 = arith.constant 7.000000e+00 : f32
    %max3A_540 = vector.broadcast %jit3A_538 : f32 to vector<1x256xf32>
    %max3A_541 = arith.maximumf %max3A_540, %floor3A_537 : vector<1x256xf32>
    %min3A_542 = vector.broadcast %jit3A_539 : f32 to vector<1x256xf32>
    %min3A_543 = arith.minimumf %min3A_542, %max3A_541 : vector<1x256xf32>
    %mul3A_544 = arith.constant 8.000000e+00 : f32
    %mul3A_545 = vector.broadcast %mul3A_544 : f32 to vector<1x256xf32>
    %mul3A_546 = arith.mulf %min3A_527, %mul3A_545 : vector<1x256xf32>
    %add3A_547 = arith.addf %mul3A_546, %min3A_543 : vector<1x256xf32>
    %transpose3A_548 = tpu.transpose %add3A_547, [1, 0] : vector<1x256xf32> -> vector<256x1xf32>
    %convert_element_type3A_549 = arith.fptosi %transpose3A_548 : vector<256x1xf32> to vector<256x1xi32>
    %iota3A_550 = tpu.iota {dimensions = array<i32: 1>} : vector<256x64xi32>
    %eq3A_551 = vector.broadcast %convert_element_type3A_549 : vector<256x1xi32> to vector<256x64xi32>
    %eq3A_552 = arith.cmpi eq, %iota3A_550, %eq3A_551 : vector<256x64xi32>
    %convert_element_type3A_553 = arith.extui %eq3A_552 : vector<256x64xi1> to vector<256x64xi32>
    %convert_element_type3A_554 = arith.sitofp %convert_element_type3A_553 : vector<256x64xi32> to vector<256x64xf32>
    %swap3A_555 = arith.constant 1792 : index
    %swap3A_556 = arith.constant 0 : index
    %swap3A_557 = vector.load %arg4[%swap3A_555, %swap3A_556] : memref<2048x64xf32, #tpu.memory_space<vmem>>, vector<256x64xf32>
    tpu.vector_store %arg4[%swap3A_555, %swap3A_556], %convert_element_type3A_554 {strides = array<i32>} : memref<2048x64xf32, #tpu.memory_space<vmem>>, vector<256x64xf32>,
    %dot_general3A_558 = arith.constant dense<0.000000e+00> : vector<256x64xf32>
    %dot_general3A_559 = tpu.matmul %get3A_8, %convert_element_type3A_554, %dot_general3A_558 {dimension_numbers = #tpu.dot_dimension_numbers<[1], [0], [0], [1], [0, 0, 1, 1], [], []>, transpose_lhs_hint = false} : vector<256x256xf32>, vector<256x64xf32>, vector<256x64xf32> -> vector<256x64xf32>
    %get3A_560 = arith.constant 0 : index
    %get3A_561 = arith.constant 0 : index
    %get3A_562 = vector.load %arg7[%get3A_560, %get3A_561] : memref<1x64xf32, #tpu.memory_space<vmem>>, vector<1x64xf32>
    %mul3A_563 = arith.constant 8 : i32
    %mul3A_564 = arith.muli %arg0, %mul3A_563 : i32
    %add3A_565 = arith.constant 7 : i32
    %add3A_566 = arith.addi %mul3A_564, %add3A_565 : i32
    %get3A_567 = arith.index_cast %add3A_566 : i32 to index
    %get3A_568 = arith.constant 0 : index
    %get3A_569 = vector.load %arg8[%get3A_567, %get3A_568] : memref<64x64xf32, #tpu.memory_space<vmem>>, vector<1x64xf32>
    %add3A_570 = arith.addf %get3A_562, %get3A_569 : vector<1x64xf32>
    %add3A_571 = vector.broadcast %add3A_570 : vector<1x64xf32> to vector<256x64xf32>
    %add3A_572 = arith.addf %dot_general3A_559, %add3A_571 : vector<256x64xf32>
    %mul3A_573 = arith.mulf %add3A_572, %convert_element_type3A_554 : vector<256x64xf32>
    %reduce_sum3A_574 = arith.constant dense<0.000000e+00> : vector<256xf32>
    %reduce_sum3A_575 = vector.multi_reduction <add>, %mul3A_573, %reduce_sum3A_574 [1] : vector<256x64xf32> to vector<256xf32>
    %broadcast_in_dim3A_576 = vector.shape_cast %reduce_sum3A_575 : vector<256xf32> to vector<256x1xf32>
    %transpose3A_577 = tpu.transpose %broadcast_in_dim3A_576, [1, 0] : vector<256x1xf32> -> vector<1x256xf32>
    %concatenate3A = tpu.concatenate %add3A_41, %add3A_109, %add3A_182, %add3A_255, %add3A_328, %add3A_401, %add3A_474, %add3A_547 in 0 : vector<1x256xf32>, vector<1x256xf32>, vector<1x256xf32>, vector<1x256xf32>, vector<1x256xf32>, vector<1x256xf32>, vector<1x256xf32>, vector<1x256xf32> -> vector<8x256xf32>
    %convert_element_type3A_578 = arith.fptosi %concatenate3A : vector<8x256xf32> to vector<8x256xi32>
    %swap3A_579 = arith.constant 0 : index
    %swap3A_580 = arith.constant 0 : index
    %swap3A_581 = vector.load %arg3[%swap3A_579, %swap3A_580] : memref<8x256xi32, #tpu.memory_space<vmem>>, vector<8x256xi32>
    tpu.vector_store %arg3[%swap3A_579, %swap3A_580], %convert_element_type3A_578 {strides = array<i32>} : memref<8x256xi32, #tpu.memory_space<vmem>>, vector<8x256xi32>,
    %concatenate3A_582 = tpu.concatenate %transpose3A_66, %transpose3A_139, %transpose3A_212, %transpose3A_285, %transpose3A_358, %transpose3A_431, %transpose3A_504, %transpose3A_577 in 0 : vector<1x256xf32>, vector<1x256xf32>, vector<1x256xf32>, vector<1x256xf32>, vector<1x256xf32>, vector<1x256xf32>, vector<1x256xf32>, vector<1x256xf32> -> vector<8x256xf32>
    %convert_element_type3A_583 = arith.fptosi %concatenate3A_582 : vector<8x256xf32> to vector<8x256xi32>
    %swap3A_584 = arith.constant 0 : index
    %swap3A_585 = arith.constant 0 : index
    %swap3A_586 = vector.load %arg5[%swap3A_584, %swap3A_585] : memref<8x256xi32, #tpu.memory_space<vmem>>, vector<8x256xi32>
    tpu.vector_store %arg5[%swap3A_584, %swap3A_585], %convert_element_type3A_583 {strides = array<i32>} : memref<8x256xi32, #tpu.memory_space<vmem>>, vector<8x256xi32>,
    return
  }
  func.func @transform_0(%arg0: i32) -> (i32, i32) {
    %c0_i32 = arith.constant 0 : i32
    %c0_i32_0 = arith.constant 0 : i32
    return %c0_i32, %arg0 : i32, i32
  }
  func.func @transform_1(%arg0: i32) -> (i32, i32) {
    %c0_i32 = arith.constant 0 : i32
    %c0_i32_0 = arith.constant 0 : i32
    %c0_i32_1 = arith.constant 0 : i32
    return %c0_i32, %c0_i32_0 : i32, i32
  }
  func.func @transform_2(%arg0: i32) -> (i32, i32) {
    %c0_i32 = arith.constant 0 : i32
    %c0_i32_0 = arith.constant 0 : i32
    return %arg0, %c0_i32 : i32, i32
  }
  func.func @transform_3(%arg0: i32) -> (i32, i32) {
    %c0_i32 = arith.constant 0 : i32
    %c0_i32_0 = arith.constant 0 : i32
    return %arg0, %c0_i32 : i32, i32
  }
  func.func @transform_4(%arg0: i32) -> (i32, i32) {
    %c0_i32 = arith.constant 0 : i32
    %c0_i32_0 = arith.constant 0 : i32
    return %arg0, %c0_i32 : i32, i32
  }
  func.func @transform_5(%arg0: i32) -> (i32, i32) {
    %c0_i32 = arith.constant 0 : i32
    %c0_i32_0 = arith.constant 0 : i32
    %c0_i32_1 = arith.constant 0 : i32
    return %c0_i32, %c0_i32_0 : i32, i32
  }
}

module attributes {stable_mosaic.version = 14 : i64} {
  func.func @_mlp_kernel(%arg0: i32, %arg1: memref<128xi32, #tpu.memory_space<smem>>, %arg2: memref<2048x128xf32, #tpu.memory_space<vmem>>, %arg3: memref<64x64x8xf32, #tpu.memory_space<vmem>>, %arg4: memref<64x64x64xf32, #tpu.memory_space<vmem>>, %arg5: memref<64x64x64xf32, #tpu.memory_space<vmem>>, %arg6: memref<64x64x64xf32, #tpu.memory_space<vmem>>, %arg7: memref<64x8x64xf32, #tpu.memory_space<vmem>>, %arg8: memref<64x4x64xf32, #tpu.memory_space<vmem>>, %arg9: memref<64x8xf32, #tpu.memory_space<vmem>>, %arg10: memref<2048x128xf32, #tpu.memory_space<vmem>>) attributes {dimension_semantics = [#tpu.dimension_semantics<arbitrary>], iteration_bounds = array<i64: 16>, scalar_prefetch = 1 : i64, scratch_operands = 0 : i64, tpu.core_type = #tpu.core_type<tc>, window_params = [{transform_indices = @transform_0, window_bounds = array<i64: 2048, 128>}, {pipeline_mode = #tpu.pipeline_mode<synchronous>, transform_indices = @transform_1, window_bounds = array<i64: 64, 64, 8>}, {pipeline_mode = #tpu.pipeline_mode<synchronous>, transform_indices = @transform_2, window_bounds = array<i64: 64, 64, 64>}, {pipeline_mode = #tpu.pipeline_mode<synchronous>, transform_indices = @transform_3, window_bounds = array<i64: 64, 64, 64>}, {pipeline_mode = #tpu.pipeline_mode<synchronous>, transform_indices = @transform_4, window_bounds = array<i64: 64, 64, 64>}, {pipeline_mode = #tpu.pipeline_mode<synchronous>, transform_indices = @transform_5, window_bounds = array<i64: 64, 8, 64>}, {pipeline_mode = #tpu.pipeline_mode<synchronous>, transform_indices = @transform_6, window_bounds = array<i64: 64, 4, 64>}, {pipeline_mode = #tpu.pipeline_mode<synchronous>, transform_indices = @transform_7, window_bounds = array<i64: 64, 8>}, {transform_indices = @transform_8, window_bounds = array<i64: 2048, 128>}]} {
    %mul3A = arith.constant 8 : i32
    %mul3A_0 = arith.muli %arg0, %mul3A : i32
    %add3A = arith.constant 0 : i32
    %add3A_1 = arith.addi %mul3A_0, %add3A : i32
    %get3A = arith.index_cast %add3A_1 : i32 to index
    %get3A_2 = memref.load %arg1[%get3A] : memref<128xi32, #tpu.memory_space<smem>>
    %mul3A_3 = arith.constant 8 : i32
    %mul3A_4 = arith.muli %arg0, %mul3A_3 : i32
    %add3A_5 = arith.constant 1 : i32
    %add3A_6 = arith.addi %mul3A_4, %add3A_5 : i32
    %get3A_7 = arith.index_cast %add3A_6 : i32 to index
    %get3A_8 = memref.load %arg1[%get3A_7] : memref<128xi32, #tpu.memory_space<smem>>
    %mul3A_9 = arith.constant 8 : i32
    %mul3A_10 = arith.muli %arg0, %mul3A_9 : i32
    %add3A_11 = arith.constant 2 : i32
    %add3A_12 = arith.addi %mul3A_10, %add3A_11 : i32
    %get3A_13 = arith.index_cast %add3A_12 : i32 to index
    %get3A_14 = memref.load %arg1[%get3A_13] : memref<128xi32, #tpu.memory_space<smem>>
    %mul3A_15 = arith.constant 8 : i32
    %mul3A_16 = arith.muli %arg0, %mul3A_15 : i32
    %add3A_17 = arith.constant 3 : i32
    %add3A_18 = arith.addi %mul3A_16, %add3A_17 : i32
    %get3A_19 = arith.index_cast %add3A_18 : i32 to index
    %get3A_20 = memref.load %arg1[%get3A_19] : memref<128xi32, #tpu.memory_space<smem>>
    %mul3A_21 = arith.constant 8 : i32
    %mul3A_22 = arith.muli %arg0, %mul3A_21 : i32
    %add3A_23 = arith.constant 4 : i32
    %add3A_24 = arith.addi %mul3A_22, %add3A_23 : i32
    %get3A_25 = arith.index_cast %add3A_24 : i32 to index
    %get3A_26 = memref.load %arg1[%get3A_25] : memref<128xi32, #tpu.memory_space<smem>>
    %mul3A_27 = arith.constant 8 : i32
    %mul3A_28 = arith.muli %arg0, %mul3A_27 : i32
    %add3A_29 = arith.constant 5 : i32
    %add3A_30 = arith.addi %mul3A_28, %add3A_29 : i32
    %get3A_31 = arith.index_cast %add3A_30 : i32 to index
    %get3A_32 = memref.load %arg1[%get3A_31] : memref<128xi32, #tpu.memory_space<smem>>
    %mul3A_33 = arith.constant 8 : i32
    %mul3A_34 = arith.muli %arg0, %mul3A_33 : i32
    %add3A_35 = arith.constant 6 : i32
    %add3A_36 = arith.addi %mul3A_34, %add3A_35 : i32
    %get3A_37 = arith.index_cast %add3A_36 : i32 to index
    %get3A_38 = memref.load %arg1[%get3A_37] : memref<128xi32, #tpu.memory_space<smem>>
    %mul3A_39 = arith.constant 8 : i32
    %mul3A_40 = arith.muli %arg0, %mul3A_39 : i32
    %add3A_41 = arith.constant 7 : i32
    %add3A_42 = arith.addi %mul3A_40, %add3A_41 : i32
    %get3A_43 = arith.index_cast %add3A_42 : i32 to index
    %get3A_44 = memref.load %arg1[%get3A_43] : memref<128xi32, #tpu.memory_space<smem>>
    %get3A_45 = arith.constant 0 : index
    %get3A_46 = arith.constant 0 : index
    %get3A_47 = vector.load %arg2[%get3A_45, %get3A_46] : memref<2048x128xf32, #tpu.memory_space<vmem>>, vector<256x8xf32>
    %get3A_48 = arith.constant 256 : index
    %get3A_49 = arith.constant 0 : index
    %get3A_50 = vector.load %arg2[%get3A_48, %get3A_49] : memref<2048x128xf32, #tpu.memory_space<vmem>>, vector<256x8xf32>
    %get3A_51 = arith.constant 512 : index
    %get3A_52 = arith.constant 0 : index
    %get3A_53 = vector.load %arg2[%get3A_51, %get3A_52] : memref<2048x128xf32, #tpu.memory_space<vmem>>, vector<256x8xf32>
    %get3A_54 = arith.constant 768 : index
    %get3A_55 = arith.constant 0 : index
    %get3A_56 = vector.load %arg2[%get3A_54, %get3A_55] : memref<2048x128xf32, #tpu.memory_space<vmem>>, vector<256x8xf32>
    %get3A_57 = arith.constant 1024 : index
    %get3A_58 = arith.constant 0 : index
    %get3A_59 = vector.load %arg2[%get3A_57, %get3A_58] : memref<2048x128xf32, #tpu.memory_space<vmem>>, vector<256x8xf32>
    %get3A_60 = arith.constant 1280 : index
    %get3A_61 = arith.constant 0 : index
    %get3A_62 = vector.load %arg2[%get3A_60, %get3A_61] : memref<2048x128xf32, #tpu.memory_space<vmem>>, vector<256x8xf32>
    %get3A_63 = arith.constant 1536 : index
    %get3A_64 = arith.constant 0 : index
    %get3A_65 = vector.load %arg2[%get3A_63, %get3A_64] : memref<2048x128xf32, #tpu.memory_space<vmem>>, vector<256x8xf32>
    %get3A_66 = arith.constant 1792 : index
    %get3A_67 = arith.constant 0 : index
    %get3A_68 = vector.load %arg2[%get3A_66, %get3A_67] : memref<2048x128xf32, #tpu.memory_space<vmem>>, vector<256x8xf32>
    %get3A_69 = arith.index_cast %get3A_2 : i32 to index
    %get3A_70 = arith.constant 0 : index
    %get3A_71 = arith.constant 0 : index
    %get3A_72 = vector.load %arg3[%get3A_69, %get3A_70, %get3A_71] : memref<64x64x8xf32, #tpu.memory_space<vmem>>, vector<1x64x8xf32>
    %get3A_73 = vector.shape_cast %get3A_72 : vector<1x64x8xf32> to vector<64x8xf32>
    %dot_general3A = arith.constant dense<0.000000e+00> : vector<256x64xf32>
    %dot_general3A_74 = tpu.matmul %get3A_47, %get3A_73, %dot_general3A {dimension_numbers = #tpu.dot_dimension_numbers<[1], [1], [0], [0], [0, 0, 1, 0], [], []>, transpose_lhs_hint = false} : vector<256x8xf32>, vector<64x8xf32>, vector<256x64xf32> -> vector<256x64xf32>
    %get3A_75 = arith.index_cast %get3A_2 : i32 to index
    %get3A_76 = arith.constant 0 : index
    %get3A_77 = arith.constant 0 : index
    %get3A_78 = vector.load %arg8[%get3A_75, %get3A_76, %get3A_77] : memref<64x4x64xf32, #tpu.memory_space<vmem>>, vector<1x1x64xf32>
    %get3A_79 = vector.shape_cast %get3A_78 : vector<1x1x64xf32> to vector<1x64xf32>
    %add3A_80 = vector.broadcast %get3A_79 : vector<1x64xf32> to vector<256x64xf32>
    %add3A_81 = arith.addf %dot_general3A_74, %add3A_80 : vector<256x64xf32>
    %max3A = arith.constant 0.000000e+00 : f32
    %max3A_82 = vector.broadcast %max3A : f32 to vector<256x64xf32>
    %max3A_83 = arith.maximumf %add3A_81, %max3A_82 : vector<256x64xf32>
    %get3A_84 = arith.index_cast %get3A_8 : i32 to index
    %get3A_85 = arith.constant 0 : index
    %get3A_86 = arith.constant 0 : index
    %get3A_87 = vector.load %arg3[%get3A_84, %get3A_85, %get3A_86] : memref<64x64x8xf32, #tpu.memory_space<vmem>>, vector<1x64x8xf32>
    %get3A_88 = vector.shape_cast %get3A_87 : vector<1x64x8xf32> to vector<64x8xf32>
    %dot_general3A_89 = arith.constant dense<0.000000e+00> : vector<256x64xf32>
    %dot_general3A_90 = tpu.matmul %get3A_50, %get3A_88, %dot_general3A_89 {dimension_numbers = #tpu.dot_dimension_numbers<[1], [1], [0], [0], [0, 0, 1, 0], [], []>, transpose_lhs_hint = false} : vector<256x8xf32>, vector<64x8xf32>, vector<256x64xf32> -> vector<256x64xf32>
    %get3A_91 = arith.index_cast %get3A_8 : i32 to index
    %get3A_92 = arith.constant 0 : index
    %get3A_93 = arith.constant 0 : index
    %get3A_94 = vector.load %arg8[%get3A_91, %get3A_92, %get3A_93] : memref<64x4x64xf32, #tpu.memory_space<vmem>>, vector<1x1x64xf32>
    %get3A_95 = vector.shape_cast %get3A_94 : vector<1x1x64xf32> to vector<1x64xf32>
    %add3A_96 = vector.broadcast %get3A_95 : vector<1x64xf32> to vector<256x64xf32>
    %add3A_97 = arith.addf %dot_general3A_90, %add3A_96 : vector<256x64xf32>
    %max3A_98 = arith.constant 0.000000e+00 : f32
    %max3A_99 = vector.broadcast %max3A_98 : f32 to vector<256x64xf32>
    %max3A_100 = arith.maximumf %add3A_97, %max3A_99 : vector<256x64xf32>
    %get3A_101 = arith.index_cast %get3A_14 : i32 to index
    %get3A_102 = arith.constant 0 : index
    %get3A_103 = arith.constant 0 : index
    %get3A_104 = vector.load %arg3[%get3A_101, %get3A_102, %get3A_103] : memref<64x64x8xf32, #tpu.memory_space<vmem>>, vector<1x64x8xf32>
    %get3A_105 = vector.shape_cast %get3A_104 : vector<1x64x8xf32> to vector<64x8xf32>
    %dot_general3A_106 = arith.constant dense<0.000000e+00> : vector<256x64xf32>
    %dot_general3A_107 = tpu.matmul %get3A_53, %get3A_105, %dot_general3A_106 {dimension_numbers = #tpu.dot_dimension_numbers<[1], [1], [0], [0], [0, 0, 1, 0], [], []>, transpose_lhs_hint = false} : vector<256x8xf32>, vector<64x8xf32>, vector<256x64xf32> -> vector<256x64xf32>
    %get3A_108 = arith.index_cast %get3A_14 : i32 to index
    %get3A_109 = arith.constant 0 : index
    %get3A_110 = arith.constant 0 : index
    %get3A_111 = vector.load %arg8[%get3A_108, %get3A_109, %get3A_110] : memref<64x4x64xf32, #tpu.memory_space<vmem>>, vector<1x1x64xf32>
    %get3A_112 = vector.shape_cast %get3A_111 : vector<1x1x64xf32> to vector<1x64xf32>
    %add3A_113 = vector.broadcast %get3A_112 : vector<1x64xf32> to vector<256x64xf32>
    %add3A_114 = arith.addf %dot_general3A_107, %add3A_113 : vector<256x64xf32>
    %max3A_115 = arith.constant 0.000000e+00 : f32
    %max3A_116 = vector.broadcast %max3A_115 : f32 to vector<256x64xf32>
    %max3A_117 = arith.maximumf %add3A_114, %max3A_116 : vector<256x64xf32>
    %get3A_118 = arith.index_cast %get3A_20 : i32 to index
    %get3A_119 = arith.constant 0 : index
    %get3A_120 = arith.constant 0 : index
    %get3A_121 = vector.load %arg3[%get3A_118, %get3A_119, %get3A_120] : memref<64x64x8xf32, #tpu.memory_space<vmem>>, vector<1x64x8xf32>
    %get3A_122 = vector.shape_cast %get3A_121 : vector<1x64x8xf32> to vector<64x8xf32>
    %dot_general3A_123 = arith.constant dense<0.000000e+00> : vector<256x64xf32>
    %dot_general3A_124 = tpu.matmul %get3A_56, %get3A_122, %dot_general3A_123 {dimension_numbers = #tpu.dot_dimension_numbers<[1], [1], [0], [0], [0, 0, 1, 0], [], []>, transpose_lhs_hint = false} : vector<256x8xf32>, vector<64x8xf32>, vector<256x64xf32> -> vector<256x64xf32>
    %get3A_125 = arith.index_cast %get3A_20 : i32 to index
    %get3A_126 = arith.constant 0 : index
    %get3A_127 = arith.constant 0 : index
    %get3A_128 = vector.load %arg8[%get3A_125, %get3A_126, %get3A_127] : memref<64x4x64xf32, #tpu.memory_space<vmem>>, vector<1x1x64xf32>
    %get3A_129 = vector.shape_cast %get3A_128 : vector<1x1x64xf32> to vector<1x64xf32>
    %add3A_130 = vector.broadcast %get3A_129 : vector<1x64xf32> to vector<256x64xf32>
    %add3A_131 = arith.addf %dot_general3A_124, %add3A_130 : vector<256x64xf32>
    %max3A_132 = arith.constant 0.000000e+00 : f32
    %max3A_133 = vector.broadcast %max3A_132 : f32 to vector<256x64xf32>
    %max3A_134 = arith.maximumf %add3A_131, %max3A_133 : vector<256x64xf32>
    %get3A_135 = arith.index_cast %get3A_26 : i32 to index
    %get3A_136 = arith.constant 0 : index
    %get3A_137 = arith.constant 0 : index
    %get3A_138 = vector.load %arg3[%get3A_135, %get3A_136, %get3A_137] : memref<64x64x8xf32, #tpu.memory_space<vmem>>, vector<1x64x8xf32>
    %get3A_139 = vector.shape_cast %get3A_138 : vector<1x64x8xf32> to vector<64x8xf32>
    %dot_general3A_140 = arith.constant dense<0.000000e+00> : vector<256x64xf32>
    %dot_general3A_141 = tpu.matmul %get3A_59, %get3A_139, %dot_general3A_140 {dimension_numbers = #tpu.dot_dimension_numbers<[1], [1], [0], [0], [0, 0, 1, 0], [], []>, transpose_lhs_hint = false} : vector<256x8xf32>, vector<64x8xf32>, vector<256x64xf32> -> vector<256x64xf32>
    %get3A_142 = arith.index_cast %get3A_26 : i32 to index
    %get3A_143 = arith.constant 0 : index
    %get3A_144 = arith.constant 0 : index
    %get3A_145 = vector.load %arg8[%get3A_142, %get3A_143, %get3A_144] : memref<64x4x64xf32, #tpu.memory_space<vmem>>, vector<1x1x64xf32>
    %get3A_146 = vector.shape_cast %get3A_145 : vector<1x1x64xf32> to vector<1x64xf32>
    %add3A_147 = vector.broadcast %get3A_146 : vector<1x64xf32> to vector<256x64xf32>
    %add3A_148 = arith.addf %dot_general3A_141, %add3A_147 : vector<256x64xf32>
    %max3A_149 = arith.constant 0.000000e+00 : f32
    %max3A_150 = vector.broadcast %max3A_149 : f32 to vector<256x64xf32>
    %max3A_151 = arith.maximumf %add3A_148, %max3A_150 : vector<256x64xf32>
    %get3A_152 = arith.index_cast %get3A_32 : i32 to index
    %get3A_153 = arith.constant 0 : index
    %get3A_154 = arith.constant 0 : index
    %get3A_155 = vector.load %arg3[%get3A_152, %get3A_153, %get3A_154] : memref<64x64x8xf32, #tpu.memory_space<vmem>>, vector<1x64x8xf32>
    %get3A_156 = vector.shape_cast %get3A_155 : vector<1x64x8xf32> to vector<64x8xf32>
    %dot_general3A_157 = arith.constant dense<0.000000e+00> : vector<256x64xf32>
    %dot_general3A_158 = tpu.matmul %get3A_62, %get3A_156, %dot_general3A_157 {dimension_numbers = #tpu.dot_dimension_numbers<[1], [1], [0], [0], [0, 0, 1, 0], [], []>, transpose_lhs_hint = false} : vector<256x8xf32>, vector<64x8xf32>, vector<256x64xf32> -> vector<256x64xf32>
    %get3A_159 = arith.index_cast %get3A_32 : i32 to index
    %get3A_160 = arith.constant 0 : index
    %get3A_161 = arith.constant 0 : index
    %get3A_162 = vector.load %arg8[%get3A_159, %get3A_160, %get3A_161] : memref<64x4x64xf32, #tpu.memory_space<vmem>>, vector<1x1x64xf32>
    %get3A_163 = vector.shape_cast %get3A_162 : vector<1x1x64xf32> to vector<1x64xf32>
    %add3A_164 = vector.broadcast %get3A_163 : vector<1x64xf32> to vector<256x64xf32>
    %add3A_165 = arith.addf %dot_general3A_158, %add3A_164 : vector<256x64xf32>
    %max3A_166 = arith.constant 0.000000e+00 : f32
    %max3A_167 = vector.broadcast %max3A_166 : f32 to vector<256x64xf32>
    %max3A_168 = arith.maximumf %add3A_165, %max3A_167 : vector<256x64xf32>
    %get3A_169 = arith.index_cast %get3A_38 : i32 to index
    %get3A_170 = arith.constant 0 : index
    %get3A_171 = arith.constant 0 : index
    %get3A_172 = vector.load %arg3[%get3A_169, %get3A_170, %get3A_171] : memref<64x64x8xf32, #tpu.memory_space<vmem>>, vector<1x64x8xf32>
    %get3A_173 = vector.shape_cast %get3A_172 : vector<1x64x8xf32> to vector<64x8xf32>
    %dot_general3A_174 = arith.constant dense<0.000000e+00> : vector<256x64xf32>
    %dot_general3A_175 = tpu.matmul %get3A_65, %get3A_173, %dot_general3A_174 {dimension_numbers = #tpu.dot_dimension_numbers<[1], [1], [0], [0], [0, 0, 1, 0], [], []>, transpose_lhs_hint = false} : vector<256x8xf32>, vector<64x8xf32>, vector<256x64xf32> -> vector<256x64xf32>
    %get3A_176 = arith.index_cast %get3A_38 : i32 to index
    %get3A_177 = arith.constant 0 : index
    %get3A_178 = arith.constant 0 : index
    %get3A_179 = vector.load %arg8[%get3A_176, %get3A_177, %get3A_178] : memref<64x4x64xf32, #tpu.memory_space<vmem>>, vector<1x1x64xf32>
    %get3A_180 = vector.shape_cast %get3A_179 : vector<1x1x64xf32> to vector<1x64xf32>
    %add3A_181 = vector.broadcast %get3A_180 : vector<1x64xf32> to vector<256x64xf32>
    %add3A_182 = arith.addf %dot_general3A_175, %add3A_181 : vector<256x64xf32>
    %max3A_183 = arith.constant 0.000000e+00 : f32
    %max3A_184 = vector.broadcast %max3A_183 : f32 to vector<256x64xf32>
    %max3A_185 = arith.maximumf %add3A_182, %max3A_184 : vector<256x64xf32>
    %get3A_186 = arith.index_cast %get3A_44 : i32 to index
    %get3A_187 = arith.constant 0 : index
    %get3A_188 = arith.constant 0 : index
    %get3A_189 = vector.load %arg3[%get3A_186, %get3A_187, %get3A_188] : memref<64x64x8xf32, #tpu.memory_space<vmem>>, vector<1x64x8xf32>
    %get3A_190 = vector.shape_cast %get3A_189 : vector<1x64x8xf32> to vector<64x8xf32>
    %dot_general3A_191 = arith.constant dense<0.000000e+00> : vector<256x64xf32>
    %dot_general3A_192 = tpu.matmul %get3A_68, %get3A_190, %dot_general3A_191 {dimension_numbers = #tpu.dot_dimension_numbers<[1], [1], [0], [0], [0, 0, 1, 0], [], []>, transpose_lhs_hint = false} : vector<256x8xf32>, vector<64x8xf32>, vector<256x64xf32> -> vector<256x64xf32>
    %get3A_193 = arith.index_cast %get3A_44 : i32 to index
    %get3A_194 = arith.constant 0 : index
    %get3A_195 = arith.constant 0 : index
    %get3A_196 = vector.load %arg8[%get3A_193, %get3A_194, %get3A_195] : memref<64x4x64xf32, #tpu.memory_space<vmem>>, vector<1x1x64xf32>
    %get3A_197 = vector.shape_cast %get3A_196 : vector<1x1x64xf32> to vector<1x64xf32>
    %add3A_198 = vector.broadcast %get3A_197 : vector<1x64xf32> to vector<256x64xf32>
    %add3A_199 = arith.addf %dot_general3A_192, %add3A_198 : vector<256x64xf32>
    %max3A_200 = arith.constant 0.000000e+00 : f32
    %max3A_201 = vector.broadcast %max3A_200 : f32 to vector<256x64xf32>
    %max3A_202 = arith.maximumf %add3A_199, %max3A_201 : vector<256x64xf32>
    %get3A_203 = arith.index_cast %get3A_2 : i32 to index
    %get3A_204 = arith.constant 0 : index
    %get3A_205 = arith.constant 0 : index
    %get3A_206 = vector.load %arg4[%get3A_203, %get3A_204, %get3A_205] : memref<64x64x64xf32, #tpu.memory_space<vmem>>, vector<1x64x64xf32>
    %get3A_207 = vector.shape_cast %get3A_206 : vector<1x64x64xf32> to vector<64x64xf32>
    %dot_general3A_208 = arith.constant dense<0.000000e+00> : vector<256x64xf32>
    %dot_general3A_209 = tpu.matmul %max3A_83, %get3A_207, %dot_general3A_208 {dimension_numbers = #tpu.dot_dimension_numbers<[1], [1], [0], [0], [0, 0, 1, 0], [], []>, transpose_lhs_hint = false} : vector<256x64xf32>, vector<64x64xf32>, vector<256x64xf32> -> vector<256x64xf32>
    %get3A_210 = arith.index_cast %get3A_2 : i32 to index
    %get3A_211 = arith.constant 1 : index
    %get3A_212 = arith.constant 0 : index
    %get3A_213 = vector.load %arg8[%get3A_210, %get3A_211, %get3A_212] : memref<64x4x64xf32, #tpu.memory_space<vmem>>, vector<1x1x64xf32>
    %get3A_214 = vector.shape_cast %get3A_213 : vector<1x1x64xf32> to vector<1x64xf32>
    %add3A_215 = vector.broadcast %get3A_214 : vector<1x64xf32> to vector<256x64xf32>
    %add3A_216 = arith.addf %dot_general3A_209, %add3A_215 : vector<256x64xf32>
    %max3A_217 = arith.constant 0.000000e+00 : f32
    %max3A_218 = vector.broadcast %max3A_217 : f32 to vector<256x64xf32>
    %max3A_219 = arith.maximumf %add3A_216, %max3A_218 : vector<256x64xf32>
    %get3A_220 = arith.index_cast %get3A_8 : i32 to index
    %get3A_221 = arith.constant 0 : index
    %get3A_222 = arith.constant 0 : index
    %get3A_223 = vector.load %arg4[%get3A_220, %get3A_221, %get3A_222] : memref<64x64x64xf32, #tpu.memory_space<vmem>>, vector<1x64x64xf32>
    %get3A_224 = vector.shape_cast %get3A_223 : vector<1x64x64xf32> to vector<64x64xf32>
    %dot_general3A_225 = arith.constant dense<0.000000e+00> : vector<256x64xf32>
    %dot_general3A_226 = tpu.matmul %max3A_100, %get3A_224, %dot_general3A_225 {dimension_numbers = #tpu.dot_dimension_numbers<[1], [1], [0], [0], [0, 0, 1, 0], [], []>, transpose_lhs_hint = false} : vector<256x64xf32>, vector<64x64xf32>, vector<256x64xf32> -> vector<256x64xf32>
    %get3A_227 = arith.index_cast %get3A_8 : i32 to index
    %get3A_228 = arith.constant 1 : index
    %get3A_229 = arith.constant 0 : index
    %get3A_230 = vector.load %arg8[%get3A_227, %get3A_228, %get3A_229] : memref<64x4x64xf32, #tpu.memory_space<vmem>>, vector<1x1x64xf32>
    %get3A_231 = vector.shape_cast %get3A_230 : vector<1x1x64xf32> to vector<1x64xf32>
    %add3A_232 = vector.broadcast %get3A_231 : vector<1x64xf32> to vector<256x64xf32>
    %add3A_233 = arith.addf %dot_general3A_226, %add3A_232 : vector<256x64xf32>
    %max3A_234 = arith.constant 0.000000e+00 : f32
    %max3A_235 = vector.broadcast %max3A_234 : f32 to vector<256x64xf32>
    %max3A_236 = arith.maximumf %add3A_233, %max3A_235 : vector<256x64xf32>
    %get3A_237 = arith.index_cast %get3A_14 : i32 to index
    %get3A_238 = arith.constant 0 : index
    %get3A_239 = arith.constant 0 : index
    %get3A_240 = vector.load %arg4[%get3A_237, %get3A_238, %get3A_239] : memref<64x64x64xf32, #tpu.memory_space<vmem>>, vector<1x64x64xf32>
    %get3A_241 = vector.shape_cast %get3A_240 : vector<1x64x64xf32> to vector<64x64xf32>
    %dot_general3A_242 = arith.constant dense<0.000000e+00> : vector<256x64xf32>
    %dot_general3A_243 = tpu.matmul %max3A_117, %get3A_241, %dot_general3A_242 {dimension_numbers = #tpu.dot_dimension_numbers<[1], [1], [0], [0], [0, 0, 1, 0], [], []>, transpose_lhs_hint = false} : vector<256x64xf32>, vector<64x64xf32>, vector<256x64xf32> -> vector<256x64xf32>
    %get3A_244 = arith.index_cast %get3A_14 : i32 to index
    %get3A_245 = arith.constant 1 : index
    %get3A_246 = arith.constant 0 : index
    %get3A_247 = vector.load %arg8[%get3A_244, %get3A_245, %get3A_246] : memref<64x4x64xf32, #tpu.memory_space<vmem>>, vector<1x1x64xf32>
    %get3A_248 = vector.shape_cast %get3A_247 : vector<1x1x64xf32> to vector<1x64xf32>
    %add3A_249 = vector.broadcast %get3A_248 : vector<1x64xf32> to vector<256x64xf32>
    %add3A_250 = arith.addf %dot_general3A_243, %add3A_249 : vector<256x64xf32>
    %max3A_251 = arith.constant 0.000000e+00 : f32
    %max3A_252 = vector.broadcast %max3A_251 : f32 to vector<256x64xf32>
    %max3A_253 = arith.maximumf %add3A_250, %max3A_252 : vector<256x64xf32>
    %get3A_254 = arith.index_cast %get3A_20 : i32 to index
    %get3A_255 = arith.constant 0 : index
    %get3A_256 = arith.constant 0 : index
    %get3A_257 = vector.load %arg4[%get3A_254, %get3A_255, %get3A_256] : memref<64x64x64xf32, #tpu.memory_space<vmem>>, vector<1x64x64xf32>
    %get3A_258 = vector.shape_cast %get3A_257 : vector<1x64x64xf32> to vector<64x64xf32>
    %dot_general3A_259 = arith.constant dense<0.000000e+00> : vector<256x64xf32>
    %dot_general3A_260 = tpu.matmul %max3A_134, %get3A_258, %dot_general3A_259 {dimension_numbers = #tpu.dot_dimension_numbers<[1], [1], [0], [0], [0, 0, 1, 0], [], []>, transpose_lhs_hint = false} : vector<256x64xf32>, vector<64x64xf32>, vector<256x64xf32> -> vector<256x64xf32>
    %get3A_261 = arith.index_cast %get3A_20 : i32 to index
    %get3A_262 = arith.constant 1 : index
    %get3A_263 = arith.constant 0 : index
    %get3A_264 = vector.load %arg8[%get3A_261, %get3A_262, %get3A_263] : memref<64x4x64xf32, #tpu.memory_space<vmem>>, vector<1x1x64xf32>
    %get3A_265 = vector.shape_cast %get3A_264 : vector<1x1x64xf32> to vector<1x64xf32>
    %add3A_266 = vector.broadcast %get3A_265 : vector<1x64xf32> to vector<256x64xf32>
    %add3A_267 = arith.addf %dot_general3A_260, %add3A_266 : vector<256x64xf32>
    %max3A_268 = arith.constant 0.000000e+00 : f32
    %max3A_269 = vector.broadcast %max3A_268 : f32 to vector<256x64xf32>
    %max3A_270 = arith.maximumf %add3A_267, %max3A_269 : vector<256x64xf32>
    %get3A_271 = arith.index_cast %get3A_26 : i32 to index
    %get3A_272 = arith.constant 0 : index
    %get3A_273 = arith.constant 0 : index
    %get3A_274 = vector.load %arg4[%get3A_271, %get3A_272, %get3A_273] : memref<64x64x64xf32, #tpu.memory_space<vmem>>, vector<1x64x64xf32>
    %get3A_275 = vector.shape_cast %get3A_274 : vector<1x64x64xf32> to vector<64x64xf32>
    %dot_general3A_276 = arith.constant dense<0.000000e+00> : vector<256x64xf32>
    %dot_general3A_277 = tpu.matmul %max3A_151, %get3A_275, %dot_general3A_276 {dimension_numbers = #tpu.dot_dimension_numbers<[1], [1], [0], [0], [0, 0, 1, 0], [], []>, transpose_lhs_hint = false} : vector<256x64xf32>, vector<64x64xf32>, vector<256x64xf32> -> vector<256x64xf32>
    %get3A_278 = arith.index_cast %get3A_26 : i32 to index
    %get3A_279 = arith.constant 1 : index
    %get3A_280 = arith.constant 0 : index
    %get3A_281 = vector.load %arg8[%get3A_278, %get3A_279, %get3A_280] : memref<64x4x64xf32, #tpu.memory_space<vmem>>, vector<1x1x64xf32>
    %get3A_282 = vector.shape_cast %get3A_281 : vector<1x1x64xf32> to vector<1x64xf32>
    %add3A_283 = vector.broadcast %get3A_282 : vector<1x64xf32> to vector<256x64xf32>
    %add3A_284 = arith.addf %dot_general3A_277, %add3A_283 : vector<256x64xf32>
    %max3A_285 = arith.constant 0.000000e+00 : f32
    %max3A_286 = vector.broadcast %max3A_285 : f32 to vector<256x64xf32>
    %max3A_287 = arith.maximumf %add3A_284, %max3A_286 : vector<256x64xf32>
    %get3A_288 = arith.index_cast %get3A_32 : i32 to index
    %get3A_289 = arith.constant 0 : index
    %get3A_290 = arith.constant 0 : index
    %get3A_291 = vector.load %arg4[%get3A_288, %get3A_289, %get3A_290] : memref<64x64x64xf32, #tpu.memory_space<vmem>>, vector<1x64x64xf32>
    %get3A_292 = vector.shape_cast %get3A_291 : vector<1x64x64xf32> to vector<64x64xf32>
    %dot_general3A_293 = arith.constant dense<0.000000e+00> : vector<256x64xf32>
    %dot_general3A_294 = tpu.matmul %max3A_168, %get3A_292, %dot_general3A_293 {dimension_numbers = #tpu.dot_dimension_numbers<[1], [1], [0], [0], [0, 0, 1, 0], [], []>, transpose_lhs_hint = false} : vector<256x64xf32>, vector<64x64xf32>, vector<256x64xf32> -> vector<256x64xf32>
    %get3A_295 = arith.index_cast %get3A_32 : i32 to index
    %get3A_296 = arith.constant 1 : index
    %get3A_297 = arith.constant 0 : index
    %get3A_298 = vector.load %arg8[%get3A_295, %get3A_296, %get3A_297] : memref<64x4x64xf32, #tpu.memory_space<vmem>>, vector<1x1x64xf32>
    %get3A_299 = vector.shape_cast %get3A_298 : vector<1x1x64xf32> to vector<1x64xf32>
    %add3A_300 = vector.broadcast %get3A_299 : vector<1x64xf32> to vector<256x64xf32>
    %add3A_301 = arith.addf %dot_general3A_294, %add3A_300 : vector<256x64xf32>
    %max3A_302 = arith.constant 0.000000e+00 : f32
    %max3A_303 = vector.broadcast %max3A_302 : f32 to vector<256x64xf32>
    %max3A_304 = arith.maximumf %add3A_301, %max3A_303 : vector<256x64xf32>
    %get3A_305 = arith.index_cast %get3A_38 : i32 to index
    %get3A_306 = arith.constant 0 : index
    %get3A_307 = arith.constant 0 : index
    %get3A_308 = vector.load %arg4[%get3A_305, %get3A_306, %get3A_307] : memref<64x64x64xf32, #tpu.memory_space<vmem>>, vector<1x64x64xf32>
    %get3A_309 = vector.shape_cast %get3A_308 : vector<1x64x64xf32> to vector<64x64xf32>
    %dot_general3A_310 = arith.constant dense<0.000000e+00> : vector<256x64xf32>
    %dot_general3A_311 = tpu.matmul %max3A_185, %get3A_309, %dot_general3A_310 {dimension_numbers = #tpu.dot_dimension_numbers<[1], [1], [0], [0], [0, 0, 1, 0], [], []>, transpose_lhs_hint = false} : vector<256x64xf32>, vector<64x64xf32>, vector<256x64xf32> -> vector<256x64xf32>
    %get3A_312 = arith.index_cast %get3A_38 : i32 to index
    %get3A_313 = arith.constant 1 : index
    %get3A_314 = arith.constant 0 : index
    %get3A_315 = vector.load %arg8[%get3A_312, %get3A_313, %get3A_314] : memref<64x4x64xf32, #tpu.memory_space<vmem>>, vector<1x1x64xf32>
    %get3A_316 = vector.shape_cast %get3A_315 : vector<1x1x64xf32> to vector<1x64xf32>
    %add3A_317 = vector.broadcast %get3A_316 : vector<1x64xf32> to vector<256x64xf32>
    %add3A_318 = arith.addf %dot_general3A_311, %add3A_317 : vector<256x64xf32>
    %max3A_319 = arith.constant 0.000000e+00 : f32
    %max3A_320 = vector.broadcast %max3A_319 : f32 to vector<256x64xf32>
    %max3A_321 = arith.maximumf %add3A_318, %max3A_320 : vector<256x64xf32>
    %get3A_322 = arith.index_cast %get3A_44 : i32 to index
    %get3A_323 = arith.constant 0 : index
    %get3A_324 = arith.constant 0 : index
    %get3A_325 = vector.load %arg4[%get3A_322, %get3A_323, %get3A_324] : memref<64x64x64xf32, #tpu.memory_space<vmem>>, vector<1x64x64xf32>
    %get3A_326 = vector.shape_cast %get3A_325 : vector<1x64x64xf32> to vector<64x64xf32>
    %dot_general3A_327 = arith.constant dense<0.000000e+00> : vector<256x64xf32>
    %dot_general3A_328 = tpu.matmul %max3A_202, %get3A_326, %dot_general3A_327 {dimension_numbers = #tpu.dot_dimension_numbers<[1], [1], [0], [0], [0, 0, 1, 0], [], []>, transpose_lhs_hint = false} : vector<256x64xf32>, vector<64x64xf32>, vector<256x64xf32> -> vector<256x64xf32>
    %get3A_329 = arith.index_cast %get3A_44 : i32 to index
    %get3A_330 = arith.constant 1 : index
    %get3A_331 = arith.constant 0 : index
    %get3A_332 = vector.load %arg8[%get3A_329, %get3A_330, %get3A_331] : memref<64x4x64xf32, #tpu.memory_space<vmem>>, vector<1x1x64xf32>
    %get3A_333 = vector.shape_cast %get3A_332 : vector<1x1x64xf32> to vector<1x64xf32>
    %add3A_334 = vector.broadcast %get3A_333 : vector<1x64xf32> to vector<256x64xf32>
    %add3A_335 = arith.addf %dot_general3A_328, %add3A_334 : vector<256x64xf32>
    %max3A_336 = arith.constant 0.000000e+00 : f32
    %max3A_337 = vector.broadcast %max3A_336 : f32 to vector<256x64xf32>
    %max3A_338 = arith.maximumf %add3A_335, %max3A_337 : vector<256x64xf32>
    %get3A_339 = arith.index_cast %get3A_2 : i32 to index
    %get3A_340 = arith.constant 0 : index
    %get3A_341 = arith.constant 0 : index
    %get3A_342 = vector.load %arg5[%get3A_339, %get3A_340, %get3A_341] : memref<64x64x64xf32, #tpu.memory_space<vmem>>, vector<1x64x64xf32>
    %get3A_343 = vector.shape_cast %get3A_342 : vector<1x64x64xf32> to vector<64x64xf32>
    %dot_general3A_344 = arith.constant dense<0.000000e+00> : vector<256x64xf32>
    %dot_general3A_345 = tpu.matmul %max3A_219, %get3A_343, %dot_general3A_344 {dimension_numbers = #tpu.dot_dimension_numbers<[1], [1], [0], [0], [0, 0, 1, 0], [], []>, transpose_lhs_hint = false} : vector<256x64xf32>, vector<64x64xf32>, vector<256x64xf32> -> vector<256x64xf32>
    %get3A_346 = arith.index_cast %get3A_2 : i32 to index
    %get3A_347 = arith.constant 2 : index
    %get3A_348 = arith.constant 0 : index
    %get3A_349 = vector.load %arg8[%get3A_346, %get3A_347, %get3A_348] : memref<64x4x64xf32, #tpu.memory_space<vmem>>, vector<1x1x64xf32>
    %get3A_350 = vector.shape_cast %get3A_349 : vector<1x1x64xf32> to vector<1x64xf32>
    %add3A_351 = vector.broadcast %get3A_350 : vector<1x64xf32> to vector<256x64xf32>
    %add3A_352 = arith.addf %dot_general3A_345, %add3A_351 : vector<256x64xf32>
    %max3A_353 = arith.constant 0.000000e+00 : f32
    %max3A_354 = vector.broadcast %max3A_353 : f32 to vector<256x64xf32>
    %max3A_355 = arith.maximumf %add3A_352, %max3A_354 : vector<256x64xf32>
    %get3A_356 = arith.index_cast %get3A_8 : i32 to index
    %get3A_357 = arith.constant 0 : index
    %get3A_358 = arith.constant 0 : index
    %get3A_359 = vector.load %arg5[%get3A_356, %get3A_357, %get3A_358] : memref<64x64x64xf32, #tpu.memory_space<vmem>>, vector<1x64x64xf32>
    %get3A_360 = vector.shape_cast %get3A_359 : vector<1x64x64xf32> to vector<64x64xf32>
    %dot_general3A_361 = arith.constant dense<0.000000e+00> : vector<256x64xf32>
    %dot_general3A_362 = tpu.matmul %max3A_236, %get3A_360, %dot_general3A_361 {dimension_numbers = #tpu.dot_dimension_numbers<[1], [1], [0], [0], [0, 0, 1, 0], [], []>, transpose_lhs_hint = false} : vector<256x64xf32>, vector<64x64xf32>, vector<256x64xf32> -> vector<256x64xf32>
    %get3A_363 = arith.index_cast %get3A_8 : i32 to index
    %get3A_364 = arith.constant 2 : index
    %get3A_365 = arith.constant 0 : index
    %get3A_366 = vector.load %arg8[%get3A_363, %get3A_364, %get3A_365] : memref<64x4x64xf32, #tpu.memory_space<vmem>>, vector<1x1x64xf32>
    %get3A_367 = vector.shape_cast %get3A_366 : vector<1x1x64xf32> to vector<1x64xf32>
    %add3A_368 = vector.broadcast %get3A_367 : vector<1x64xf32> to vector<256x64xf32>
    %add3A_369 = arith.addf %dot_general3A_362, %add3A_368 : vector<256x64xf32>
    %max3A_370 = arith.constant 0.000000e+00 : f32
    %max3A_371 = vector.broadcast %max3A_370 : f32 to vector<256x64xf32>
    %max3A_372 = arith.maximumf %add3A_369, %max3A_371 : vector<256x64xf32>
    %get3A_373 = arith.index_cast %get3A_14 : i32 to index
    %get3A_374 = arith.constant 0 : index
    %get3A_375 = arith.constant 0 : index
    %get3A_376 = vector.load %arg5[%get3A_373, %get3A_374, %get3A_375] : memref<64x64x64xf32, #tpu.memory_space<vmem>>, vector<1x64x64xf32>
    %get3A_377 = vector.shape_cast %get3A_376 : vector<1x64x64xf32> to vector<64x64xf32>
    %dot_general3A_378 = arith.constant dense<0.000000e+00> : vector<256x64xf32>
    %dot_general3A_379 = tpu.matmul %max3A_253, %get3A_377, %dot_general3A_378 {dimension_numbers = #tpu.dot_dimension_numbers<[1], [1], [0], [0], [0, 0, 1, 0], [], []>, transpose_lhs_hint = false} : vector<256x64xf32>, vector<64x64xf32>, vector<256x64xf32> -> vector<256x64xf32>
    %get3A_380 = arith.index_cast %get3A_14 : i32 to index
    %get3A_381 = arith.constant 2 : index
    %get3A_382 = arith.constant 0 : index
    %get3A_383 = vector.load %arg8[%get3A_380, %get3A_381, %get3A_382] : memref<64x4x64xf32, #tpu.memory_space<vmem>>, vector<1x1x64xf32>
    %get3A_384 = vector.shape_cast %get3A_383 : vector<1x1x64xf32> to vector<1x64xf32>
    %add3A_385 = vector.broadcast %get3A_384 : vector<1x64xf32> to vector<256x64xf32>
    %add3A_386 = arith.addf %dot_general3A_379, %add3A_385 : vector<256x64xf32>
    %max3A_387 = arith.constant 0.000000e+00 : f32
    %max3A_388 = vector.broadcast %max3A_387 : f32 to vector<256x64xf32>
    %max3A_389 = arith.maximumf %add3A_386, %max3A_388 : vector<256x64xf32>
    %get3A_390 = arith.index_cast %get3A_20 : i32 to index
    %get3A_391 = arith.constant 0 : index
    %get3A_392 = arith.constant 0 : index
    %get3A_393 = vector.load %arg5[%get3A_390, %get3A_391, %get3A_392] : memref<64x64x64xf32, #tpu.memory_space<vmem>>, vector<1x64x64xf32>
    %get3A_394 = vector.shape_cast %get3A_393 : vector<1x64x64xf32> to vector<64x64xf32>
    %dot_general3A_395 = arith.constant dense<0.000000e+00> : vector<256x64xf32>
    %dot_general3A_396 = tpu.matmul %max3A_270, %get3A_394, %dot_general3A_395 {dimension_numbers = #tpu.dot_dimension_numbers<[1], [1], [0], [0], [0, 0, 1, 0], [], []>, transpose_lhs_hint = false} : vector<256x64xf32>, vector<64x64xf32>, vector<256x64xf32> -> vector<256x64xf32>
    %get3A_397 = arith.index_cast %get3A_20 : i32 to index
    %get3A_398 = arith.constant 2 : index
    %get3A_399 = arith.constant 0 : index
    %get3A_400 = vector.load %arg8[%get3A_397, %get3A_398, %get3A_399] : memref<64x4x64xf32, #tpu.memory_space<vmem>>, vector<1x1x64xf32>
    %get3A_401 = vector.shape_cast %get3A_400 : vector<1x1x64xf32> to vector<1x64xf32>
    %add3A_402 = vector.broadcast %get3A_401 : vector<1x64xf32> to vector<256x64xf32>
    %add3A_403 = arith.addf %dot_general3A_396, %add3A_402 : vector<256x64xf32>
    %max3A_404 = arith.constant 0.000000e+00 : f32
    %max3A_405 = vector.broadcast %max3A_404 : f32 to vector<256x64xf32>
    %max3A_406 = arith.maximumf %add3A_403, %max3A_405 : vector<256x64xf32>
    %get3A_407 = arith.index_cast %get3A_26 : i32 to index
    %get3A_408 = arith.constant 0 : index
    %get3A_409 = arith.constant 0 : index
    %get3A_410 = vector.load %arg5[%get3A_407, %get3A_408, %get3A_409] : memref<64x64x64xf32, #tpu.memory_space<vmem>>, vector<1x64x64xf32>
    %get3A_411 = vector.shape_cast %get3A_410 : vector<1x64x64xf32> to vector<64x64xf32>
    %dot_general3A_412 = arith.constant dense<0.000000e+00> : vector<256x64xf32>
    %dot_general3A_413 = tpu.matmul %max3A_287, %get3A_411, %dot_general3A_412 {dimension_numbers = #tpu.dot_dimension_numbers<[1], [1], [0], [0], [0, 0, 1, 0], [], []>, transpose_lhs_hint = false} : vector<256x64xf32>, vector<64x64xf32>, vector<256x64xf32> -> vector<256x64xf32>
    %get3A_414 = arith.index_cast %get3A_26 : i32 to index
    %get3A_415 = arith.constant 2 : index
    %get3A_416 = arith.constant 0 : index
    %get3A_417 = vector.load %arg8[%get3A_414, %get3A_415, %get3A_416] : memref<64x4x64xf32, #tpu.memory_space<vmem>>, vector<1x1x64xf32>
    %get3A_418 = vector.shape_cast %get3A_417 : vector<1x1x64xf32> to vector<1x64xf32>
    %add3A_419 = vector.broadcast %get3A_418 : vector<1x64xf32> to vector<256x64xf32>
    %add3A_420 = arith.addf %dot_general3A_413, %add3A_419 : vector<256x64xf32>
    %max3A_421 = arith.constant 0.000000e+00 : f32
    %max3A_422 = vector.broadcast %max3A_421 : f32 to vector<256x64xf32>
    %max3A_423 = arith.maximumf %add3A_420, %max3A_422 : vector<256x64xf32>
    %get3A_424 = arith.index_cast %get3A_32 : i32 to index
    %get3A_425 = arith.constant 0 : index
    %get3A_426 = arith.constant 0 : index
    %get3A_427 = vector.load %arg5[%get3A_424, %get3A_425, %get3A_426] : memref<64x64x64xf32, #tpu.memory_space<vmem>>, vector<1x64x64xf32>
    %get3A_428 = vector.shape_cast %get3A_427 : vector<1x64x64xf32> to vector<64x64xf32>
    %dot_general3A_429 = arith.constant dense<0.000000e+00> : vector<256x64xf32>
    %dot_general3A_430 = tpu.matmul %max3A_304, %get3A_428, %dot_general3A_429 {dimension_numbers = #tpu.dot_dimension_numbers<[1], [1], [0], [0], [0, 0, 1, 0], [], []>, transpose_lhs_hint = false} : vector<256x64xf32>, vector<64x64xf32>, vector<256x64xf32> -> vector<256x64xf32>
    %get3A_431 = arith.index_cast %get3A_32 : i32 to index
    %get3A_432 = arith.constant 2 : index
    %get3A_433 = arith.constant 0 : index
    %get3A_434 = vector.load %arg8[%get3A_431, %get3A_432, %get3A_433] : memref<64x4x64xf32, #tpu.memory_space<vmem>>, vector<1x1x64xf32>
    %get3A_435 = vector.shape_cast %get3A_434 : vector<1x1x64xf32> to vector<1x64xf32>
    %add3A_436 = vector.broadcast %get3A_435 : vector<1x64xf32> to vector<256x64xf32>
    %add3A_437 = arith.addf %dot_general3A_430, %add3A_436 : vector<256x64xf32>
    %max3A_438 = arith.constant 0.000000e+00 : f32
    %max3A_439 = vector.broadcast %max3A_438 : f32 to vector<256x64xf32>
    %max3A_440 = arith.maximumf %add3A_437, %max3A_439 : vector<256x64xf32>
    %get3A_441 = arith.index_cast %get3A_38 : i32 to index
    %get3A_442 = arith.constant 0 : index
    %get3A_443 = arith.constant 0 : index
    %get3A_444 = vector.load %arg5[%get3A_441, %get3A_442, %get3A_443] : memref<64x64x64xf32, #tpu.memory_space<vmem>>, vector<1x64x64xf32>
    %get3A_445 = vector.shape_cast %get3A_444 : vector<1x64x64xf32> to vector<64x64xf32>
    %dot_general3A_446 = arith.constant dense<0.000000e+00> : vector<256x64xf32>
    %dot_general3A_447 = tpu.matmul %max3A_321, %get3A_445, %dot_general3A_446 {dimension_numbers = #tpu.dot_dimension_numbers<[1], [1], [0], [0], [0, 0, 1, 0], [], []>, transpose_lhs_hint = false} : vector<256x64xf32>, vector<64x64xf32>, vector<256x64xf32> -> vector<256x64xf32>
    %get3A_448 = arith.index_cast %get3A_38 : i32 to index
    %get3A_449 = arith.constant 2 : index
    %get3A_450 = arith.constant 0 : index
    %get3A_451 = vector.load %arg8[%get3A_448, %get3A_449, %get3A_450] : memref<64x4x64xf32, #tpu.memory_space<vmem>>, vector<1x1x64xf32>
    %get3A_452 = vector.shape_cast %get3A_451 : vector<1x1x64xf32> to vector<1x64xf32>
    %add3A_453 = vector.broadcast %get3A_452 : vector<1x64xf32> to vector<256x64xf32>
    %add3A_454 = arith.addf %dot_general3A_447, %add3A_453 : vector<256x64xf32>
    %max3A_455 = arith.constant 0.000000e+00 : f32
    %max3A_456 = vector.broadcast %max3A_455 : f32 to vector<256x64xf32>
    %max3A_457 = arith.maximumf %add3A_454, %max3A_456 : vector<256x64xf32>
    %get3A_458 = arith.index_cast %get3A_44 : i32 to index
    %get3A_459 = arith.constant 0 : index
    %get3A_460 = arith.constant 0 : index
    %get3A_461 = vector.load %arg5[%get3A_458, %get3A_459, %get3A_460] : memref<64x64x64xf32, #tpu.memory_space<vmem>>, vector<1x64x64xf32>
    %get3A_462 = vector.shape_cast %get3A_461 : vector<1x64x64xf32> to vector<64x64xf32>
    %dot_general3A_463 = arith.constant dense<0.000000e+00> : vector<256x64xf32>
    %dot_general3A_464 = tpu.matmul %max3A_338, %get3A_462, %dot_general3A_463 {dimension_numbers = #tpu.dot_dimension_numbers<[1], [1], [0], [0], [0, 0, 1, 0], [], []>, transpose_lhs_hint = false} : vector<256x64xf32>, vector<64x64xf32>, vector<256x64xf32> -> vector<256x64xf32>
    %get3A_465 = arith.index_cast %get3A_44 : i32 to index
    %get3A_466 = arith.constant 2 : index
    %get3A_467 = arith.constant 0 : index
    %get3A_468 = vector.load %arg8[%get3A_465, %get3A_466, %get3A_467] : memref<64x4x64xf32, #tpu.memory_space<vmem>>, vector<1x1x64xf32>
    %get3A_469 = vector.shape_cast %get3A_468 : vector<1x1x64xf32> to vector<1x64xf32>
    %add3A_470 = vector.broadcast %get3A_469 : vector<1x64xf32> to vector<256x64xf32>
    %add3A_471 = arith.addf %dot_general3A_464, %add3A_470 : vector<256x64xf32>
    %max3A_472 = arith.constant 0.000000e+00 : f32
    %max3A_473 = vector.broadcast %max3A_472 : f32 to vector<256x64xf32>
    %max3A_474 = arith.maximumf %add3A_471, %max3A_473 : vector<256x64xf32>
    %get3A_475 = arith.index_cast %get3A_2 : i32 to index
    %get3A_476 = arith.constant 0 : index
    %get3A_477 = arith.constant 0 : index
    %get3A_478 = vector.load %arg6[%get3A_475, %get3A_476, %get3A_477] : memref<64x64x64xf32, #tpu.memory_space<vmem>>, vector<1x64x64xf32>
    %get3A_479 = vector.shape_cast %get3A_478 : vector<1x64x64xf32> to vector<64x64xf32>
    %dot_general3A_480 = arith.constant dense<0.000000e+00> : vector<256x64xf32>
    %dot_general3A_481 = tpu.matmul %max3A_355, %get3A_479, %dot_general3A_480 {dimension_numbers = #tpu.dot_dimension_numbers<[1], [1], [0], [0], [0, 0, 1, 0], [], []>, transpose_lhs_hint = false} : vector<256x64xf32>, vector<64x64xf32>, vector<256x64xf32> -> vector<256x64xf32>
    %get3A_482 = arith.index_cast %get3A_2 : i32 to index
    %get3A_483 = arith.constant 3 : index
    %get3A_484 = arith.constant 0 : index
    %get3A_485 = vector.load %arg8[%get3A_482, %get3A_483, %get3A_484] : memref<64x4x64xf32, #tpu.memory_space<vmem>>, vector<1x1x64xf32>
    %get3A_486 = vector.shape_cast %get3A_485 : vector<1x1x64xf32> to vector<1x64xf32>
    %add3A_487 = vector.broadcast %get3A_486 : vector<1x64xf32> to vector<256x64xf32>
    %add3A_488 = arith.addf %dot_general3A_481, %add3A_487 : vector<256x64xf32>
    %max3A_489 = arith.constant 0.000000e+00 : f32
    %max3A_490 = vector.broadcast %max3A_489 : f32 to vector<256x64xf32>
    %max3A_491 = arith.maximumf %add3A_488, %max3A_490 : vector<256x64xf32>
    %get3A_492 = arith.index_cast %get3A_8 : i32 to index
    %get3A_493 = arith.constant 0 : index
    %get3A_494 = arith.constant 0 : index
    %get3A_495 = vector.load %arg6[%get3A_492, %get3A_493, %get3A_494] : memref<64x64x64xf32, #tpu.memory_space<vmem>>, vector<1x64x64xf32>
    %get3A_496 = vector.shape_cast %get3A_495 : vector<1x64x64xf32> to vector<64x64xf32>
    %dot_general3A_497 = arith.constant dense<0.000000e+00> : vector<256x64xf32>
    %dot_general3A_498 = tpu.matmul %max3A_372, %get3A_496, %dot_general3A_497 {dimension_numbers = #tpu.dot_dimension_numbers<[1], [1], [0], [0], [0, 0, 1, 0], [], []>, transpose_lhs_hint = false} : vector<256x64xf32>, vector<64x64xf32>, vector<256x64xf32> -> vector<256x64xf32>
    %get3A_499 = arith.index_cast %get3A_8 : i32 to index
    %get3A_500 = arith.constant 3 : index
    %get3A_501 = arith.constant 0 : index
    %get3A_502 = vector.load %arg8[%get3A_499, %get3A_500, %get3A_501] : memref<64x4x64xf32, #tpu.memory_space<vmem>>, vector<1x1x64xf32>
    %get3A_503 = vector.shape_cast %get3A_502 : vector<1x1x64xf32> to vector<1x64xf32>
    %add3A_504 = vector.broadcast %get3A_503 : vector<1x64xf32> to vector<256x64xf32>
    %add3A_505 = arith.addf %dot_general3A_498, %add3A_504 : vector<256x64xf32>
    %max3A_506 = arith.constant 0.000000e+00 : f32
    %max3A_507 = vector.broadcast %max3A_506 : f32 to vector<256x64xf32>
    %max3A_508 = arith.maximumf %add3A_505, %max3A_507 : vector<256x64xf32>
    %get3A_509 = arith.index_cast %get3A_14 : i32 to index
    %get3A_510 = arith.constant 0 : index
    %get3A_511 = arith.constant 0 : index
    %get3A_512 = vector.load %arg6[%get3A_509, %get3A_510, %get3A_511] : memref<64x64x64xf32, #tpu.memory_space<vmem>>, vector<1x64x64xf32>
    %get3A_513 = vector.shape_cast %get3A_512 : vector<1x64x64xf32> to vector<64x64xf32>
    %dot_general3A_514 = arith.constant dense<0.000000e+00> : vector<256x64xf32>
    %dot_general3A_515 = tpu.matmul %max3A_389, %get3A_513, %dot_general3A_514 {dimension_numbers = #tpu.dot_dimension_numbers<[1], [1], [0], [0], [0, 0, 1, 0], [], []>, transpose_lhs_hint = false} : vector<256x64xf32>, vector<64x64xf32>, vector<256x64xf32> -> vector<256x64xf32>
    %get3A_516 = arith.index_cast %get3A_14 : i32 to index
    %get3A_517 = arith.constant 3 : index
    %get3A_518 = arith.constant 0 : index
    %get3A_519 = vector.load %arg8[%get3A_516, %get3A_517, %get3A_518] : memref<64x4x64xf32, #tpu.memory_space<vmem>>, vector<1x1x64xf32>
    %get3A_520 = vector.shape_cast %get3A_519 : vector<1x1x64xf32> to vector<1x64xf32>
    %add3A_521 = vector.broadcast %get3A_520 : vector<1x64xf32> to vector<256x64xf32>
    %add3A_522 = arith.addf %dot_general3A_515, %add3A_521 : vector<256x64xf32>
    %max3A_523 = arith.constant 0.000000e+00 : f32
    %max3A_524 = vector.broadcast %max3A_523 : f32 to vector<256x64xf32>
    %max3A_525 = arith.maximumf %add3A_522, %max3A_524 : vector<256x64xf32>
    %get3A_526 = arith.index_cast %get3A_20 : i32 to index
    %get3A_527 = arith.constant 0 : index
    %get3A_528 = arith.constant 0 : index
    %get3A_529 = vector.load %arg6[%get3A_526, %get3A_527, %get3A_528] : memref<64x64x64xf32, #tpu.memory_space<vmem>>, vector<1x64x64xf32>
    %get3A_530 = vector.shape_cast %get3A_529 : vector<1x64x64xf32> to vector<64x64xf32>
    %dot_general3A_531 = arith.constant dense<0.000000e+00> : vector<256x64xf32>
    %dot_general3A_532 = tpu.matmul %max3A_406, %get3A_530, %dot_general3A_531 {dimension_numbers = #tpu.dot_dimension_numbers<[1], [1], [0], [0], [0, 0, 1, 0], [], []>, transpose_lhs_hint = false} : vector<256x64xf32>, vector<64x64xf32>, vector<256x64xf32> -> vector<256x64xf32>
    %get3A_533 = arith.index_cast %get3A_20 : i32 to index
    %get3A_534 = arith.constant 3 : index
    %get3A_535 = arith.constant 0 : index
    %get3A_536 = vector.load %arg8[%get3A_533, %get3A_534, %get3A_535] : memref<64x4x64xf32, #tpu.memory_space<vmem>>, vector<1x1x64xf32>
    %get3A_537 = vector.shape_cast %get3A_536 : vector<1x1x64xf32> to vector<1x64xf32>
    %add3A_538 = vector.broadcast %get3A_537 : vector<1x64xf32> to vector<256x64xf32>
    %add3A_539 = arith.addf %dot_general3A_532, %add3A_538 : vector<256x64xf32>
    %max3A_540 = arith.constant 0.000000e+00 : f32
    %max3A_541 = vector.broadcast %max3A_540 : f32 to vector<256x64xf32>
    %max3A_542 = arith.maximumf %add3A_539, %max3A_541 : vector<256x64xf32>
    %get3A_543 = arith.index_cast %get3A_26 : i32 to index
    %get3A_544 = arith.constant 0 : index
    %get3A_545 = arith.constant 0 : index
    %get3A_546 = vector.load %arg6[%get3A_543, %get3A_544, %get3A_545] : memref<64x64x64xf32, #tpu.memory_space<vmem>>, vector<1x64x64xf32>
    %get3A_547 = vector.shape_cast %get3A_546 : vector<1x64x64xf32> to vector<64x64xf32>
    %dot_general3A_548 = arith.constant dense<0.000000e+00> : vector<256x64xf32>
    %dot_general3A_549 = tpu.matmul %max3A_423, %get3A_547, %dot_general3A_548 {dimension_numbers = #tpu.dot_dimension_numbers<[1], [1], [0], [0], [0, 0, 1, 0], [], []>, transpose_lhs_hint = false} : vector<256x64xf32>, vector<64x64xf32>, vector<256x64xf32> -> vector<256x64xf32>
    %get3A_550 = arith.index_cast %get3A_26 : i32 to index
    %get3A_551 = arith.constant 3 : index
    %get3A_552 = arith.constant 0 : index
    %get3A_553 = vector.load %arg8[%get3A_550, %get3A_551, %get3A_552] : memref<64x4x64xf32, #tpu.memory_space<vmem>>, vector<1x1x64xf32>
    %get3A_554 = vector.shape_cast %get3A_553 : vector<1x1x64xf32> to vector<1x64xf32>
    %add3A_555 = vector.broadcast %get3A_554 : vector<1x64xf32> to vector<256x64xf32>
    %add3A_556 = arith.addf %dot_general3A_549, %add3A_555 : vector<256x64xf32>
    %max3A_557 = arith.constant 0.000000e+00 : f32
    %max3A_558 = vector.broadcast %max3A_557 : f32 to vector<256x64xf32>
    %max3A_559 = arith.maximumf %add3A_556, %max3A_558 : vector<256x64xf32>
    %get3A_560 = arith.index_cast %get3A_32 : i32 to index
    %get3A_561 = arith.constant 0 : index
    %get3A_562 = arith.constant 0 : index
    %get3A_563 = vector.load %arg6[%get3A_560, %get3A_561, %get3A_562] : memref<64x64x64xf32, #tpu.memory_space<vmem>>, vector<1x64x64xf32>
    %get3A_564 = vector.shape_cast %get3A_563 : vector<1x64x64xf32> to vector<64x64xf32>
    %dot_general3A_565 = arith.constant dense<0.000000e+00> : vector<256x64xf32>
    %dot_general3A_566 = tpu.matmul %max3A_440, %get3A_564, %dot_general3A_565 {dimension_numbers = #tpu.dot_dimension_numbers<[1], [1], [0], [0], [0, 0, 1, 0], [], []>, transpose_lhs_hint = false} : vector<256x64xf32>, vector<64x64xf32>, vector<256x64xf32> -> vector<256x64xf32>
    %get3A_567 = arith.index_cast %get3A_32 : i32 to index
    %get3A_568 = arith.constant 3 : index
    %get3A_569 = arith.constant 0 : index
    %get3A_570 = vector.load %arg8[%get3A_567, %get3A_568, %get3A_569] : memref<64x4x64xf32, #tpu.memory_space<vmem>>, vector<1x1x64xf32>
    %get3A_571 = vector.shape_cast %get3A_570 : vector<1x1x64xf32> to vector<1x64xf32>
    %add3A_572 = vector.broadcast %get3A_571 : vector<1x64xf32> to vector<256x64xf32>
    %add3A_573 = arith.addf %dot_general3A_566, %add3A_572 : vector<256x64xf32>
    %max3A_574 = arith.constant 0.000000e+00 : f32
    %max3A_575 = vector.broadcast %max3A_574 : f32 to vector<256x64xf32>
    %max3A_576 = arith.maximumf %add3A_573, %max3A_575 : vector<256x64xf32>
    %get3A_577 = arith.index_cast %get3A_38 : i32 to index
    %get3A_578 = arith.constant 0 : index
    %get3A_579 = arith.constant 0 : index
    %get3A_580 = vector.load %arg6[%get3A_577, %get3A_578, %get3A_579] : memref<64x64x64xf32, #tpu.memory_space<vmem>>, vector<1x64x64xf32>
    %get3A_581 = vector.shape_cast %get3A_580 : vector<1x64x64xf32> to vector<64x64xf32>
    %dot_general3A_582 = arith.constant dense<0.000000e+00> : vector<256x64xf32>
    %dot_general3A_583 = tpu.matmul %max3A_457, %get3A_581, %dot_general3A_582 {dimension_numbers = #tpu.dot_dimension_numbers<[1], [1], [0], [0], [0, 0, 1, 0], [], []>, transpose_lhs_hint = false} : vector<256x64xf32>, vector<64x64xf32>, vector<256x64xf32> -> vector<256x64xf32>
    %get3A_584 = arith.index_cast %get3A_38 : i32 to index
    %get3A_585 = arith.constant 3 : index
    %get3A_586 = arith.constant 0 : index
    %get3A_587 = vector.load %arg8[%get3A_584, %get3A_585, %get3A_586] : memref<64x4x64xf32, #tpu.memory_space<vmem>>, vector<1x1x64xf32>
    %get3A_588 = vector.shape_cast %get3A_587 : vector<1x1x64xf32> to vector<1x64xf32>
    %add3A_589 = vector.broadcast %get3A_588 : vector<1x64xf32> to vector<256x64xf32>
    %add3A_590 = arith.addf %dot_general3A_583, %add3A_589 : vector<256x64xf32>
    %max3A_591 = arith.constant 0.000000e+00 : f32
    %max3A_592 = vector.broadcast %max3A_591 : f32 to vector<256x64xf32>
    %max3A_593 = arith.maximumf %add3A_590, %max3A_592 : vector<256x64xf32>
    %get3A_594 = arith.index_cast %get3A_44 : i32 to index
    %get3A_595 = arith.constant 0 : index
    %get3A_596 = arith.constant 0 : index
    %get3A_597 = vector.load %arg6[%get3A_594, %get3A_595, %get3A_596] : memref<64x64x64xf32, #tpu.memory_space<vmem>>, vector<1x64x64xf32>
    %get3A_598 = vector.shape_cast %get3A_597 : vector<1x64x64xf32> to vector<64x64xf32>
    %dot_general3A_599 = arith.constant dense<0.000000e+00> : vector<256x64xf32>
    %dot_general3A_600 = tpu.matmul %max3A_474, %get3A_598, %dot_general3A_599 {dimension_numbers = #tpu.dot_dimension_numbers<[1], [1], [0], [0], [0, 0, 1, 0], [], []>, transpose_lhs_hint = false} : vector<256x64xf32>, vector<64x64xf32>, vector<256x64xf32> -> vector<256x64xf32>
    %get3A_601 = arith.index_cast %get3A_44 : i32 to index
    %get3A_602 = arith.constant 3 : index
    %get3A_603 = arith.constant 0 : index
    %get3A_604 = vector.load %arg8[%get3A_601, %get3A_602, %get3A_603] : memref<64x4x64xf32, #tpu.memory_space<vmem>>, vector<1x1x64xf32>
    %get3A_605 = vector.shape_cast %get3A_604 : vector<1x1x64xf32> to vector<1x64xf32>
    %add3A_606 = vector.broadcast %get3A_605 : vector<1x64xf32> to vector<256x64xf32>
    %add3A_607 = arith.addf %dot_general3A_600, %add3A_606 : vector<256x64xf32>
    %max3A_608 = arith.constant 0.000000e+00 : f32
    %max3A_609 = vector.broadcast %max3A_608 : f32 to vector<256x64xf32>
    %max3A_610 = arith.maximumf %add3A_607, %max3A_609 : vector<256x64xf32>
    %get3A_611 = arith.index_cast %get3A_2 : i32 to index
    %get3A_612 = arith.constant 0 : index
    %get3A_613 = arith.constant 0 : index
    %get3A_614 = vector.load %arg7[%get3A_611, %get3A_612, %get3A_613] : memref<64x8x64xf32, #tpu.memory_space<vmem>>, vector<1x8x64xf32>
    %get3A_615 = vector.shape_cast %get3A_614 : vector<1x8x64xf32> to vector<8x64xf32>
    %dot_general3A_616 = arith.constant dense<0.000000e+00> : vector<256x8xf32>
    %dot_general3A_617 = tpu.matmul %max3A_491, %get3A_615, %dot_general3A_616 {dimension_numbers = #tpu.dot_dimension_numbers<[1], [1], [0], [0], [0, 0, 1, 0], [], []>, transpose_lhs_hint = false} : vector<256x64xf32>, vector<8x64xf32>, vector<256x8xf32> -> vector<256x8xf32>
    %get3A_618 = arith.index_cast %get3A_2 : i32 to index
    %get3A_619 = arith.constant 0 : index
    %get3A_620 = vector.load %arg9[%get3A_618, %get3A_619] : memref<64x8xf32, #tpu.memory_space<vmem>>, vector<1x8xf32>
    %add3A_621 = vector.broadcast %get3A_620 : vector<1x8xf32> to vector<256x8xf32>
    %add3A_622 = arith.addf %dot_general3A_617, %add3A_621 : vector<256x8xf32>
    %swap3A = arith.constant 0 : index
    %swap3A_623 = arith.constant 0 : index
    %swap3A_624 = vector.load %arg10[%swap3A, %swap3A_623] : memref<2048x128xf32, #tpu.memory_space<vmem>>, vector<256x8xf32>
    tpu.vector_store %arg10[%swap3A, %swap3A_623], %add3A_622 {strides = array<i32>} : memref<2048x128xf32, #tpu.memory_space<vmem>>, vector<256x8xf32>,
    %get3A_625 = arith.index_cast %get3A_8 : i32 to index
    %get3A_626 = arith.constant 0 : index
    %get3A_627 = arith.constant 0 : index
    %get3A_628 = vector.load %arg7[%get3A_625, %get3A_626, %get3A_627] : memref<64x8x64xf32, #tpu.memory_space<vmem>>, vector<1x8x64xf32>
    %get3A_629 = vector.shape_cast %get3A_628 : vector<1x8x64xf32> to vector<8x64xf32>
    %dot_general3A_630 = arith.constant dense<0.000000e+00> : vector<256x8xf32>
    %dot_general3A_631 = tpu.matmul %max3A_508, %get3A_629, %dot_general3A_630 {dimension_numbers = #tpu.dot_dimension_numbers<[1], [1], [0], [0], [0, 0, 1, 0], [], []>, transpose_lhs_hint = false} : vector<256x64xf32>, vector<8x64xf32>, vector<256x8xf32> -> vector<256x8xf32>
    %get3A_632 = arith.index_cast %get3A_8 : i32 to index
    %get3A_633 = arith.constant 0 : index
    %get3A_634 = vector.load %arg9[%get3A_632, %get3A_633] : memref<64x8xf32, #tpu.memory_space<vmem>>, vector<1x8xf32>
    %add3A_635 = vector.broadcast %get3A_634 : vector<1x8xf32> to vector<256x8xf32>
    %add3A_636 = arith.addf %dot_general3A_631, %add3A_635 : vector<256x8xf32>
    %swap3A_637 = arith.constant 256 : index
    %swap3A_638 = arith.constant 0 : index
    %swap3A_639 = vector.load %arg10[%swap3A_637, %swap3A_638] : memref<2048x128xf32, #tpu.memory_space<vmem>>, vector<256x8xf32>
    tpu.vector_store %arg10[%swap3A_637, %swap3A_638], %add3A_636 {strides = array<i32>} : memref<2048x128xf32, #tpu.memory_space<vmem>>, vector<256x8xf32>,
    %get3A_640 = arith.index_cast %get3A_14 : i32 to index
    %get3A_641 = arith.constant 0 : index
    %get3A_642 = arith.constant 0 : index
    %get3A_643 = vector.load %arg7[%get3A_640, %get3A_641, %get3A_642] : memref<64x8x64xf32, #tpu.memory_space<vmem>>, vector<1x8x64xf32>
    %get3A_644 = vector.shape_cast %get3A_643 : vector<1x8x64xf32> to vector<8x64xf32>
    %dot_general3A_645 = arith.constant dense<0.000000e+00> : vector<256x8xf32>
    %dot_general3A_646 = tpu.matmul %max3A_525, %get3A_644, %dot_general3A_645 {dimension_numbers = #tpu.dot_dimension_numbers<[1], [1], [0], [0], [0, 0, 1, 0], [], []>, transpose_lhs_hint = false} : vector<256x64xf32>, vector<8x64xf32>, vector<256x8xf32> -> vector<256x8xf32>
    %get3A_647 = arith.index_cast %get3A_14 : i32 to index
    %get3A_648 = arith.constant 0 : index
    %get3A_649 = vector.load %arg9[%get3A_647, %get3A_648] : memref<64x8xf32, #tpu.memory_space<vmem>>, vector<1x8xf32>
    %add3A_650 = vector.broadcast %get3A_649 : vector<1x8xf32> to vector<256x8xf32>
    %add3A_651 = arith.addf %dot_general3A_646, %add3A_650 : vector<256x8xf32>
    %swap3A_652 = arith.constant 512 : index
    %swap3A_653 = arith.constant 0 : index
    %swap3A_654 = vector.load %arg10[%swap3A_652, %swap3A_653] : memref<2048x128xf32, #tpu.memory_space<vmem>>, vector<256x8xf32>
    tpu.vector_store %arg10[%swap3A_652, %swap3A_653], %add3A_651 {strides = array<i32>} : memref<2048x128xf32, #tpu.memory_space<vmem>>, vector<256x8xf32>,
    %get3A_655 = arith.index_cast %get3A_20 : i32 to index
    %get3A_656 = arith.constant 0 : index
    %get3A_657 = arith.constant 0 : index
    %get3A_658 = vector.load %arg7[%get3A_655, %get3A_656, %get3A_657] : memref<64x8x64xf32, #tpu.memory_space<vmem>>, vector<1x8x64xf32>
    %get3A_659 = vector.shape_cast %get3A_658 : vector<1x8x64xf32> to vector<8x64xf32>
    %dot_general3A_660 = arith.constant dense<0.000000e+00> : vector<256x8xf32>
    %dot_general3A_661 = tpu.matmul %max3A_542, %get3A_659, %dot_general3A_660 {dimension_numbers = #tpu.dot_dimension_numbers<[1], [1], [0], [0], [0, 0, 1, 0], [], []>, transpose_lhs_hint = false} : vector<256x64xf32>, vector<8x64xf32>, vector<256x8xf32> -> vector<256x8xf32>
    %get3A_662 = arith.index_cast %get3A_20 : i32 to index
    %get3A_663 = arith.constant 0 : index
    %get3A_664 = vector.load %arg9[%get3A_662, %get3A_663] : memref<64x8xf32, #tpu.memory_space<vmem>>, vector<1x8xf32>
    %add3A_665 = vector.broadcast %get3A_664 : vector<1x8xf32> to vector<256x8xf32>
    %add3A_666 = arith.addf %dot_general3A_661, %add3A_665 : vector<256x8xf32>
    %swap3A_667 = arith.constant 768 : index
    %swap3A_668 = arith.constant 0 : index
    %swap3A_669 = vector.load %arg10[%swap3A_667, %swap3A_668] : memref<2048x128xf32, #tpu.memory_space<vmem>>, vector<256x8xf32>
    tpu.vector_store %arg10[%swap3A_667, %swap3A_668], %add3A_666 {strides = array<i32>} : memref<2048x128xf32, #tpu.memory_space<vmem>>, vector<256x8xf32>,
    %get3A_670 = arith.index_cast %get3A_26 : i32 to index
    %get3A_671 = arith.constant 0 : index
    %get3A_672 = arith.constant 0 : index
    %get3A_673 = vector.load %arg7[%get3A_670, %get3A_671, %get3A_672] : memref<64x8x64xf32, #tpu.memory_space<vmem>>, vector<1x8x64xf32>
    %get3A_674 = vector.shape_cast %get3A_673 : vector<1x8x64xf32> to vector<8x64xf32>
    %dot_general3A_675 = arith.constant dense<0.000000e+00> : vector<256x8xf32>
    %dot_general3A_676 = tpu.matmul %max3A_559, %get3A_674, %dot_general3A_675 {dimension_numbers = #tpu.dot_dimension_numbers<[1], [1], [0], [0], [0, 0, 1, 0], [], []>, transpose_lhs_hint = false} : vector<256x64xf32>, vector<8x64xf32>, vector<256x8xf32> -> vector<256x8xf32>
    %get3A_677 = arith.index_cast %get3A_26 : i32 to index
    %get3A_678 = arith.constant 0 : index
    %get3A_679 = vector.load %arg9[%get3A_677, %get3A_678] : memref<64x8xf32, #tpu.memory_space<vmem>>, vector<1x8xf32>
    %add3A_680 = vector.broadcast %get3A_679 : vector<1x8xf32> to vector<256x8xf32>
    %add3A_681 = arith.addf %dot_general3A_676, %add3A_680 : vector<256x8xf32>
    %swap3A_682 = arith.constant 1024 : index
    %swap3A_683 = arith.constant 0 : index
    %swap3A_684 = vector.load %arg10[%swap3A_682, %swap3A_683] : memref<2048x128xf32, #tpu.memory_space<vmem>>, vector<256x8xf32>
    tpu.vector_store %arg10[%swap3A_682, %swap3A_683], %add3A_681 {strides = array<i32>} : memref<2048x128xf32, #tpu.memory_space<vmem>>, vector<256x8xf32>,
    %get3A_685 = arith.index_cast %get3A_32 : i32 to index
    %get3A_686 = arith.constant 0 : index
    %get3A_687 = arith.constant 0 : index
    %get3A_688 = vector.load %arg7[%get3A_685, %get3A_686, %get3A_687] : memref<64x8x64xf32, #tpu.memory_space<vmem>>, vector<1x8x64xf32>
    %get3A_689 = vector.shape_cast %get3A_688 : vector<1x8x64xf32> to vector<8x64xf32>
    %dot_general3A_690 = arith.constant dense<0.000000e+00> : vector<256x8xf32>
    %dot_general3A_691 = tpu.matmul %max3A_576, %get3A_689, %dot_general3A_690 {dimension_numbers = #tpu.dot_dimension_numbers<[1], [1], [0], [0], [0, 0, 1, 0], [], []>, transpose_lhs_hint = false} : vector<256x64xf32>, vector<8x64xf32>, vector<256x8xf32> -> vector<256x8xf32>
    %get3A_692 = arith.index_cast %get3A_32 : i32 to index
    %get3A_693 = arith.constant 0 : index
    %get3A_694 = vector.load %arg9[%get3A_692, %get3A_693] : memref<64x8xf32, #tpu.memory_space<vmem>>, vector<1x8xf32>
    %add3A_695 = vector.broadcast %get3A_694 : vector<1x8xf32> to vector<256x8xf32>
    %add3A_696 = arith.addf %dot_general3A_691, %add3A_695 : vector<256x8xf32>
    %swap3A_697 = arith.constant 1280 : index
    %swap3A_698 = arith.constant 0 : index
    %swap3A_699 = vector.load %arg10[%swap3A_697, %swap3A_698] : memref<2048x128xf32, #tpu.memory_space<vmem>>, vector<256x8xf32>
    tpu.vector_store %arg10[%swap3A_697, %swap3A_698], %add3A_696 {strides = array<i32>} : memref<2048x128xf32, #tpu.memory_space<vmem>>, vector<256x8xf32>,
    %get3A_700 = arith.index_cast %get3A_38 : i32 to index
    %get3A_701 = arith.constant 0 : index
    %get3A_702 = arith.constant 0 : index
    %get3A_703 = vector.load %arg7[%get3A_700, %get3A_701, %get3A_702] : memref<64x8x64xf32, #tpu.memory_space<vmem>>, vector<1x8x64xf32>
    %get3A_704 = vector.shape_cast %get3A_703 : vector<1x8x64xf32> to vector<8x64xf32>
    %dot_general3A_705 = arith.constant dense<0.000000e+00> : vector<256x8xf32>
    %dot_general3A_706 = tpu.matmul %max3A_593, %get3A_704, %dot_general3A_705 {dimension_numbers = #tpu.dot_dimension_numbers<[1], [1], [0], [0], [0, 0, 1, 0], [], []>, transpose_lhs_hint = false} : vector<256x64xf32>, vector<8x64xf32>, vector<256x8xf32> -> vector<256x8xf32>
    %get3A_707 = arith.index_cast %get3A_38 : i32 to index
    %get3A_708 = arith.constant 0 : index
    %get3A_709 = vector.load %arg9[%get3A_707, %get3A_708] : memref<64x8xf32, #tpu.memory_space<vmem>>, vector<1x8xf32>
    %add3A_710 = vector.broadcast %get3A_709 : vector<1x8xf32> to vector<256x8xf32>
    %add3A_711 = arith.addf %dot_general3A_706, %add3A_710 : vector<256x8xf32>
    %swap3A_712 = arith.constant 1536 : index
    %swap3A_713 = arith.constant 0 : index
    %swap3A_714 = vector.load %arg10[%swap3A_712, %swap3A_713] : memref<2048x128xf32, #tpu.memory_space<vmem>>, vector<256x8xf32>
    tpu.vector_store %arg10[%swap3A_712, %swap3A_713], %add3A_711 {strides = array<i32>} : memref<2048x128xf32, #tpu.memory_space<vmem>>, vector<256x8xf32>,
    %get3A_715 = arith.index_cast %get3A_44 : i32 to index
    %get3A_716 = arith.constant 0 : index
    %get3A_717 = arith.constant 0 : index
    %get3A_718 = vector.load %arg7[%get3A_715, %get3A_716, %get3A_717] : memref<64x8x64xf32, #tpu.memory_space<vmem>>, vector<1x8x64xf32>
    %get3A_719 = vector.shape_cast %get3A_718 : vector<1x8x64xf32> to vector<8x64xf32>
    %dot_general3A_720 = arith.constant dense<0.000000e+00> : vector<256x8xf32>
    %dot_general3A_721 = tpu.matmul %max3A_610, %get3A_719, %dot_general3A_720 {dimension_numbers = #tpu.dot_dimension_numbers<[1], [1], [0], [0], [0, 0, 1, 0], [], []>, transpose_lhs_hint = false} : vector<256x64xf32>, vector<8x64xf32>, vector<256x8xf32> -> vector<256x8xf32>
    %get3A_722 = arith.index_cast %get3A_44 : i32 to index
    %get3A_723 = arith.constant 0 : index
    %get3A_724 = vector.load %arg9[%get3A_722, %get3A_723] : memref<64x8xf32, #tpu.memory_space<vmem>>, vector<1x8xf32>
    %add3A_725 = vector.broadcast %get3A_724 : vector<1x8xf32> to vector<256x8xf32>
    %add3A_726 = arith.addf %dot_general3A_721, %add3A_725 : vector<256x8xf32>
    %swap3A_727 = arith.constant 1792 : index
    %swap3A_728 = arith.constant 0 : index
    %swap3A_729 = vector.load %arg10[%swap3A_727, %swap3A_728] : memref<2048x128xf32, #tpu.memory_space<vmem>>, vector<256x8xf32>
    tpu.vector_store %arg10[%swap3A_727, %swap3A_728], %add3A_726 {strides = array<i32>} : memref<2048x128xf32, #tpu.memory_space<vmem>>, vector<256x8xf32>,
    return
  }
  func.func @transform_0(%arg0: i32, %arg1: memref<128xi32, #tpu.memory_space<smem>>) -> (i32, i32) {
    %c0_i32 = arith.constant 0 : i32
    %c0_i32_0 = arith.constant 0 : i32
    return %arg0, %c0_i32 : i32, i32
  }
  func.func @transform_1(%arg0: i32, %arg1: memref<128xi32, #tpu.memory_space<smem>>) -> (i32, i32, i32) {
    %c0_i32 = arith.constant 0 : i32
    %c0_i32_0 = arith.constant 0 : i32
    %c0_i32_1 = arith.constant 0 : i32
    %c0_i32_2 = arith.constant 0 : i32
    return %c0_i32, %c0_i32_0, %c0_i32_1 : i32, i32, i32
  }
  func.func @transform_2(%arg0: i32, %arg1: memref<128xi32, #tpu.memory_space<smem>>) -> (i32, i32, i32) {
    %c0_i32 = arith.constant 0 : i32
    %c0_i32_0 = arith.constant 0 : i32
    %c0_i32_1 = arith.constant 0 : i32
    %c0_i32_2 = arith.constant 0 : i32
    return %c0_i32, %c0_i32_0, %c0_i32_1 : i32, i32, i32
  }
  func.func @transform_3(%arg0: i32, %arg1: memref<128xi32, #tpu.memory_space<smem>>) -> (i32, i32, i32) {
    %c0_i32 = arith.constant 0 : i32
    %c0_i32_0 = arith.constant 0 : i32
    %c0_i32_1 = arith.constant 0 : i32
    %c0_i32_2 = arith.constant 0 : i32
    return %c0_i32, %c0_i32_0, %c0_i32_1 : i32, i32, i32
  }
  func.func @transform_4(%arg0: i32, %arg1: memref<128xi32, #tpu.memory_space<smem>>) -> (i32, i32, i32) {
    %c0_i32 = arith.constant 0 : i32
    %c0_i32_0 = arith.constant 0 : i32
    %c0_i32_1 = arith.constant 0 : i32
    %c0_i32_2 = arith.constant 0 : i32
    return %c0_i32, %c0_i32_0, %c0_i32_1 : i32, i32, i32
  }
  func.func @transform_5(%arg0: i32, %arg1: memref<128xi32, #tpu.memory_space<smem>>) -> (i32, i32, i32) {
    %c0_i32 = arith.constant 0 : i32
    %c0_i32_0 = arith.constant 0 : i32
    %c0_i32_1 = arith.constant 0 : i32
    %c0_i32_2 = arith.constant 0 : i32
    return %c0_i32, %c0_i32_0, %c0_i32_1 : i32, i32, i32
  }
  func.func @transform_6(%arg0: i32, %arg1: memref<128xi32, #tpu.memory_space<smem>>) -> (i32, i32, i32) {
    %c0_i32 = arith.constant 0 : i32
    %c0_i32_0 = arith.constant 0 : i32
    %c0_i32_1 = arith.constant 0 : i32
    %c0_i32_2 = arith.constant 0 : i32
    return %c0_i32, %c0_i32_0, %c0_i32_1 : i32, i32, i32
  }
  func.func @transform_7(%arg0: i32, %arg1: memref<128xi32, #tpu.memory_space<smem>>) -> (i32, i32) {
    %c0_i32 = arith.constant 0 : i32
    %c0_i32_0 = arith.constant 0 : i32
    %c0_i32_1 = arith.constant 0 : i32
    return %c0_i32, %c0_i32_0 : i32, i32
  }
  func.func @transform_8(%arg0: i32, %arg1: memref<128xi32, #tpu.memory_space<smem>>) -> (i32, i32) {
    %c0_i32 = arith.constant 0 : i32
    %c0_i32_0 = arith.constant 0 : i32
    return %arg0, %c0_i32 : i32, i32
  }
}

</mosaic_0001>

<sc_bundles>
// kernel: kernel.10.cloned.1.call-start
scs
__scs_entry_jumppad:
0x0: {  	(pc) =	sbr.rel $0x88, $3  }
0x1: {  	(tag) =	ssettag $0x0;
	lr =	simm.s32 $0x1  }
0x2: {  	[smem:$0x3F96] =	sst lr;
	_ =	strace $0xD0000000  }
0x3: {  	_ = 	snop  }
0x4: {  	_ = 	snop  }
0x5: {  	_ = 	snop  }
0x6: {  	_ = 	snop  }
0x7: {  	_ = 	snop  }
__scs_overlays_trampoline_lowered:
0x8: {  	[smem:$0x3FA5] =	sst s0  }
0x9: {  	[smem:$0x3FA6] =	sst s1  }
0xa: {  	[smem:$0x3FA7] =	sst s2  }
0xb: {  	[smem:$0x3FA8] =	sst s3  }
0xc: {  	[smem:$0x3FA9] =	sst s4  }
0xd: {  	[smem:$0x3FAA] =	sst s5  }
0xe: {  	[smem:$0x3FAB] =	sst s6  }
0xf: {  	[smem:$0x3FAC] =	sst s7  }
0x10: {  	[smem:$0x3FAD] =	sst s8  }
0x11: {  	[smem:$0x3FAE] =	sst s9;
	s0 =	simm.s32 @!p0 $0x0  }
0x12: {  	s1 =	sld [smem:$0x3F94];
	s0 =	simm.s32 @p0 $0x1  }
0x13: {  	[smem:$0x3FAF] =	sst s0;
	s0 =	simm.s32 @!p1 $0x0  }
0x14: {  	s2 =	sld [smem:$0x3F93];
	s0 =	simm.s32 @p1 $0x1  }
0x15: {  	[smem:$0x3FB0] =	sst s0;
	s0 =	simm.s32 @!p2 $0x0  }
0x16: {  	s3 =	sld [smem:$0x3FDB];
	s0 =	simm.s32 @p2 $0x1  }
0x17: {  	s4 =	simm.s32 $0x1BF5;
	[smem:$0x3FB2] =	sst s0  }
0x18: {  	s0 =	sld [smem:$0x3F95];
	_ =	swait.ge [sflag:s4], $0x0  }
0x19: {  	s7 =	sld [smem:$0x3F96]  }
0x1a: {  	s8 =	sadd.s32 $0xFFFFE003, lr  }
0x1b: {  	s9 =	sadd.s32 $0xFFFFFEF7, lr;
	s5 =	simm.s32 $0xFFFFFFFF;
	p2 =	slt.u32 s8, $0xFFFFF086  }
0x1c: {  	p1 =	slt.u32 s9, $0xF7A;
	s5 =	simm.s32 @!p2 $0x0  }
0x1d: {  	s5 =	simm.s32 @p1 $0x1;
	p0 =	seq.s32 s7, s2  }
0x1e: {  	s7 =	smul.u32 @!p0 $0xF7A, s2;
	p2 =	seq.s32 @!p0 s5, $0x0  }
0x1f: {  	s9 =	smul.u32 $0xF7A, s1;
	s8 =	simm.s32 @!p0 $0x1BF5;
	p2 =	por !p2, p0  }
0x20: {  	[sflag:s8] =	ssyncset.s32 @!p0 $0xFFFFF086;
	s6 =	sadd.s32 @!p0 s3, s7;
	s7 =	simm.s32 @!p0 $0x108  }
0x21: {  	s3 =	sadd.s32 s3, s9;
	s6 =	sadd.s32 @!p0 $0x88, s6;
	s7 =	simm.s32 @p2 $0x1082  }
0x22: {  	[simem:s7], [sflag:s8] =	dma.local @!p0 [hbm:s6], $0xF7A  }
0x23: {  	s9 =	sor.u32 $0xD0000000, s2;
	s6 =	simm.s32 $0x108;
	_ =	swait.ge @!p0 [sflag:s8], $0x0  }
0x24: {  	s3 =	sadd.s32 $0x88, s3;
	s6 =	simm.s32 @!p1 $0x1082;
	[sflag:s4] =	ssyncset.s32 $0xFFFFF086  }
0x25: {  	[simem:s6], [sflag:s4] =	dma.local [hbm:s3], $0xF7A  }
0x26: {  	[smem:$0x3F96] =	sst s1;
	(tag) =	ssettag s2;
	_ =	strace s9  }
0x27: {  	s1 =	sld [smem:$0x3FA6]  }
0x28: {  	s2 =	sld [smem:$0x3FA7]  }
0x29: {  	s4 =	sld [smem:$0x3FA9]  }
0x2a: {  	p0 =	seq.s32 s5, $0x0;
	s5 =	sld [smem:$0x3FAA]  }
0x2b: {  	s6 =	sld [smem:$0x3FAB]  }
0x2c: {  	s7 =	sld [smem:$0x3FAC]  }
0x2d: {  	s3 =	simm.s32 $0x108;
	s8 =	sld [smem:$0x3FAD]  }
0x2e: {  	s3 =	simm.s32 @!p0 $0x1082;
	s9 =	sld [smem:$0x3FAE]  }
0x2f: {  	lr =	sadd.s32 s0, s3;
	s0 =	sld [smem:$0x3FA5]  }
0x30: {  	s3 =	sld [smem:$0x3FA8]  }
0x31: {  	[smem:$0x3FB1] =	sst s10  }
0x32: {  	s10 =	sld [smem:$0x3FAF];
	_ =	sdelay $0x3  }
0x33: {  	p0 =	seq.s32 s10, $0x1;
	s10 =	sld [smem:$0x3FB1];
	_ =	sdelay $0x3  }
0x34: {  	[smem:$0x3FB1] =	sst s10  }
0x35: {  	s10 =	sld [smem:$0x3FB0];
	_ =	sdelay $0x3  }
0x36: {  	p1 =	seq.s32 s10, $0x1;
	s10 =	sld [smem:$0x3FB1];
	_ =	sdelay $0x3  }
0x37: {  	[smem:$0x3FB1] =	sst s10  }
0x38: {  	s10 =	sld [smem:$0x3FB2]  }
0x39: {  	_ = 	snop;
	(pc) =	sbr.ind lr, $3  }
0x3a: {  	_ = 	snop  }
0x3b: {  	_ = 	snop  }
0x3c: {  	p2 =	seq.s32 s10, $0x1;
	s10 =	sld [smem:$0x3FB1]  }
0x3d: {  	_ =	shalt  }
0x3e: {  	_ =	shalt  }
0x3f: {  	_ =	shalt  }
0x40: {  	_ =	shalt  }
0x41: {  	_ =	shalt  }
0x42: {  	_ =	shalt  }
0x43: {  	_ =	shalt  }
0x44: {  	_ =	shalt  }
0x45: {  	_ =	shalt  }
0x46: {  	_ =	shalt  }
0x47: {  	_ =	shalt  }
0x48: {  	_ =	shalt  }
0x49: {  	_ =	shalt  }
0x4a: {  	_ =	shalt  }
0x4b: {  	_ =	shalt  }
0x4c: {  	_ =	shalt  }
0x4d: {  	_ =	shalt  }
0x4e: {  	_ =	shalt  }
0x4f: {  	_ =	shalt  }
0x50: {  	_ =	shalt  }
0x51: {  	_ =	shalt  }
0x52: {  	_ =	shalt  }
0x53: {  	_ =	shalt  }
0x54: {  	_ =	shalt  }
0x55: {  	_ =	shalt  }
0x56: {  	_ =	shalt  }
0x57: {  	_ =	shalt  }
0x58: {  	_ =	shalt  }
0x59: {  	_ =	shalt  }
0x5a: {  	_ =	shalt  }
0x5b: {  	_ =	shalt  }
0x5c: {  	_ =	shalt  }
0x5d: {  	_ =	shalt  }
0x5e: {  	_ =	shalt  }
0x5f: {  	_ =	shalt  }
0x60: {  	_ =	shalt  }
0x61: {  	_ =	shalt  }
0x62: {  	_ =	shalt  }
0x63: {  	_ =	shalt  }
0x64: {  	_ =	shalt  }
0x65: {  	_ =	shalt  }
0x66: {  	_ =	shalt  }
0x67: {  	_ =	shalt  }
0x68: {  	_ =	shalt  }
0x69: {  	_ =	shalt  }
0x6a: {  	_ =	shalt  }
0x6b: {  	_ =	shalt  }
0x6c: {  	_ =	shalt  }
0x6d: {  	_ =	shalt  }
0x6e: {  	_ =	shalt  }
0x6f: {  	_ =	shalt  }
0x70: {  	_ =	shalt  }
0x71: {  	_ =	shalt  }
0x72: {  	_ =	shalt  }
0x73: {  	_ =	shalt  }
0x74: {  	_ =	shalt  }
0x75: {  	_ =	shalt  }
0x76: {  	_ =	shalt  }
0x77: {  	_ =	shalt  }
0x78: {  	_ =	shalt  }
0x79: {  	_ =	shalt  }
0x7a: {  	_ =	shalt  }
0x7b: {  	_ =	shalt  }
0x7c: {  	_ =	shalt  }
0x7d: {  	_ =	shalt  }
0x7e: {  	_ =	shalt  }
0x7f: {  	_ =	shalt  }
0x80: {  	_ =	shalt  }
0x81: {  	_ =	shalt  }
0x82: {  	_ =	shalt  }
0x83: {  	_ =	shalt  }
0x84: {  	_ =	shalt  }
0x85: {  	_ =	shalt  }
0x86: {  	_ =	shalt  }
0x87: {  	_ =	shalt  }
.Lfunc_end0:
.L_simem_size_0:
called_computation.1_lowered:
.L_overlay_start_0:
0x88: {  	s2 =	sld [smem:$0x3FD9]  }
0x89: {  	s3 =	sld [smem:$0x3FFE];
	_ =	sdelay $0x1  }
0x8a: {  	s1 =	srdreg.scid  }
0x8b: {  	s0 =	sand.u32 $0x1, s1  }
0x8c: {  	s14 =	sshll.u32 s0, $0xA;
	s2 =	sadd.s32 s3, s2  }
0x8d: {  	s2 =	sadd.s32 s2, s14  }
0x8e: {  	[smem:$0x3FBD] =	sst s2  }
0x8f: {  	_ = 	snop  }
0x90: {  	s2 =	sld [smem:$0x3FD0];
	_ =	sdelay $0x2  }
0x91: {  	s15 =	simm.s32 $0xA;
	s4 =	simm.s32 $0x10  }
0x92: {  	[smem:s4], [sflag:s15] =	dma.local [hbm:s2], $0x1  }
0x93: {  	_ =	swait.eq [sflag:s15], $0x1  }
0x94: {  	[sflag:s15] =	ssyncset.done $0x0  }
0x95: {  	[sflag:s15] =	ssyncadd.s32 $0xFFFFFFFF  }
0x96: {  	s16 =	sld [smem:$0x11];
	(tm) =	ssettm $0x1  }
0x97: {  	s17 =	sld [smem:$0x3FFB];
	_ =	sdelay $0x3  }
0x98: {  	_ =	strace s17  }
0x99: {  	s3 =	sld [smem:$0x3FFC];
	_ =	sdelay $0x3  }
0x9a: {  	_ =	strace s3  }
0x9b: {  	s3 =	sld [smem:$0x3FFD];
	_ =	sdelay $0x3  }
0x9c: {  	_ =	strace s3  }
0x9d: {  	_ =	strace $0x8FFFFFFF  }
0x9e: {  	s18 =	sld [smem:$0x3FDB];
	_ =	sdelay $0x1  }
0x9f: {  	s19 =	simm.s32 $_scs_section_size  }
0xa0: {  	s5 =	simm.s32 $_size__tile_overlayer_lowered;
	s6 =	simm.s32 $_tile_overlayer_lowered  }
0xa1: {  	s22 =	simm.s32 $0x1BFF;
	s21 =	sshll.u32 s6, $0x1;
	s3 =	sadd.s32 s19, s18  }
0xa2: {  	s7 =	simm.s32 $0x0;
	s20 =	sshll.u32 s5, $0x1;
	s5 =	sadd.s32 s21, s3  }
0xa3: {  	[timem:s7], [sflag:s22] =	dma.local [hbm:s5], s20  }
0xa4: {  	_ =	swait.ge [sflag:s22], s20  }
0xa5: {  	s4 =	ssub.s32 $0x0, s20;
	[sflag:s22] =	ssyncset.done $0x0  }
0xa6: {  	[sflag:s22] =	ssyncadd.s32 s4;
	_ =	sdelay $0x1  }
0xa7: {  	s23 =	simm.s32 $0x1B8B  }
0xa8: {  	_ =	swait.ge [sflag:s23], $0x1  }
0xa9: {  	[sflag:s23] =	ssyncset.done $0x0  }
0xaa: {  	s25 =	simm.s32 $0x1B8E;
	s24 =	sld [smem:$0x3FFE];
	[sflag:s23] =	ssyncadd.s32 $0xFFFFFFFF  }
0xab: {  	s26 =	simm.s32 $execute0_lowered;
	[smem:$0x3FD2] =	sst s25  }
0xac: {  	s5 =	sshll.u32 s26, $0x1;
	_ =	strace $0x80000049;
	[dreg:$0x1] =	wrdreg $0xFFFFFFFF  }
0xad: {  	s28 =	simm.s32 $_size_execute0_lowered;
	s3 =	sadd.s32 s3, s5;
	[dreg:$0x0] =	wrdreg $0x0  }
0xae: {  	s5 =	sshll.u32 s28, $0x1;
	[dreg:$0x2] =	wrdreg s3  }
0xaf: {  	[dreg:$0x3] =	wrdreg s5  }
0xb0: {  	[dreg:$0x4] =	wrdreg $0xC0  }
0xb1: {  	_ =	task [dreg:s7], $0x5FFFF  }
0xb2: {  	[dreg:$0x1] =	wrdreg $0xFFFFFFFF  }
0xb3: {  	[dreg:$0x0] =	wrdreg $0x60  }
0xb4: {  	[dreg:$0x2] =	wrdreg s24  }
0xb5: {  	[dreg:$0x3] =	wrdreg s16  }
0xb6: {  	[dreg:$0x4] =	wrdreg $0x9  }
0xb7: {  	_ =	task.clear_ibuf [dreg:s7], $0x5FFFF;
	_ =	strace $0x90000049  }
0xb8: {  	s29 =	simm.s32 $0x9;
	_ =	strace $0x8000004B  }
0xb9: {  	_ =	swait.ge [sflag:s29], $0x1  }
0xba: {  	[sflag:s29] =	ssyncadd.s32 $0xFFFFFFFF  }
0xbb: {  	_ =	strace $0x9000004B  }
0xbc: {  	_ =	sfence  }
0xbd: {  	s30 =	sld [smem:$0x0];
	_ =	sdelay $0x2  }
0xbe: {  	s31 =	sshll.u32 s1, $0xD;
	s1 =	sshrl.u32 s1, $0x2  }
0xbf: {  	s3 =	sand.u32 $0x4000, s31;
	s1 =	sadd.s32 s1, s30  }
0xc0: {  	s0 =	sor.u32 s3, s0;
	s1 =	sshll.u32 s1, $0x11  }
0xc1: {  	s0 =	sor.u32 s1, s0  }
0xc2: {  	s0 =	sadd.s32 $0x8F2B, s0  }
0xc3: {  	[sflag:s0] =	ssyncadd.remote.s32 $0x1  }
0xc4: {  	_ =	sfence.sel $0xFFFF  }
0xc5: {  	[dreg:$0x0] =	wrdreg $0xFFFFFFFF;
	(pc) =	sbr.abs _section_cstart, $3  }
0xc6: {  	[dreg:$0x1] =	wrdreg $0xFFFFFFFF  }
0xc7: {  	_ =	task.clear_ibuf [dreg:s7], $0x2FFFF;
	_ =	strace $0x9FFFFFFF  }
0xc8: {  	(tm) =	ssettm $0x7FFFFFFF  }
0xc9: {  	_ =	shalt  }
tec
execute0_lowered:
.L_overlay_start_1:
0x0: {  	(tag) =	ssettag $0x1  }
0x1: {  	s1 =	srdreg.scid  }
0x2: {  	s14 =	rddreg [dreg:$0x0];
	s0 =	stileid.u32;
	s19 =	sand.u32 $0x1, s1  }
0x3: {  	s3 =	rddreg [dreg:$0x1];
	s4 =	sshll.u32 s0, $0xA;
	s5 =	sshll.u32 s19, $0x9  }
0x4: {  	s2 =	simm.s32 $0x0;
	s1 =	rddreg [dreg:$0x2];
	s15 =	sor.u32 s5, s4  }
0x5: {  	[smem:$0x7FF] =	sst s2;
	s4 =	sshrl.u32 s15, $0x3  }
0x6: {  	_ =	strace $0x8000004A;
	s3 =	sadd.s32 s3, s4;
	s4 =	simm.s32 $0x3  }
0x7: {  	[tilespmem:s2], [sflag:$0x3] =	stream.linear.gather [hbm4b:s3+s2], $0x200, $0x38;
	[tilespmem:$0x10200] =	vst v63  }
0x8: {  	_ =	swait.ge [sflag:s4], $0x200  }
0x9: {  	s6 =	simm.s32 $0x80;
	[sflag:s4] =	ssyncset.done $0x0  }
0xa: {  	s7 =	simm.s32 $0x200;
	s5 =	sadd.s32 $0xC2200, s14;
	[sflag:s4] =	ssyncadd.s32 $0xFFFFFE00  }
0xb: {  	[tilespmem:s7], [sflag:$0x2] =	stream.indirect.gather [hbm4b:s5+s6], $0x80, s2, s6, $0xb8;
	[tilespmem:$0x10200] =	vst v63  }
0xc: {  	s8 =	simm.s32 $0x4200  }
0xd: {  	[tilespmem:s8], [sflag:$0x2] =	stream.indirect.gather [hbm4b:s5+s6], $0x80, s6, s6, $0xb8;
	[tilespmem:$0x10200] =	vst v63  }
0xe: {  	s9 =	simm.s32 $0x100;
	s10 =	simm.s32 $0x8200  }
0xf: {  	[tilespmem:s10], [sflag:$0x2] =	stream.indirect.gather [hbm4b:s5+s6], $0x80, s9, s6, $0xb8;
	[tilespmem:$0x10200] =	vst v63  }
0x10: {  	s11 =	simm.s32 $0x180;
	s12 =	simm.s32 $0xC200;
	s13 =	simm.s32 $0x2  }
0x11: {  	[tilespmem:s12], [sflag:$0x2] =	stream.indirect.gather [hbm4b:s5+s6], $0x80, s11, s6, $0xb8;
	[tilespmem:$0x10200] =	vst v63  }
0x12: {  	s15 =	sshll.u32 s15, $0x4;
	_ =	swait.ge [sflag:s13], $0x4000  }
0x13: {  	s17 =	sadd.s32 s15, s14;
	[sflag:s13] =	ssyncset.done $0x0  }
0x14: {  	s14 =	sadd.s32 $0x2200, s17;
	[sflag:s13] =	ssyncadd.s32 $0xFFFFC000  }
0x15: {  	[hbm4b:s14+s2] =	stream.linear.scatter [tilespmem:s7], [sflag:$0x1], $0x4000, $0x38;
	[tilespmem:$0x10200] =	vst v63  }
0x16: {  	_ =	swait.ge [sflag:s13], $0x4000  }
0x17: {  	[sflag:s13] =	ssyncset.done $0x0  }
0x18: {  	s15 =	sadd.s32 $0x2A00, s17;
	[sflag:s13] =	ssyncadd.s32 $0xFFFFC000  }
0x19: {  	[hbm4b:s15+s2] =	stream.linear.scatter [tilespmem:s8], [sflag:$0x1], $0x4000, $0x38;
	[tilespmem:$0x10200] =	vst v63  }
0x1a: {  	_ =	swait.ge [sflag:s13], $0x4000  }
0x1b: {  	[sflag:s13] =	ssyncset.done $0x0  }
0x1c: {  	s16 =	sadd.s32 $0x3200, s17;
	[sflag:s13] =	ssyncadd.s32 $0xFFFFC000  }
0x1d: {  	[hbm4b:s16+s2] =	stream.linear.scatter [tilespmem:s10], [sflag:$0x1], $0x4000, $0x38;
	[tilespmem:$0x10200] =	vst v63  }
0x1e: {  	_ =	swait.ge [sflag:s13], $0x4000  }
0x1f: {  	[sflag:s13] =	ssyncset.done $0x0  }
0x20: {  	s18 =	sadd.s32 $0x3A00, s17;
	s17 =	simm.s32 $0x1;
	[sflag:s13] =	ssyncadd.s32 $0xFFFFC000  }
0x21: {  	[hbm4b:s18+s2] =	stream.linear.scatter [tilespmem:s12], [sflag:$0x1], $0x4000, $0x38;
	[tilespmem:$0x10200] =	vst v63  }
0x22: {  	_ =	swait.ge [sflag:s17], $0x4000  }
0x23: {  	s19 =	ssub.s32 $0x2, s19;
	[sflag:s17] =	ssyncset.done $0x0  }
0x24: {  	s20 =	sshrl.u32 s19, $0x1;
	[sflag:s17] =	ssyncadd.s32 $0xFFFFC000  }
0x25: {  	s19 =	ssub.s32 s19, s20;
	_ =	swait.ge [sflag:s17], $0x4000  }
0x26: {  	s19 =	smax.u32 s19, $0x1;
	[sflag:s17] =	ssyncset.done $0x0  }
0x27: {  	p0 =	sne.s32 s19, $0x1;
	[sflag:s17] =	ssyncadd.s32 $0xFFFFC000  }
.Ltmp0:
0x28: {  	_ =	swait.ge [sflag:s17], $0x4000;
	(pc) =	sbr.rel @!p0 .LBB2_2-.Ltmp0, $4  }
0x29: {  	[sflag:s17] =	ssyncset.done $0x0  }
0x2a: {  	[sflag:s17] =	ssyncadd.s32 $0xFFFFC000  }
0x2b: {  	_ =	swait.ge [sflag:s17], $0x4000  }
0x2c: {  	s19 =	sadd.s32 $0xFFFFFFFF, s19;
	[sflag:s17] =	ssyncset.done $0x0  }
.LBB2_1:
0x2d: {  	p0 =	sne.s32 s19, $0x1;
	s19 =	sadd.s32 $0xFFFFFFFF, s19;
	[sflag:s17] =	ssyncadd.s32 $0xFFFFC000  }
0x2e: {  	[tilespmem:s2], [sflag:$0x3] =	stream.linear.gather [hbm4b:s3+s2], $0x200, $0x38;
	[tilespmem:$0x10200] =	vst v63  }
0x2f: {  	_ =	swait.ge [sflag:s4], $0x200  }
0x30: {  	[sflag:s4] =	ssyncset.done $0x0  }
0x31: {  	[sflag:s4] =	ssyncadd.s32 $0xFFFFFE00  }
0x32: {  	[tilespmem:s7], [sflag:$0x2] =	stream.indirect.gather [hbm4b:s5+s6], $0x80, s2, s6, $0xb8;
	[tilespmem:$0x10200] =	vst v63  }
0x33: {  	_ = 	snop  }
0x34: {  	[tilespmem:s8], [sflag:$0x2] =	stream.indirect.gather [hbm4b:s5+s6], $0x80, s6, s6, $0xb8;
	[tilespmem:$0x10200] =	vst v63  }
0x35: {  	_ = 	snop  }
0x36: {  	[tilespmem:s10], [sflag:$0x2] =	stream.indirect.gather [hbm4b:s5+s6], $0x80, s9, s6, $0xb8;
	[tilespmem:$0x10200] =	vst v63  }
0x37: {  	_ = 	snop  }
0x38: {  	[tilespmem:s12], [sflag:$0x2] =	stream.indirect.gather [hbm4b:s5+s6], $0x80, s11, s6, $0xb8;
	[tilespmem:$0x10200] =	vst v63  }
0x39: {  	_ =	swait.ge [sflag:s13], $0x4000  }
0x3a: {  	[sflag:s13] =	ssyncset.done $0x0  }
0x3b: {  	[sflag:s13] =	ssyncadd.s32 $0xFFFFC000  }
0x3c: {  	[hbm4b:s14+s2] =	stream.linear.scatter [tilespmem:s7], [sflag:$0x1], $0x4000, $0x38;
	[tilespmem:$0x10200] =	vst v63  }
0x3d: {  	_ =	swait.ge [sflag:s13], $0x4000  }
0x3e: {  	[sflag:s13] =	ssyncset.done $0x0  }
0x3f: {  	[sflag:s13] =	ssyncadd.s32 $0xFFFFC000  }
0x40: {  	[hbm4b:s15+s2] =	stream.linear.scatter [tilespmem:s8], [sflag:$0x1], $0x4000, $0x38;
	[tilespmem:$0x10200] =	vst v63  }
0x41: {  	_ =	swait.ge [sflag:s13], $0x4000  }
0x42: {  	[sflag:s13] =	ssyncset.done $0x0  }
0x43: {  	[sflag:s13] =	ssyncadd.s32 $0xFFFFC000  }
0x44: {  	[hbm4b:s16+s2] =	stream.linear.scatter [tilespmem:s10], [sflag:$0x1], $0x4000, $0x38;
	[tilespmem:$0x10200] =	vst v63  }
0x45: {  	_ =	swait.ge [sflag:s13], $0x4000  }
0x46: {  	[sflag:s13] =	ssyncset.done $0x0  }
0x47: {  	[sflag:s13] =	ssyncadd.s32 $0xFFFFC000  }
0x48: {  	[hbm4b:s18+s2] =	stream.linear.scatter [tilespmem:s12], [sflag:$0x1], $0x4000, $0x38;
	[tilespmem:$0x10200] =	vst v63  }
0x49: {  	_ =	swait.ge [sflag:s17], $0x4000  }
0x4a: {  	[sflag:s17] =	ssyncset.done $0x0  }
0x4b: {  	[sflag:s17] =	ssyncadd.s32 $0xFFFFC000  }
0x4c: {  	_ =	swait.ge [sflag:s17], $0x4000  }
0x4d: {  	[sflag:s17] =	ssyncset.done $0x0  }
0x4e: {  	[sflag:s17] =	ssyncadd.s32 $0xFFFFC000  }
.Ltmp1:
0x4f: {  	_ =	swait.ge [sflag:s17], $0x4000;
	(pc) =	sbr.rel @p0 .LBB2_1-.Ltmp1, $4  }
0x50: {  	[sflag:s17] =	ssyncset.done $0x0  }
0x51: {  	[sflag:s17] =	ssyncadd.s32 $0xFFFFC000  }
0x52: {  	_ =	swait.ge [sflag:s17], $0x4000  }
0x53: {  	[sflag:s17] =	ssyncset.done $0x0  }
.LBB2_2:
0x54: {  	[sflag:s17] =	ssyncadd.s32 $0xFFFFC000  }
0x55: {  	_ =	sfence.sel $0x180000  }
0x56: {  	[bflag:$0x0] =	sbarrier.arrive $0xFFFF  }
0x57: {  	p0 =	sne.s32 s0, $0x0;
	_ =	strace $0x9000004A  }
0x58: {  	s0 =	sadd.s32 @!p0 $0x100000, s1;
	[bflag:$0x2] =	sbarrier.arrive $0xFFFF  }
0x59: {  	[sflag:s0] =	ssyncadd.tile.s32 @!p0 $0x1;
	_ =	shalt  }
.Lfunc_end2:
_tile_overlayer_lowered:
.L_overlay_start_2:
0x5a: {  	(tag) =	ssettag $0x2  }
0x5b: {  	s0 =	rddreg [dreg:$0x0];
	s2 =	stileid.u32  }
0x5c: {  	s1 =	rddreg [dreg:$0x1];
	p0 =	sne.s32 s2, $0x0  }
0x5d: {  	s3 =	rddreg [dreg:$0x2];
	[bflag:$0x3] =	sbarrier.arrive $0xFFFF;
	s2 =	simm.s32 @!p0 $0x1C03  }
0x5e: {  	[timem:s3], [sflag:s2] =	dma.local @!p0 [hbm:s0], s1  }
0x5f: {  	s0 =	simm.s32 @!p0 $0x3  }
0x60: {  	_ =	swait.ge @!p0 [sflag:s0], s1  }
0x61: {  	s1 =	ssub.s32 @!p0 $0x0, s1;
	[sflag:s0] =	ssyncset.done @!p0 $0x0  }
0x62: {  	[sflag:s0] =	ssyncadd.s32 @!p0 s1  }
0x63: {  	[bflag:$0x3] =	sbarrier.arrive $0xFFFF  }
0x64: {  	_ =	shalt  }

// kernel: kernel.7.cloned.1.call-start
scs
__scs_entry_jumppad:
0x0: {  	(pc) =	sbr.rel $0x88, $3  }
0x1: {  	(tag) =	ssettag $0x0;
	lr =	simm.s32 $0x1  }
0x2: {  	[smem:$0x3F96] =	sst lr;
	_ =	strace $0xD0000000  }
0x3: {  	_ = 	snop  }
0x4: {  	_ = 	snop  }
0x5: {  	_ = 	snop  }
0x6: {  	_ = 	snop  }
0x7: {  	_ = 	snop  }
__scs_overlays_trampoline_lowered:
0x8: {  	[smem:$0x3FA5] =	sst s0  }
0x9: {  	[smem:$0x3FA6] =	sst s1  }
0xa: {  	[smem:$0x3FA7] =	sst s2  }
0xb: {  	[smem:$0x3FA8] =	sst s3  }
0xc: {  	[smem:$0x3FA9] =	sst s4  }
0xd: {  	[smem:$0x3FAA] =	sst s5  }
0xe: {  	[smem:$0x3FAB] =	sst s6  }
0xf: {  	[smem:$0x3FAC] =	sst s7  }
0x10: {  	[smem:$0x3FAD] =	sst s8  }
0x11: {  	[smem:$0x3FAE] =	sst s9;
	s0 =	simm.s32 @!p0 $0x0  }
0x12: {  	s1 =	sld [smem:$0x3F94];
	s0 =	simm.s32 @p0 $0x1  }
0x13: {  	[smem:$0x3FAF] =	sst s0;
	s0 =	simm.s32 @!p1 $0x0  }
0x14: {  	s2 =	sld [smem:$0x3F93];
	s0 =	simm.s32 @p1 $0x1  }
0x15: {  	[smem:$0x3FB0] =	sst s0;
	s0 =	simm.s32 @!p2 $0x0  }
0x16: {  	s3 =	sld [smem:$0x3FDB];
	s0 =	simm.s32 @p2 $0x1  }
0x17: {  	s4 =	simm.s32 $0x1BF5;
	[smem:$0x3FB2] =	sst s0  }
0x18: {  	s0 =	sld [smem:$0x3F95];
	_ =	swait.ge [sflag:s4], $0x0  }
0x19: {  	s7 =	sld [smem:$0x3F96]  }
0x1a: {  	s8 =	sadd.s32 $0xFFFFE003, lr  }
0x1b: {  	s9 =	sadd.s32 $0xFFFFFEF7, lr;
	s5 =	simm.s32 $0xFFFFFFFF;
	p2 =	slt.u32 s8, $0xFFFFF086  }
0x1c: {  	p1 =	slt.u32 s9, $0xF7A;
	s5 =	simm.s32 @!p2 $0x0  }
0x1d: {  	s5 =	simm.s32 @p1 $0x1;
	p0 =	seq.s32 s7, s2  }
0x1e: {  	s7 =	smul.u32 @!p0 $0xF7A, s2;
	p2 =	seq.s32 @!p0 s5, $0x0  }
0x1f: {  	s9 =	smul.u32 $0xF7A, s1;
	s8 =	simm.s32 @!p0 $0x1BF5;
	p2 =	por !p2, p0  }
0x20: {  	[sflag:s8] =	ssyncset.s32 @!p0 $0xFFFFF086;
	s6 =	sadd.s32 @!p0 s3, s7;
	s7 =	simm.s32 @!p0 $0x108  }
0x21: {  	s3 =	sadd.s32 s3, s9;
	s6 =	sadd.s32 @!p0 $0x88, s6;
	s7 =	simm.s32 @p2 $0x1082  }
0x22: {  	[simem:s7], [sflag:s8] =	dma.local @!p0 [hbm:s6], $0xF7A  }
0x23: {  	s9 =	sor.u32 $0xD0000000, s2;
	s6 =	simm.s32 $0x108;
	_ =	swait.ge @!p0 [sflag:s8], $0x0  }
0x24: {  	s3 =	sadd.s32 $0x88, s3;
	s6 =	simm.s32 @!p1 $0x1082;
	[sflag:s4] =	ssyncset.s32 $0xFFFFF086  }
0x25: {  	[simem:s6], [sflag:s4] =	dma.local [hbm:s3], $0xF7A  }
0x26: {  	[smem:$0x3F96] =	sst s1;
	(tag) =	ssettag s2;
	_ =	strace s9  }
0x27: {  	s1 =	sld [smem:$0x3FA6]  }
0x28: {  	s2 =	sld [smem:$0x3FA7]  }
0x29: {  	s4 =	sld [smem:$0x3FA9]  }
0x2a: {  	p0 =	seq.s32 s5, $0x0;
	s5 =	sld [smem:$0x3FAA]  }
0x2b: {  	s6 =	sld [smem:$0x3FAB]  }
0x2c: {  	s7 =	sld [smem:$0x3FAC]  }
0x2d: {  	s3 =	simm.s32 $0x108;
	s8 =	sld [smem:$0x3FAD]  }
0x2e: {  	s3 =	simm.s32 @!p0 $0x1082;
	s9 =	sld [smem:$0x3FAE]  }
0x2f: {  	lr =	sadd.s32 s0, s3;
	s0 =	sld [smem:$0x3FA5]  }
0x30: {  	s3 =	sld [smem:$0x3FA8]  }
0x31: {  	[smem:$0x3FB1] =	sst s10  }
0x32: {  	s10 =	sld [smem:$0x3FAF];
	_ =	sdelay $0x3  }
0x33: {  	p0 =	seq.s32 s10, $0x1;
	s10 =	sld [smem:$0x3FB1];
	_ =	sdelay $0x3  }
0x34: {  	[smem:$0x3FB1] =	sst s10  }
0x35: {  	s10 =	sld [smem:$0x3FB0];
	_ =	sdelay $0x3  }
0x36: {  	p1 =	seq.s32 s10, $0x1;
	s10 =	sld [smem:$0x3FB1];
	_ =	sdelay $0x3  }
0x37: {  	[smem:$0x3FB1] =	sst s10  }
0x38: {  	s10 =	sld [smem:$0x3FB2]  }
0x39: {  	_ = 	snop;
	(pc) =	sbr.ind lr, $3  }
0x3a: {  	_ = 	snop  }
0x3b: {  	_ = 	snop  }
0x3c: {  	p2 =	seq.s32 s10, $0x1;
	s10 =	sld [smem:$0x3FB1]  }
0x3d: {  	_ =	shalt  }
0x3e: {  	_ =	shalt  }
0x3f: {  	_ =	shalt  }
0x40: {  	_ =	shalt  }
0x41: {  	_ =	shalt  }
0x42: {  	_ =	shalt  }
0x43: {  	_ =	shalt  }
0x44: {  	_ =	shalt  }
0x45: {  	_ =	shalt  }
0x46: {  	_ =	shalt  }
0x47: {  	_ =	shalt  }
0x48: {  	_ =	shalt  }
0x49: {  	_ =	shalt  }
0x4a: {  	_ =	shalt  }
0x4b: {  	_ =	shalt  }
0x4c: {  	_ =	shalt  }
0x4d: {  	_ =	shalt  }
0x4e: {  	_ =	shalt  }
0x4f: {  	_ =	shalt  }
0x50: {  	_ =	shalt  }
0x51: {  	_ =	shalt  }
0x52: {  	_ =	shalt  }
0x53: {  	_ =	shalt  }
0x54: {  	_ =	shalt  }
0x55: {  	_ =	shalt  }
0x56: {  	_ =	shalt  }
0x57: {  	_ =	shalt  }
0x58: {  	_ =	shalt  }
0x59: {  	_ =	shalt  }
0x5a: {  	_ =	shalt  }
0x5b: {  	_ =	shalt  }
0x5c: {  	_ =	shalt  }
0x5d: {  	_ =	shalt  }
0x5e: {  	_ =	shalt  }
0x5f: {  	_ =	shalt  }
0x60: {  	_ =	shalt  }
0x61: {  	_ =	shalt  }
0x62: {  	_ =	shalt  }
0x63: {  	_ =	shalt  }
0x64: {  	_ =	shalt  }
0x65: {  	_ =	shalt  }
0x66: {  	_ =	shalt  }
0x67: {  	_ =	shalt  }
0x68: {  	_ =	shalt  }
0x69: {  	_ =	shalt  }
0x6a: {  	_ =	shalt  }
0x6b: {  	_ =	shalt  }
0x6c: {  	_ =	shalt  }
0x6d: {  	_ =	shalt  }
0x6e: {  	_ =	shalt  }
0x6f: {  	_ =	shalt  }
0x70: {  	_ =	shalt  }
0x71: {  	_ =	shalt  }
0x72: {  	_ =	shalt  }
0x73: {  	_ =	shalt  }
0x74: {  	_ =	shalt  }
0x75: {  	_ =	shalt  }
0x76: {  	_ =	shalt  }
0x77: {  	_ =	shalt  }
0x78: {  	_ =	shalt  }
0x79: {  	_ =	shalt  }
0x7a: {  	_ =	shalt  }
0x7b: {  	_ =	shalt  }
0x7c: {  	_ =	shalt  }
0x7d: {  	_ =	shalt  }
0x7e: {  	_ =	shalt  }
0x7f: {  	_ =	shalt  }
0x80: {  	_ =	shalt  }
0x81: {  	_ =	shalt  }
0x82: {  	_ =	shalt  }
0x83: {  	_ =	shalt  }
0x84: {  	_ =	shalt  }
0x85: {  	_ =	shalt  }
0x86: {  	_ =	shalt  }
0x87: {  	_ =	shalt  }
.Lfunc_end0:
.L_simem_size_0:
called_computation_lowered:
.L_overlay_start_0:
0x88: {  	s2 =	sld [smem:$0x3FD9]  }
0x89: {  	s3 =	sld [smem:$0x3FFE];
	_ =	sdelay $0x1  }
0x8a: {  	s1 =	srdreg.scid  }
0x8b: {  	s0 =	sand.u32 $0x1, s1  }
0x8c: {  	s14 =	sshll.u32 s0, $0xA;
	s2 =	sadd.s32 s3, s2  }
0x8d: {  	s2 =	sadd.s32 s2, s14  }
0x8e: {  	[smem:$0x3FBD] =	sst s2  }
0x8f: {  	_ = 	snop  }
0x90: {  	s2 =	sld [smem:$0x3FD0];
	_ =	sdelay $0x2  }
0x91: {  	s15 =	simm.s32 $0xA;
	s4 =	simm.s32 $0x10  }
0x92: {  	[smem:s4], [sflag:s15] =	dma.local [hbm:s2], $0x1  }
0x93: {  	_ =	swait.eq [sflag:s15], $0x1  }
0x94: {  	[sflag:s15] =	ssyncset.done $0x0  }
0x95: {  	[sflag:s15] =	ssyncadd.s32 $0xFFFFFFFF  }
0x96: {  	s16 =	sld [smem:$0x11];
	(tm) =	ssettm $0x1  }
0x97: {  	s17 =	sld [smem:$0x3FFB];
	_ =	sdelay $0x3  }
0x98: {  	_ =	strace s17  }
0x99: {  	s3 =	sld [smem:$0x3FFC];
	_ =	sdelay $0x3  }
0x9a: {  	_ =	strace s3  }
0x9b: {  	s3 =	sld [smem:$0x3FFD];
	_ =	sdelay $0x3  }
0x9c: {  	_ =	strace s3  }
0x9d: {  	_ =	strace $0x8FFFFFFF  }
0x9e: {  	s18 =	sld [smem:$0x3FDB];
	_ =	sdelay $0x1  }
0x9f: {  	s19 =	simm.s32 $_scs_section_size  }
0xa0: {  	s5 =	simm.s32 $_size__tile_overlayer_lowered;
	s6 =	simm.s32 $_tile_overlayer_lowered  }
0xa1: {  	s22 =	simm.s32 $0x1BFF;
	s21 =	sshll.u32 s6, $0x1;
	s3 =	sadd.s32 s19, s18  }
0xa2: {  	s7 =	simm.s32 $0x0;
	s20 =	sshll.u32 s5, $0x1;
	s5 =	sadd.s32 s21, s3  }
0xa3: {  	[timem:s7], [sflag:s22] =	dma.local [hbm:s5], s20  }
0xa4: {  	_ =	swait.ge [sflag:s22], s20  }
0xa5: {  	s4 =	ssub.s32 $0x0, s20;
	[sflag:s22] =	ssyncset.done $0x0  }
0xa6: {  	[sflag:s22] =	ssyncadd.s32 s4;
	_ =	sdelay $0x1  }
0xa7: {  	s23 =	simm.s32 $0x1B8B  }
0xa8: {  	_ =	swait.ge [sflag:s23], $0x1  }
0xa9: {  	[sflag:s23] =	ssyncset.done $0x0  }
0xaa: {  	s25 =	simm.s32 $0x1B8E;
	s24 =	sld [smem:$0x3FFE];
	[sflag:s23] =	ssyncadd.s32 $0xFFFFFFFF  }
0xab: {  	s26 =	simm.s32 $execute0_lowered;
	[smem:$0x3FD2] =	sst s25  }
0xac: {  	s5 =	sshll.u32 s26, $0x1;
	_ =	strace $0x80000046;
	[dreg:$0x1] =	wrdreg $0xFFFFFFFF  }
0xad: {  	s28 =	simm.s32 $_size_execute0_lowered;
	s3 =	sadd.s32 s3, s5;
	[dreg:$0x0] =	wrdreg $0x0  }
0xae: {  	s5 =	sshll.u32 s28, $0x1;
	[dreg:$0x2] =	wrdreg s3  }
0xaf: {  	[dreg:$0x3] =	wrdreg s5  }
0xb0: {  	[dreg:$0x4] =	wrdreg $0xC0  }
0xb1: {  	_ =	task [dreg:s7], $0x5FFFF  }
0xb2: {  	[dreg:$0x1] =	wrdreg $0xFFFFFFFF  }
0xb3: {  	[dreg:$0x0] =	wrdreg $0x60  }
0xb4: {  	[dreg:$0x2] =	wrdreg s24  }
0xb5: {  	[dreg:$0x3] =	wrdreg s16  }
0xb6: {  	[dreg:$0x4] =	wrdreg $0x9  }
0xb7: {  	_ =	task.clear_ibuf [dreg:s7], $0x5FFFF;
	_ =	strace $0x90000046  }
0xb8: {  	s29 =	simm.s32 $0x9;
	_ =	strace $0x80000048  }
0xb9: {  	_ =	swait.ge [sflag:s29], $0x1  }
0xba: {  	[sflag:s29] =	ssyncadd.s32 $0xFFFFFFFF  }
0xbb: {  	_ =	strace $0x90000048  }
0xbc: {  	_ =	sfence  }
0xbd: {  	s30 =	sld [smem:$0x0];
	_ =	sdelay $0x2  }
0xbe: {  	s31 =	sshll.u32 s1, $0xD;
	s1 =	sshrl.u32 s1, $0x2  }
0xbf: {  	s3 =	sand.u32 $0x4000, s31;
	s1 =	sadd.s32 s1, s30  }
0xc0: {  	s0 =	sor.u32 s3, s0;
	s1 =	sshll.u32 s1, $0x11  }
0xc1: {  	s0 =	sor.u32 s1, s0  }
0xc2: {  	s0 =	sadd.s32 $0x8F2B, s0  }
0xc3: {  	[sflag:s0] =	ssyncadd.remote.s32 $0x1  }
0xc4: {  	_ =	sfence.sel $0xFFFF  }
0xc5: {  	[dreg:$0x0] =	wrdreg $0xFFFFFFFF;
	(pc) =	sbr.abs _section_cstart, $3  }
0xc6: {  	[dreg:$0x1] =	wrdreg $0xFFFFFFFF  }
0xc7: {  	_ =	task.clear_ibuf [dreg:s7], $0x2FFFF;
	_ =	strace $0x9FFFFFFF  }
0xc8: {  	(tm) =	ssettm $0x7FFFFFFF  }
0xc9: {  	_ =	shalt  }
tec
execute0_lowered:
.L_overlay_start_1:
0x0: {  	(tag) =	ssettag $0x1  }
0x1: {  	s1 =	srdreg.scid  }
0x2: {  	s0 =	stileid.u32;
	s19 =	sand.u32 $0x1, s1  }
0x3: {  	s31 =	sshll.u32 s0, $0xA;
	s2 =	sshll.u32 s19, $0x9  }
0x4: {  	s14 =	rddreg [dreg:$0x0];
	s10 =	sor.u32 s2, s31  }
0x5: {  	s11 =	rddreg [dreg:$0x1];
	s2 =	simm.s32 $0x0;
	s3 =	sshll.u32 s10, $0x4  }
0x6: {  	s4 =	simm.s32 $0x200;
	[smem:$0x7FF] =	sst s2;
	s9 =	sadd.s32 s3, s14  }
0x7: {  	s1 =	rddreg [dreg:$0x2];
	_ =	strace $0x80000047;
	s3 =	sadd.s32 $0x2200, s9  }
0x8: {  	[tilespmem:s4], [sflag:$0x1] =	stream.linear.gather [hbm4b:s3+s2], $0x4000, $0x38;
	[tilespmem:$0x10200] =	vst v63  }
0x9: {  	s6 =	simm.s32 $0x4200;
	s5 =	sadd.s32 $0x2A00, s9  }
0xa: {  	[tilespmem:s6], [sflag:$0x1] =	stream.linear.gather [hbm4b:s5+s2], $0x4000, $0x38;
	[tilespmem:$0x10200] =	vst v63  }
0xb: {  	s8 =	simm.s32 $0x8200;
	s7 =	sadd.s32 $0x3200, s9  }
0xc: {  	[tilespmem:s8], [sflag:$0x1] =	stream.linear.gather [hbm4b:s7+s2], $0x4000, $0x38;
	[tilespmem:$0x10200] =	vst v63  }
0xd: {  	s12 =	sshrl.u32 s10, $0x3;
	s10 =	simm.s32 $0xC200;
	s9 =	sadd.s32 $0x3A00, s9  }
0xe: {  	[tilespmem:s10], [sflag:$0x1] =	stream.linear.gather [hbm4b:s9+s2], $0x4000, $0x38;
	[tilespmem:$0x10200] =	vst v63  }
0xf: {  	s11 =	sadd.s32 s11, s12;
	s12 =	simm.s32 $0x3  }
0x10: {  	[tilespmem:s2], [sflag:$0x3] =	stream.linear.gather [hbm4b:s11+s2], $0x200, $0x38;
	[tilespmem:$0x10200] =	vst v63  }
0x11: {  	_ =	swait.ge [sflag:s12], $0x200  }
0x12: {  	[sflag:s12] =	ssyncset.done $0x0  }
0x13: {  	s13 =	simm.s32 $0x1;
	[sflag:s12] =	ssyncadd.s32 $0xFFFFFE00  }
0x14: {  	_ =	swait.ge [sflag:s13], $0x4000  }
0x15: {  	[sflag:s13] =	ssyncset.done $0x0  }
0x16: {  	s15 =	simm.s32 $0x80;
	s14 =	sadd.s32 $0x42200, s14;
	[sflag:s13] =	ssyncadd.s32 $0xFFFFC000  }
0x17: {  	[hbm4b:s14+s15] =	stream.indirect.scatter [tilespmem:s4], [sflag:$0x2], $0x80, s2, s15, $0xb8;
	[tilespmem:$0x10200] =	vst v63  }
0x18: {  	_ =	swait.ge [sflag:s13], $0x4000  }
0x19: {  	[sflag:s13] =	ssyncset.done $0x0  }
0x1a: {  	[sflag:s13] =	ssyncadd.s32 $0xFFFFC000  }
0x1b: {  	[hbm4b:s14+s15] =	stream.indirect.scatter [tilespmem:s6], [sflag:$0x2], $0x80, s15, s15, $0xb8;
	[tilespmem:$0x10200] =	vst v63  }
0x1c: {  	_ =	swait.ge [sflag:s13], $0x4000  }
0x1d: {  	[sflag:s13] =	ssyncset.done $0x0  }
0x1e: {  	s16 =	simm.s32 $0x100;
	[sflag:s13] =	ssyncadd.s32 $0xFFFFC000  }
0x1f: {  	[hbm4b:s14+s15] =	stream.indirect.scatter [tilespmem:s8], [sflag:$0x2], $0x80, s16, s15, $0xb8;
	[tilespmem:$0x10200] =	vst v63  }
0x20: {  	_ =	swait.ge [sflag:s13], $0x4000  }
0x21: {  	[sflag:s13] =	ssyncset.done $0x0  }
0x22: {  	s18 =	simm.s32 $0x180;
	s17 =	simm.s32 $0x2;
	[sflag:s13] =	ssyncadd.s32 $0xFFFFC000  }
0x23: {  	[hbm4b:s14+s15] =	stream.indirect.scatter [tilespmem:s10], [sflag:$0x2], $0x80, s18, s15, $0xb8;
	[tilespmem:$0x10200] =	vst v63  }
0x24: {  	_ =	swait.ge [sflag:s17], $0x4000  }
0x25: {  	s19 =	ssub.s32 $0x2, s19;
	[sflag:s17] =	ssyncset.done $0x0  }
0x26: {  	s20 =	sshrl.u32 s19, $0x1;
	[sflag:s17] =	ssyncadd.s32 $0xFFFFC000  }
0x27: {  	s19 =	ssub.s32 s19, s20;
	_ =	swait.ge [sflag:s17], $0x4000  }
0x28: {  	s19 =	smax.u32 s19, $0x1;
	[sflag:s17] =	ssyncset.done $0x0  }
0x29: {  	p0 =	sne.s32 s19, $0x1;
	[sflag:s17] =	ssyncadd.s32 $0xFFFFC000  }
.Ltmp0:
0x2a: {  	_ =	swait.ge [sflag:s17], $0x4000;
	(pc) =	sbr.rel @!p0 .LBB2_2-.Ltmp0, $4  }
0x2b: {  	[sflag:s17] =	ssyncset.done $0x0  }
0x2c: {  	[sflag:s17] =	ssyncadd.s32 $0xFFFFC000  }
0x2d: {  	_ =	swait.ge [sflag:s17], $0x4000  }
0x2e: {  	s19 =	sadd.s32 $0xFFFFFFFF, s19;
	[sflag:s17] =	ssyncset.done $0x0  }
.LBB2_1:
0x2f: {  	p0 =	sne.s32 s19, $0x1;
	s19 =	sadd.s32 $0xFFFFFFFF, s19;
	[sflag:s17] =	ssyncadd.s32 $0xFFFFC000  }
0x30: {  	[tilespmem:s4], [sflag:$0x1] =	stream.linear.gather [hbm4b:s3+s2], $0x4000, $0x38;
	[tilespmem:$0x10200] =	vst v63  }
0x31: {  	_ = 	snop  }
0x32: {  	[tilespmem:s6], [sflag:$0x1] =	stream.linear.gather [hbm4b:s5+s2], $0x4000, $0x38;
	[tilespmem:$0x10200] =	vst v63  }
0x33: {  	_ = 	snop  }
0x34: {  	[tilespmem:s8], [sflag:$0x1] =	stream.linear.gather [hbm4b:s7+s2], $0x4000, $0x38;
	[tilespmem:$0x10200] =	vst v63  }
0x35: {  	_ = 	snop  }
0x36: {  	[tilespmem:s10], [sflag:$0x1] =	stream.linear.gather [hbm4b:s9+s2], $0x4000, $0x38;
	[tilespmem:$0x10200] =	vst v63  }
0x37: {  	_ = 	snop  }
0x38: {  	[tilespmem:s2], [sflag:$0x3] =	stream.linear.gather [hbm4b:s11+s2], $0x200, $0x38;
	[tilespmem:$0x10200] =	vst v63  }
0x39: {  	_ =	swait.ge [sflag:s12], $0x200  }
0x3a: {  	[sflag:s12] =	ssyncset.done $0x0  }
0x3b: {  	[sflag:s12] =	ssyncadd.s32 $0xFFFFFE00  }
0x3c: {  	_ =	swait.ge [sflag:s13], $0x4000  }
0x3d: {  	[sflag:s13] =	ssyncset.done $0x0  }
0x3e: {  	[sflag:s13] =	ssyncadd.s32 $0xFFFFC000  }
0x3f: {  	[hbm4b:s14+s15] =	stream.indirect.scatter [tilespmem:s4], [sflag:$0x2], $0x80, s2, s15, $0xb8;
	[tilespmem:$0x10200] =	vst v63  }
0x40: {  	_ =	swait.ge [sflag:s13], $0x4000  }
0x41: {  	[sflag:s13] =	ssyncset.done $0x0  }
0x42: {  	[sflag:s13] =	ssyncadd.s32 $0xFFFFC000  }
0x43: {  	[hbm4b:s14+s15] =	stream.indirect.scatter [tilespmem:s6], [sflag:$0x2], $0x80, s15, s15, $0xb8;
	[tilespmem:$0x10200] =	vst v63  }
0x44: {  	_ =	swait.ge [sflag:s13], $0x4000  }
0x45: {  	[sflag:s13] =	ssyncset.done $0x0  }
0x46: {  	[sflag:s13] =	ssyncadd.s32 $0xFFFFC000  }
0x47: {  	[hbm4b:s14+s15] =	stream.indirect.scatter [tilespmem:s8], [sflag:$0x2], $0x80, s16, s15, $0xb8;
	[tilespmem:$0x10200] =	vst v63  }
0x48: {  	_ =	swait.ge [sflag:s13], $0x4000  }
0x49: {  	[sflag:s13] =	ssyncset.done $0x0  }
0x4a: {  	[sflag:s13] =	ssyncadd.s32 $0xFFFFC000  }
0x4b: {  	[hbm4b:s14+s15] =	stream.indirect.scatter [tilespmem:s10], [sflag:$0x2], $0x80, s18, s15, $0xb8;
	[tilespmem:$0x10200] =	vst v63  }
0x4c: {  	_ =	swait.ge [sflag:s17], $0x4000  }
0x4d: {  	[sflag:s17] =	ssyncset.done $0x0  }
0x4e: {  	[sflag:s17] =	ssyncadd.s32 $0xFFFFC000  }
0x4f: {  	_ =	swait.ge [sflag:s17], $0x4000  }
0x50: {  	[sflag:s17] =	ssyncset.done $0x0  }
0x51: {  	[sflag:s17] =	ssyncadd.s32 $0xFFFFC000  }
.Ltmp1:
0x52: {  	_ =	swait.ge [sflag:s17], $0x4000;
	(pc) =	sbr.rel @p0 .LBB2_1-.Ltmp1, $4  }
0x53: {  	[sflag:s17] =	ssyncset.done $0x0  }
0x54: {  	[sflag:s17] =	ssyncadd.s32 $0xFFFFC000  }
0x55: {  	_ =	swait.ge [sflag:s17], $0x4000  }
0x56: {  	[sflag:s17] =	ssyncset.done $0x0  }
.LBB2_2:
0x57: {  	[sflag:s17] =	ssyncadd.s32 $0xFFFFC000  }
0x58: {  	_ =	sfence.sel $0x180000  }
0x59: {  	[bflag:$0x0] =	sbarrier.arrive $0xFFFF  }
0x5a: {  	p0 =	sne.s32 s0, $0x0;
	_ =	strace $0x90000047  }
0x5b: {  	s0 =	sadd.s32 @!p0 $0x100000, s1;
	[bflag:$0x2] =	sbarrier.arrive $0xFFFF  }
0x5c: {  	[sflag:s0] =	ssyncadd.tile.s32 @!p0 $0x1;
	_ =	shalt  }
.Lfunc_end2:
_tile_overlayer_lowered:
.L_overlay_start_2:
0x5d: {  	(tag) =	ssettag $0x2  }
0x5e: {  	s0 =	rddreg [dreg:$0x0];
	s2 =	stileid.u32  }
0x5f: {  	s1 =	rddreg [dreg:$0x1];
	p0 =	sne.s32 s2, $0x0  }
0x60: {  	s3 =	rddreg [dreg:$0x2];
	[bflag:$0x3] =	sbarrier.arrive $0xFFFF;
	s2 =	simm.s32 @!p0 $0x1C03  }
0x61: {  	[timem:s3], [sflag:s2] =	dma.local @!p0 [hbm:s0], s1  }
0x62: {  	s0 =	simm.s32 @!p0 $0x3  }
0x63: {  	_ =	swait.ge @!p0 [sflag:s0], s1  }
0x64: {  	s1 =	ssub.s32 @!p0 $0x0, s1;
	[sflag:s0] =	ssyncset.done @!p0 $0x0  }
0x65: {  	[sflag:s0] =	ssyncadd.s32 @!p0 s1  }
0x66: {  	[bflag:$0x3] =	sbarrier.arrive $0xFFFF  }
0x67: {  	_ =	shalt  }

</sc_bundles>
